<compile_context>
chip_gen: v7x
topology: tpu7x:2x2x1
jax: 0.10.2.dev20260603
libtpu: 0.0.44.dev20260713+nightly
codegen_flags: <defaults>
</compile_context>

<pallas_src>
import functools

import jax
import jax.numpy as jnp
from jax import lax
from jax.experimental import pallas as pl
from jax.experimental.pallas import tpu as pltpu
from jax.experimental.pallas import tpu_sc as plsc

C = 1000
B = 16384
NC, NS, L = 2, 16, 16
NW = NC * NS
BW = B // NW
CBLK = 64
NCHUNK = C // CBLK
CTAIL = C - NCHUNK * CBLK
NBUF = 3

_mesh = plsc.VectorSubcoreMesh(core_axis_name="c", subcore_axis_name="s")


@functools.partial(
    pl.kernel,
    mesh=_mesh,
    out_type=jax.ShapeDtypeStruct((C, B), jnp.float32),
    scratch_types=[
        pltpu.VMEM((BW,), jnp.int32),
        pltpu.VMEM((CBLK, BW), jnp.float32),
        pltpu.VMEM((CBLK, BW), jnp.float32),
        pltpu.VMEM((CBLK, BW), jnp.float32),
        pltpu.VMEM((CTAIL, BW), jnp.float32),
        pltpu.SemaphoreType.DMA,
        pltpu.SemaphoreType.DMA,
        pltpu.SemaphoreType.DMA,
        pltpu.SemaphoreType.DMA,
    ],
    compiler_params=pltpu.CompilerParams(needs_layout_passes=False),
)
def _onehot_sc(y_hbm, out_hbm, idx_v, buf0, buf1, buf2, buft,
               sem0, sem1, sem2, semt):
    sid = lax.axis_index("s")
    wid = sid * NC + lax.axis_index("c")
    base = wid * BW
    pltpu.sync_copy(y_hbm.at[pl.ds(base, BW)], idx_v)

    zeros16 = jnp.zeros((L,), jnp.float32)
    ones16 = jnp.ones((L,), jnp.float32)
    iota = lax.iota(jnp.int32, L)

    def zero_buf(buf, rows):
        def body(i, carry):
            for r in range(rows):
                buf[r, pl.ds(i * L, L)] = zeros16
            return carry

        lax.fori_loop(0, BW // L, body, 0)

    def scatter(buf, c0, width, val16):
        def body(k, carry):
            y16 = idx_v[pl.ds(k * L, L)]
            row = y16 - c0
            col = iota + k * L
            mask = (y16 >= c0) & (y16 < c0 + width)
            plsc.store_scatter(buf, [row, col], val16, mask=mask)
            return carry

        lax.fori_loop(0, BW // L, body, 0)

    bufs = (buf0, buf1, buf2)
    sems = (sem0, sem1, sem2)
    copies = [None, None, None]
    for cc in range(NCHUNK):
        bsel = cc % NBUF
        buf, sem = bufs[bsel], sems[bsel]
        if cc < NBUF:
            zero_buf(buf, CBLK)
        else:
            copies[bsel].wait()
            scatter(buf, (cc - NBUF) * CBLK, CBLK, zeros16)
        scatter(buf, cc * CBLK, CBLK, ones16)
        dst = out_hbm.at[pl.ds(cc * CBLK, CBLK), pl.ds(base, BW)]
        copies[bsel] = pltpu.async_copy(buf, dst, sem)
    zero_buf(buft, CTAIL)
    scatter(buft, NCHUNK * CBLK, CTAIL, ones16)
    dstt = out_hbm.at[pl.ds(NCHUNK * CBLK, CTAIL), pl.ds(base, BW)]
    tcopy = pltpu.async_copy(buft, dstt, semt)
    for cp in copies:
        cp.wait()
    tcopy.wait()


def kernel(y_n):
    return _onehot_sc(y_n).T

# --- scband reference (transcript-rebuilt; emitter-appended) ---
"""Pipeline reference for scband-one-hot-encoded-targets-31937376813362 (READ-ONLY COPY).

The authoritative reference and input builder live on the scoring server;
editing this copy changes nothing except your own understanding.
"""

import jax, jax.numpy as jnp
import numpy as np

NUM_CLASSES = 1000  # len(unique_cell_types_nparray)
BATCH = 16384


def setup_inputs(seed: int = 0) -> dict:
    key = jax.random.key(seed)
    # y_n in the original module is an array of string cell-type names; each name is
    # mapped to an integer index via np.where on the unique_cell_types array.
    # We model that lookup result directly as integer class indices.
    y_n = jax.random.randint(key, (BATCH,), 0, NUM_CLASSES, dtype=jnp.int32)
    return {"y_n": y_n}


def reference(y_n):
    # Faithful translation of:
    #   out_array = np.zeros((len(y_n), num_classes), dtype=int)
    #   for i, target in enumerate(y_n): out_array[i, target_index] = 1
    # i.e. a scatter-overwrite building a one-hot matrix.
    B = y_n.shape[0]
    out = jnp.zeros((B, NUM_CLASSES), dtype=jnp.float32)
    out = out.at[jnp.arange(B), y_n].set(1.0)
    return out

if __name__ == "__main__":
    import jax
    _d = setup_inputs()
    print(jax.jit(kernel)(*tuple(_d.values())))

</pallas_src>

<mosaic_0001>
#map = affine_map<(d0, d1) -> (0)>
#map1 = affine_map<(d0, d1) -> (0, 0)>
module attributes {stable_mosaic.version = 14 : i64} {
  func.func @_onehot_sc(%arg0: i32, %arg1: i32, %arg2: memref<16384xi32, #tpu.memory_space<hbm>>, %arg3: memref<1000x16384xf32, #tpu.memory_space<hbm>>, %arg4: memref<512xi32, #tpu.memory_space<vmem>>, %arg5: memref<64x512xf32, #tpu.memory_space<vmem>>, %arg6: memref<64x512xf32, #tpu.memory_space<vmem>>, %arg7: memref<64x512xf32, #tpu.memory_space<vmem>>, %arg8: memref<40x512xf32, #tpu.memory_space<vmem>>, %arg9: memref<!tpu.dma_semaphore, #tpu.memory_space<semaphore_mem>>, %arg10: memref<!tpu.dma_semaphore, #tpu.memory_space<semaphore_mem>>, %arg11: memref<!tpu.dma_semaphore, #tpu.memory_space<semaphore_mem>>, %arg12: memref<!tpu.dma_semaphore, #tpu.memory_space<semaphore_mem>>) attributes {dimension_semantics = [#tpu.dimension_semantics<core_parallel>, #tpu.dimension_semantics<subcore_parallel>], iteration_bounds = array<i64: 2, 16>, scalar_prefetch = 0 : i64, scratch_operands = 9 : i64, tpu.core_type = #tpu.core_type<sc_vector_subcore>, window_params = [{transform_indices = #map}, {transform_indices = #map1}]} {
    %mul3A = arith.constant 2 : i32
    %mul3A_0 = arith.muli %arg1, %mul3A : i32
    %add3A = arith.addi %mul3A_0, %arg0 : i32
    %mul3A_1 = arith.constant 512 : i32
    %mul3A_2 = arith.muli %add3A, %mul3A_1 : i32
    "tpu.region"() ({
      %run_scoped3A = tpu.sem_alloc : memref<!tpu.dma_semaphore, #tpu.memory_space<semaphore_mem>>
      %dma_start3A_323 = tpu.memref_slice %arg2[%mul3A_2] : memref<16384xi32, #tpu.memory_space<hbm>> -> memref<512xi32, #tpu.memory_space<hbm>>
      %dma_start3A_324 = tpu.memref_slice %arg2[%mul3A_2] : memref<16384xi32, #tpu.memory_space<hbm>> -> memref<512xi32, #tpu.memory_space<hbm>>
      tpu.enqueue_dma source(%dma_start3A_324 : memref<512xi32, #tpu.memory_space<hbm>>) target(%arg4 : memref<512xi32, #tpu.memory_space<vmem>>) target_semaphore(%run_scoped3A : memref<!tpu.dma_semaphore, #tpu.memory_space<semaphore_mem>>)
      %dma_wait3A_325 = tpu.memref_slice %arg2[%mul3A_2] : memref<16384xi32, #tpu.memory_space<hbm>> -> memref<512xi32, #tpu.memory_space<hbm>>
      %dma_wait3A_326 = tpu.memref_slice %arg2[%mul3A_2] : memref<16384xi32, #tpu.memory_space<hbm>> -> memref<512xi32, #tpu.memory_space<hbm>>
      tpu.wait_dma2 semaphore(%run_scoped3A : memref<!tpu.dma_semaphore, #tpu.memory_space<semaphore_mem>>) src(%dma_wait3A_326 : memref<512xi32, #tpu.memory_space<hbm>>) dst(%arg4 : memref<512xi32, #tpu.memory_space<vmem>>)
      tpu.yield
    }) : () -> ()
    %broadcast_in_dim3A = arith.constant 0.000000e+00 : f32
    %broadcast_in_dim3A_3 = vector.broadcast %broadcast_in_dim3A : f32 to vector<16xf32>
    %broadcast_in_dim3A_4 = arith.constant 1.000000e+00 : f32
    %broadcast_in_dim3A_5 = vector.broadcast %broadcast_in_dim3A_4 : f32 to vector<16xf32>
    %iota3A = tpu.iota {dimensions = array<i32: 0>} : vector<16xi32>
    %scan3A = arith.constant 0 : i32
    %scan3A_6 = arith.constant 0 : i32
    %scan3A_7 = arith.constant 32 : i32
    %scan3A_8 = arith.addi %scan3A_6, %scan3A_7 : i32
    %scan3A_9 = arith.constant 1 : i32
    scf.for %scan3A_323 = %scan3A_6 to %scan3A_8 step %scan3A_9  : i32 {
      %mul3A_324 = arith.constant 16 : i32
      %mul3A_325 = arith.muli %scan3A_323, %mul3A_324 : i32
      %swap3A = arith.constant 0 : i32
      %swap3A_326 = arith.index_cast %swap3A : i32 to index
      %swap3A_327 = arith.index_cast %mul3A_325 : i32 to index
      %swap3A_328 = tpu.vector_load %arg5[%swap3A_326, %swap3A_327] {strides = array<i32>} : memref<64x512xf32, #tpu.memory_space<vmem>>, vector<16xf32>,
      tpu.vector_store %arg5[%swap3A_326, %swap3A_327], %broadcast_in_dim3A_3 {strides = array<i32>} : memref<64x512xf32, #tpu.memory_space<vmem>>, vector<16xf32>,
      %mul3A_329 = arith.constant 16 : i32
      %mul3A_330 = arith.muli %scan3A_323, %mul3A_329 : i32
      %swap3A_331 = arith.constant 1 : i32
      %swap3A_332 = arith.index_cast %swap3A_331 : i32 to index
      %swap3A_333 = arith.index_cast %mul3A_330 : i32 to index
      %swap3A_334 = tpu.vector_load %arg5[%swap3A_332, %swap3A_333] {strides = array<i32>} : memref<64x512xf32, #tpu.memory_space<vmem>>, vector<16xf32>,
      tpu.vector_store %arg5[%swap3A_332, %swap3A_333], %broadcast_in_dim3A_3 {strides = array<i32>} : memref<64x512xf32, #tpu.memory_space<vmem>>, vector<16xf32>,
      %mul3A_335 = arith.constant 16 : i32
      %mul3A_336 = arith.muli %scan3A_323, %mul3A_335 : i32
      %swap3A_337 = arith.constant 2 : i32
      %swap3A_338 = arith.index_cast %swap3A_337 : i32 to index
      %swap3A_339 = arith.index_cast %mul3A_336 : i32 to index
      %swap3A_340 = tpu.vector_load %arg5[%swap3A_338, %swap3A_339] {strides = array<i32>} : memref<64x512xf32, #tpu.memory_space<vmem>>, vector<16xf32>,
      tpu.vector_store %arg5[%swap3A_338, %swap3A_339], %broadcast_in_dim3A_3 {strides = array<i32>} : memref<64x512xf32, #tpu.memory_space<vmem>>, vector<16xf32>,
      %mul3A_341 = arith.constant 16 : i32
      %mul3A_342 = arith.muli %scan3A_323, %mul3A_341 : i32
      %swap3A_343 = arith.constant 3 : i32
      %swap3A_344 = arith.index_cast %swap3A_343 : i32 to index
      %swap3A_345 = arith.index_cast %mul3A_342 : i32 to index
      %swap3A_346 = tpu.vector_load %arg5[%swap3A_344, %swap3A_345] {strides = array<i32>} : memref<64x512xf32, #tpu.memory_space<vmem>>, vector<16xf32>,
      tpu.vector_store %arg5[%swap3A_344, %swap3A_345], %broadcast_in_dim3A_3 {strides = array<i32>} : memref<64x512xf32, #tpu.memory_space<vmem>>, vector<16xf32>,
      %mul3A_347 = arith.constant 16 : i32
      %mul3A_348 = arith.muli %scan3A_323, %mul3A_347 : i32
      %swap3A_349 = arith.constant 4 : i32
      %swap3A_350 = arith.index_cast %swap3A_349 : i32 to index
      %swap3A_351 = arith.index_cast %mul3A_348 : i32 to index
      %swap3A_352 = tpu.vector_load %arg5[%swap3A_350, %swap3A_351] {strides = array<i32>} : memref<64x512xf32, #tpu.memory_space<vmem>>, vector<16xf32>,
      tpu.vector_store %arg5[%swap3A_350, %swap3A_351], %broadcast_in_dim3A_3 {strides = array<i32>} : memref<64x512xf32, #tpu.memory_space<vmem>>, vector<16xf32>,
      %mul3A_353 = arith.constant 16 : i32
      %mul3A_354 = arith.muli %scan3A_323, %mul3A_353 : i32
      %swap3A_355 = arith.constant 5 : i32
      %swap3A_356 = arith.index_cast %swap3A_355 : i32 to index
      %swap3A_357 = arith.index_cast %mul3A_354 : i32 to index
      %swap3A_358 = tpu.vector_load %arg5[%swap3A_356, %swap3A_357] {strides = array<i32>} : memref<64x512xf32, #tpu.memory_space<vmem>>, vector<16xf32>,
      tpu.vector_store %arg5[%swap3A_356, %swap3A_357], %broadcast_in_dim3A_3 {strides = array<i32>} : memref<64x512xf32, #tpu.memory_space<vmem>>, vector<16xf32>,
      %mul3A_359 = arith.constant 16 : i32
      %mul3A_360 = arith.muli %scan3A_323, %mul3A_359 : i32
      %swap3A_361 = arith.constant 6 : i32
      %swap3A_362 = arith.index_cast %swap3A_361 : i32 to index
      %swap3A_363 = arith.index_cast %mul3A_360 : i32 to index
      %swap3A_364 = tpu.vector_load %arg5[%swap3A_362, %swap3A_363] {strides = array<i32>} : memref<64x512xf32, #tpu.memory_space<vmem>>, vector<16xf32>,
      tpu.vector_store %arg5[%swap3A_362, %swap3A_363], %broadcast_in_dim3A_3 {strides = array<i32>} : memref<64x512xf32, #tpu.memory_space<vmem>>, vector<16xf32>,
      %mul3A_365 = arith.constant 16 : i32
      %mul3A_366 = arith.muli %scan3A_323, %mul3A_365 : i32
      %swap3A_367 = arith.constant 7 : i32
      %swap3A_368 = arith.index_cast %swap3A_367 : i32 to index
      %swap3A_369 = arith.index_cast %mul3A_366 : i32 to index
      %swap3A_370 = tpu.vector_load %arg5[%swap3A_368, %swap3A_369] {strides = array<i32>} : memref<64x512xf32, #tpu.memory_space<vmem>>, vector<16xf32>,
      tpu.vector_store %arg5[%swap3A_368, %swap3A_369], %broadcast_in_dim3A_3 {strides = array<i32>} : memref<64x512xf32, #tpu.memory_space<vmem>>, vector<16xf32>,
      %mul3A_371 = arith.constant 16 : i32
      %mul3A_372 = arith.muli %scan3A_323, %mul3A_371 : i32
      %swap3A_373 = arith.constant 8 : i32
      %swap3A_374 = arith.index_cast %swap3A_373 : i32 to index
      %swap3A_375 = arith.index_cast %mul3A_372 : i32 to index
      %swap3A_376 = tpu.vector_load %arg5[%swap3A_374, %swap3A_375] {strides = array<i32>} : memref<64x512xf32, #tpu.memory_space<vmem>>, vector<16xf32>,
      tpu.vector_store %arg5[%swap3A_374, %swap3A_375], %broadcast_in_dim3A_3 {strides = array<i32>} : memref<64x512xf32, #tpu.memory_space<vmem>>, vector<16xf32>,
      %mul3A_377 = arith.constant 16 : i32
      %mul3A_378 = arith.muli %scan3A_323, %mul3A_377 : i32
      %swap3A_379 = arith.constant 9 : i32
      %swap3A_380 = arith.index_cast %swap3A_379 : i32 to index
      %swap3A_381 = arith.index_cast %mul3A_378 : i32 to index
      %swap3A_382 = tpu.vector_load %arg5[%swap3A_380, %swap3A_381] {strides = array<i32>} : memref<64x512xf32, #tpu.memory_space<vmem>>, vector<16xf32>,
      tpu.vector_store %arg5[%swap3A_380, %swap3A_381], %broadcast_in_dim3A_3 {strides = array<i32>} : memref<64x512xf32, #tpu.memory_space<vmem>>, vector<16xf32>,
      %mul3A_383 = arith.constant 16 : i32
      %mul3A_384 = arith.muli %scan3A_323, %mul3A_383 : i32
      %swap3A_385 = arith.constant 10 : i32
      %swap3A_386 = arith.index_cast %swap3A_385 : i32 to index
      %swap3A_387 = arith.index_cast %mul3A_384 : i32 to index
      %swap3A_388 = tpu.vector_load %arg5[%swap3A_386, %swap3A_387] {strides = array<i32>} : memref<64x512xf32, #tpu.memory_space<vmem>>, vector<16xf32>,
      tpu.vector_store %arg5[%swap3A_386, %swap3A_387], %broadcast_in_dim3A_3 {strides = array<i32>} : memref<64x512xf32, #tpu.memory_space<vmem>>, vector<16xf32>,
      %mul3A_389 = arith.constant 16 : i32
      %mul3A_390 = arith.muli %scan3A_323, %mul3A_389 : i32
      %swap3A_391 = arith.constant 11 : i32
      %swap3A_392 = arith.index_cast %swap3A_391 : i32 to index
      %swap3A_393 = arith.index_cast %mul3A_390 : i32 to index
      %swap3A_394 = tpu.vector_load %arg5[%swap3A_392, %swap3A_393] {strides = array<i32>} : memref<64x512xf32, #tpu.memory_space<vmem>>, vector<16xf32>,
      tpu.vector_store %arg5[%swap3A_392, %swap3A_393], %broadcast_in_dim3A_3 {strides = array<i32>} : memref<64x512xf32, #tpu.memory_space<vmem>>, vector<16xf32>,
      %mul3A_395 = arith.constant 16 : i32
      %mul3A_396 = arith.muli %scan3A_323, %mul3A_395 : i32
      %swap3A_397 = arith.constant 12 : i32
      %swap3A_398 = arith.index_cast %swap3A_397 : i32 to index
      %swap3A_399 = arith.index_cast %mul3A_396 : i32 to index
      %swap3A_400 = tpu.vector_load %arg5[%swap3A_398, %swap3A_399] {strides = array<i32>} : memref<64x512xf32, #tpu.memory_space<vmem>>, vector<16xf32>,
      tpu.vector_store %arg5[%swap3A_398, %swap3A_399], %broadcast_in_dim3A_3 {strides = array<i32>} : memref<64x512xf32, #tpu.memory_space<vmem>>, vector<16xf32>,
      %mul3A_401 = arith.constant 16 : i32
      %mul3A_402 = arith.muli %scan3A_323, %mul3A_401 : i32
      %swap3A_403 = arith.constant 13 : i32
      %swap3A_404 = arith.index_cast %swap3A_403 : i32 to index
      %swap3A_405 = arith.index_cast %mul3A_402 : i32 to index
      %swap3A_406 = tpu.vector_load %arg5[%swap3A_404, %swap3A_405] {strides = array<i32>} : memref<64x512xf32, #tpu.memory_space<vmem>>, vector<16xf32>,
      tpu.vector_store %arg5[%swap3A_404, %swap3A_405], %broadcast_in_dim3A_3 {strides = array<i32>} : memref<64x512xf32, #tpu.memory_space<vmem>>, vector<16xf32>,
      %mul3A_407 = arith.constant 16 : i32
      %mul3A_408 = arith.muli %scan3A_323, %mul3A_407 : i32
      %swap3A_409 = arith.constant 14 : i32
      %swap3A_410 = arith.index_cast %swap3A_409 : i32 to index
      %swap3A_411 = arith.index_cast %mul3A_408 : i32 to index
      %swap3A_412 = tpu.vector_load %arg5[%swap3A_410, %swap3A_411] {strides = array<i32>} : memref<64x512xf32, #tpu.memory_space<vmem>>, vector<16xf32>,
      tpu.vector_store %arg5[%swap3A_410, %swap3A_411], %broadcast_in_dim3A_3 {strides = array<i32>} : memref<64x512xf32, #tpu.memory_space<vmem>>, vector<16xf32>,
      %mul3A_413 = arith.constant 16 : i32
      %mul3A_414 = arith.muli %scan3A_323, %mul3A_413 : i32
      %swap3A_415 = arith.constant 15 : i32
      %swap3A_416 = arith.index_cast %swap3A_415 : i32 to index
      %swap3A_417 = arith.index_cast %mul3A_414 : i32 to index
      %swap3A_418 = tpu.vector_load %arg5[%swap3A_416, %swap3A_417] {strides = array<i32>} : memref<64x512xf32, #tpu.memory_space<vmem>>, vector<16xf32>,
      tpu.vector_store %arg5[%swap3A_416, %swap3A_417], %broadcast_in_dim3A_3 {strides = array<i32>} : memref<64x512xf32, #tpu.memory_space<vmem>>, vector<16xf32>,
      %mul3A_419 = arith.constant 16 : i32
      %mul3A_420 = arith.muli %scan3A_323, %mul3A_419 : i32
      %swap3A_421 = arith.constant 16 : i32
      %swap3A_422 = arith.index_cast %swap3A_421 : i32 to index
      %swap3A_423 = arith.index_cast %mul3A_420 : i32 to index
      %swap3A_424 = tpu.vector_load %arg5[%swap3A_422, %swap3A_423] {strides = array<i32>} : memref<64x512xf32, #tpu.memory_space<vmem>>, vector<16xf32>,
      tpu.vector_store %arg5[%swap3A_422, %swap3A_423], %broadcast_in_dim3A_3 {strides = array<i32>} : memref<64x512xf32, #tpu.memory_space<vmem>>, vector<16xf32>,
      %mul3A_425 = arith.constant 16 : i32
      %mul3A_426 = arith.muli %scan3A_323, %mul3A_425 : i32
      %swap3A_427 = arith.constant 17 : i32
      %swap3A_428 = arith.index_cast %swap3A_427 : i32 to index
      %swap3A_429 = arith.index_cast %mul3A_426 : i32 to index
      %swap3A_430 = tpu.vector_load %arg5[%swap3A_428, %swap3A_429] {strides = array<i32>} : memref<64x512xf32, #tpu.memory_space<vmem>>, vector<16xf32>,
      tpu.vector_store %arg5[%swap3A_428, %swap3A_429], %broadcast_in_dim3A_3 {strides = array<i32>} : memref<64x512xf32, #tpu.memory_space<vmem>>, vector<16xf32>,
      %mul3A_431 = arith.constant 16 : i32
      %mul3A_432 = arith.muli %scan3A_323, %mul3A_431 : i32
      %swap3A_433 = arith.constant 18 : i32
      %swap3A_434 = arith.index_cast %swap3A_433 : i32 to index
      %swap3A_435 = arith.index_cast %mul3A_432 : i32 to index
      %swap3A_436 = tpu.vector_load %arg5[%swap3A_434, %swap3A_435] {strides = array<i32>} : memref<64x512xf32, #tpu.memory_space<vmem>>, vector<16xf32>,
      tpu.vector_store %arg5[%swap3A_434, %swap3A_435], %broadcast_in_dim3A_3 {strides = array<i32>} : memref<64x512xf32, #tpu.memory_space<vmem>>, vector<16xf32>,
      %mul3A_437 = arith.constant 16 : i32
      %mul3A_438 = arith.muli %scan3A_323, %mul3A_437 : i32
      %swap3A_439 = arith.constant 19 : i32
      %swap3A_440 = arith.index_cast %swap3A_439 : i32 to index
      %swap3A_441 = arith.index_cast %mul3A_438 : i32 to index
      %swap3A_442 = tpu.vector_load %arg5[%swap3A_440, %swap3A_441] {strides = array<i32>} : memref<64x512xf32, #tpu.memory_space<vmem>>, vector<16xf32>,
      tpu.vector_store %arg5[%swap3A_440, %swap3A_441], %broadcast_in_dim3A_3 {strides = array<i32>} : memref<64x512xf32, #tpu.memory_space<vmem>>, vector<16xf32>,
      %mul3A_443 = arith.constant 16 : i32
      %mul3A_444 = arith.muli %scan3A_323, %mul3A_443 : i32
      %swap3A_445 = arith.constant 20 : i32
      %swap3A_446 = arith.index_cast %swap3A_445 : i32 to index
      %swap3A_447 = arith.index_cast %mul3A_444 : i32 to index
      %swap3A_448 = tpu.vector_load %arg5[%swap3A_446, %swap3A_447] {strides = array<i32>} : memref<64x512xf32, #tpu.memory_space<vmem>>, vector<16xf32>,
      tpu.vector_store %arg5[%swap3A_446, %swap3A_447], %broadcast_in_dim3A_3 {strides = array<i32>} : memref<64x512xf32, #tpu.memory_space<vmem>>, vector<16xf32>,
      %mul3A_449 = arith.constant 16 : i32
      %mul3A_450 = arith.muli %scan3A_323, %mul3A_449 : i32
      %swap3A_451 = arith.constant 21 : i32
      %swap3A_452 = arith.index_cast %swap3A_451 : i32 to index
      %swap3A_453 = arith.index_cast %mul3A_450 : i32 to index
      %swap3A_454 = tpu.vector_load %arg5[%swap3A_452, %swap3A_453] {strides = array<i32>} : memref<64x512xf32, #tpu.memory_space<vmem>>, vector<16xf32>,
      tpu.vector_store %arg5[%swap3A_452, %swap3A_453], %broadcast_in_dim3A_3 {strides = array<i32>} : memref<64x512xf32, #tpu.memory_space<vmem>>, vector<16xf32>,
      %mul3A_455 = arith.constant 16 : i32
      %mul3A_456 = arith.muli %scan3A_323, %mul3A_455 : i32
      %swap3A_457 = arith.constant 22 : i32
      %swap3A_458 = arith.index_cast %swap3A_457 : i32 to index
      %swap3A_459 = arith.index_cast %mul3A_456 : i32 to index
      %swap3A_460 = tpu.vector_load %arg5[%swap3A_458, %swap3A_459] {strides = array<i32>} : memref<64x512xf32, #tpu.memory_space<vmem>>, vector<16xf32>,
      tpu.vector_store %arg5[%swap3A_458, %swap3A_459], %broadcast_in_dim3A_3 {strides = array<i32>} : memref<64x512xf32, #tpu.memory_space<vmem>>, vector<16xf32>,
      %mul3A_461 = arith.constant 16 : i32
      %mul3A_462 = arith.muli %scan3A_323, %mul3A_461 : i32
      %swap3A_463 = arith.constant 23 : i32
      %swap3A_464 = arith.index_cast %swap3A_463 : i32 to index
      %swap3A_465 = arith.index_cast %mul3A_462 : i32 to index
      %swap3A_466 = tpu.vector_load %arg5[%swap3A_464, %swap3A_465] {strides = array<i32>} : memref<64x512xf32, #tpu.memory_space<vmem>>, vector<16xf32>,
      tpu.vector_store %arg5[%swap3A_464, %swap3A_465], %broadcast_in_dim3A_3 {strides = array<i32>} : memref<64x512xf32, #tpu.memory_space<vmem>>, vector<16xf32>,
      %mul3A_467 = arith.constant 16 : i32
      %mul3A_468 = arith.muli %scan3A_323, %mul3A_467 : i32
      %swap3A_469 = arith.constant 24 : i32
      %swap3A_470 = arith.index_cast %swap3A_469 : i32 to index
      %swap3A_471 = arith.index_cast %mul3A_468 : i32 to index
      %swap3A_472 = tpu.vector_load %arg5[%swap3A_470, %swap3A_471] {strides = array<i32>} : memref<64x512xf32, #tpu.memory_space<vmem>>, vector<16xf32>,
      tpu.vector_store %arg5[%swap3A_470, %swap3A_471], %broadcast_in_dim3A_3 {strides = array<i32>} : memref<64x512xf32, #tpu.memory_space<vmem>>, vector<16xf32>,
      %mul3A_473 = arith.constant 16 : i32
      %mul3A_474 = arith.muli %scan3A_323, %mul3A_473 : i32
      %swap3A_475 = arith.constant 25 : i32
      %swap3A_476 = arith.index_cast %swap3A_475 : i32 to index
      %swap3A_477 = arith.index_cast %mul3A_474 : i32 to index
      %swap3A_478 = tpu.vector_load %arg5[%swap3A_476, %swap3A_477] {strides = array<i32>} : memref<64x512xf32, #tpu.memory_space<vmem>>, vector<16xf32>,
      tpu.vector_store %arg5[%swap3A_476, %swap3A_477], %broadcast_in_dim3A_3 {strides = array<i32>} : memref<64x512xf32, #tpu.memory_space<vmem>>, vector<16xf32>,
      %mul3A_479 = arith.constant 16 : i32
      %mul3A_480 = arith.muli %scan3A_323, %mul3A_479 : i32
      %swap3A_481 = arith.constant 26 : i32
      %swap3A_482 = arith.index_cast %swap3A_481 : i32 to index
      %swap3A_483 = arith.index_cast %mul3A_480 : i32 to index
      %swap3A_484 = tpu.vector_load %arg5[%swap3A_482, %swap3A_483] {strides = array<i32>} : memref<64x512xf32, #tpu.memory_space<vmem>>, vector<16xf32>,
      tpu.vector_store %arg5[%swap3A_482, %swap3A_483], %broadcast_in_dim3A_3 {strides = array<i32>} : memref<64x512xf32, #tpu.memory_space<vmem>>, vector<16xf32>,
      %mul3A_485 = arith.constant 16 : i32
      %mul3A_486 = arith.muli %scan3A_323, %mul3A_485 : i32
      %swap3A_487 = arith.constant 27 : i32
      %swap3A_488 = arith.index_cast %swap3A_487 : i32 to index
      %swap3A_489 = arith.index_cast %mul3A_486 : i32 to index
      %swap3A_490 = tpu.vector_load %arg5[%swap3A_488, %swap3A_489] {strides = array<i32>} : memref<64x512xf32, #tpu.memory_space<vmem>>, vector<16xf32>,
      tpu.vector_store %arg5[%swap3A_488, %swap3A_489], %broadcast_in_dim3A_3 {strides = array<i32>} : memref<64x512xf32, #tpu.memory_space<vmem>>, vector<16xf32>,
      %mul3A_491 = arith.constant 16 : i32
      %mul3A_492 = arith.muli %scan3A_323, %mul3A_491 : i32
      %swap3A_493 = arith.constant 28 : i32
      %swap3A_494 = arith.index_cast %swap3A_493 : i32 to index
      %swap3A_495 = arith.index_cast %mul3A_492 : i32 to index
      %swap3A_496 = tpu.vector_load %arg5[%swap3A_494, %swap3A_495] {strides = array<i32>} : memref<64x512xf32, #tpu.memory_space<vmem>>, vector<16xf32>,
      tpu.vector_store %arg5[%swap3A_494, %swap3A_495], %broadcast_in_dim3A_3 {strides = array<i32>} : memref<64x512xf32, #tpu.memory_space<vmem>>, vector<16xf32>,
      %mul3A_497 = arith.constant 16 : i32
      %mul3A_498 = arith.muli %scan3A_323, %mul3A_497 : i32
      %swap3A_499 = arith.constant 29 : i32
      %swap3A_500 = arith.index_cast %swap3A_499 : i32 to index
      %swap3A_501 = arith.index_cast %mul3A_498 : i32 to index
      %swap3A_502 = tpu.vector_load %arg5[%swap3A_500, %swap3A_501] {strides = array<i32>} : memref<64x512xf32, #tpu.memory_space<vmem>>, vector<16xf32>,
      tpu.vector_store %arg5[%swap3A_500, %swap3A_501], %broadcast_in_dim3A_3 {strides = array<i32>} : memref<64x512xf32, #tpu.memory_space<vmem>>, vector<16xf32>,
      %mul3A_503 = arith.constant 16 : i32
      %mul3A_504 = arith.muli %scan3A_323, %mul3A_503 : i32
      %swap3A_505 = arith.constant 30 : i32
      %swap3A_506 = arith.index_cast %swap3A_505 : i32 to index
      %swap3A_507 = arith.index_cast %mul3A_504 : i32 to index
      %swap3A_508 = tpu.vector_load %arg5[%swap3A_506, %swap3A_507] {strides = array<i32>} : memref<64x512xf32, #tpu.memory_space<vmem>>, vector<16xf32>,
      tpu.vector_store %arg5[%swap3A_506, %swap3A_507], %broadcast_in_dim3A_3 {strides = array<i32>} : memref<64x512xf32, #tpu.memory_space<vmem>>, vector<16xf32>,
      %mul3A_509 = arith.constant 16 : i32
      %mul3A_510 = arith.muli %scan3A_323, %mul3A_509 : i32
      %swap3A_511 = arith.constant 31 : i32
      %swap3A_512 = arith.index_cast %swap3A_511 : i32 to index
      %swap3A_513 = arith.index_cast %mul3A_510 : i32 to index
      %swap3A_514 = tpu.vector_load %arg5[%swap3A_512, %swap3A_513] {strides = array<i32>} : memref<64x512xf32, #tpu.memory_space<vmem>>, vector<16xf32>,
      tpu.vector_store %arg5[%swap3A_512, %swap3A_513], %broadcast_in_dim3A_3 {strides = array<i32>} : memref<64x512xf32, #tpu.memory_space<vmem>>, vector<16xf32>,
      %mul3A_515 = arith.constant 16 : i32
      %mul3A_516 = arith.muli %scan3A_323, %mul3A_515 : i32
      %swap3A_517 = arith.constant 32 : i32
      %swap3A_518 = arith.index_cast %swap3A_517 : i32 to index
      %swap3A_519 = arith.index_cast %mul3A_516 : i32 to index
      %swap3A_520 = tpu.vector_load %arg5[%swap3A_518, %swap3A_519] {strides = array<i32>} : memref<64x512xf32, #tpu.memory_space<vmem>>, vector<16xf32>,
      tpu.vector_store %arg5[%swap3A_518, %swap3A_519], %broadcast_in_dim3A_3 {strides = array<i32>} : memref<64x512xf32, #tpu.memory_space<vmem>>, vector<16xf32>,
      %mul3A_521 = arith.constant 16 : i32
      %mul3A_522 = arith.muli %scan3A_323, %mul3A_521 : i32
      %swap3A_523 = arith.constant 33 : i32
      %swap3A_524 = arith.index_cast %swap3A_523 : i32 to index
      %swap3A_525 = arith.index_cast %mul3A_522 : i32 to index
      %swap3A_526 = tpu.vector_load %arg5[%swap3A_524, %swap3A_525] {strides = array<i32>} : memref<64x512xf32, #tpu.memory_space<vmem>>, vector<16xf32>,
      tpu.vector_store %arg5[%swap3A_524, %swap3A_525], %broadcast_in_dim3A_3 {strides = array<i32>} : memref<64x512xf32, #tpu.memory_space<vmem>>, vector<16xf32>,
      %mul3A_527 = arith.constant 16 : i32
      %mul3A_528 = arith.muli %scan3A_323, %mul3A_527 : i32
      %swap3A_529 = arith.constant 34 : i32
      %swap3A_530 = arith.index_cast %swap3A_529 : i32 to index
      %swap3A_531 = arith.index_cast %mul3A_528 : i32 to index
      %swap3A_532 = tpu.vector_load %arg5[%swap3A_530, %swap3A_531] {strides = array<i32>} : memref<64x512xf32, #tpu.memory_space<vmem>>, vector<16xf32>,
      tpu.vector_store %arg5[%swap3A_530, %swap3A_531], %broadcast_in_dim3A_3 {strides = array<i32>} : memref<64x512xf32, #tpu.memory_space<vmem>>, vector<16xf32>,
      %mul3A_533 = arith.constant 16 : i32
      %mul3A_534 = arith.muli %scan3A_323, %mul3A_533 : i32
      %swap3A_535 = arith.constant 35 : i32
      %swap3A_536 = arith.index_cast %swap3A_535 : i32 to index
      %swap3A_537 = arith.index_cast %mul3A_534 : i32 to index
      %swap3A_538 = tpu.vector_load %arg5[%swap3A_536, %swap3A_537] {strides = array<i32>} : memref<64x512xf32, #tpu.memory_space<vmem>>, vector<16xf32>,
      tpu.vector_store %arg5[%swap3A_536, %swap3A_537], %broadcast_in_dim3A_3 {strides = array<i32>} : memref<64x512xf32, #tpu.memory_space<vmem>>, vector<16xf32>,
      %mul3A_539 = arith.constant 16 : i32
      %mul3A_540 = arith.muli %scan3A_323, %mul3A_539 : i32
      %swap3A_541 = arith.constant 36 : i32
      %swap3A_542 = arith.index_cast %swap3A_541 : i32 to index
      %swap3A_543 = arith.index_cast %mul3A_540 : i32 to index
      %swap3A_544 = tpu.vector_load %arg5[%swap3A_542, %swap3A_543] {strides = array<i32>} : memref<64x512xf32, #tpu.memory_space<vmem>>, vector<16xf32>,
      tpu.vector_store %arg5[%swap3A_542, %swap3A_543], %broadcast_in_dim3A_3 {strides = array<i32>} : memref<64x512xf32, #tpu.memory_space<vmem>>, vector<16xf32>,
      %mul3A_545 = arith.constant 16 : i32
      %mul3A_546 = arith.muli %scan3A_323, %mul3A_545 : i32
      %swap3A_547 = arith.constant 37 : i32
      %swap3A_548 = arith.index_cast %swap3A_547 : i32 to index
      %swap3A_549 = arith.index_cast %mul3A_546 : i32 to index
      %swap3A_550 = tpu.vector_load %arg5[%swap3A_548, %swap3A_549] {strides = array<i32>} : memref<64x512xf32, #tpu.memory_space<vmem>>, vector<16xf32>,
      tpu.vector_store %arg5[%swap3A_548, %swap3A_549], %broadcast_in_dim3A_3 {strides = array<i32>} : memref<64x512xf32, #tpu.memory_space<vmem>>, vector<16xf32>,
      %mul3A_551 = arith.constant 16 : i32
      %mul3A_552 = arith.muli %scan3A_323, %mul3A_551 : i32
      %swap3A_553 = arith.constant 38 : i32
      %swap3A_554 = arith.index_cast %swap3A_553 : i32 to index
      %swap3A_555 = arith.index_cast %mul3A_552 : i32 to index
      %swap3A_556 = tpu.vector_load %arg5[%swap3A_554, %swap3A_555] {strides = array<i32>} : memref<64x512xf32, #tpu.memory_space<vmem>>, vector<16xf32>,
      tpu.vector_store %arg5[%swap3A_554, %swap3A_555], %broadcast_in_dim3A_3 {strides = array<i32>} : memref<64x512xf32, #tpu.memory_space<vmem>>, vector<16xf32>,
      %mul3A_557 = arith.constant 16 : i32
      %mul3A_558 = arith.muli %scan3A_323, %mul3A_557 : i32
      %swap3A_559 = arith.constant 39 : i32
      %swap3A_560 = arith.index_cast %swap3A_559 : i32 to index
      %swap3A_561 = arith.index_cast %mul3A_558 : i32 to index
      %swap3A_562 = tpu.vector_load %arg5[%swap3A_560, %swap3A_561] {strides = array<i32>} : memref<64x512xf32, #tpu.memory_space<vmem>>, vector<16xf32>,
      tpu.vector_store %arg5[%swap3A_560, %swap3A_561], %broadcast_in_dim3A_3 {strides = array<i32>} : memref<64x512xf32, #tpu.memory_space<vmem>>, vector<16xf32>,
      %mul3A_563 = arith.constant 16 : i32
      %mul3A_564 = arith.muli %scan3A_323, %mul3A_563 : i32
      %swap3A_565 = arith.constant 40 : i32
      %swap3A_566 = arith.index_cast %swap3A_565 : i32 to index
      %swap3A_567 = arith.index_cast %mul3A_564 : i32 to index
      %swap3A_568 = tpu.vector_load %arg5[%swap3A_566, %swap3A_567] {strides = array<i32>} : memref<64x512xf32, #tpu.memory_space<vmem>>, vector<16xf32>,
      tpu.vector_store %arg5[%swap3A_566, %swap3A_567], %broadcast_in_dim3A_3 {strides = array<i32>} : memref<64x512xf32, #tpu.memory_space<vmem>>, vector<16xf32>,
      %mul3A_569 = arith.constant 16 : i32
      %mul3A_570 = arith.muli %scan3A_323, %mul3A_569 : i32
      %swap3A_571 = arith.constant 41 : i32
      %swap3A_572 = arith.index_cast %swap3A_571 : i32 to index
      %swap3A_573 = arith.index_cast %mul3A_570 : i32 to index
      %swap3A_574 = tpu.vector_load %arg5[%swap3A_572, %swap3A_573] {strides = array<i32>} : memref<64x512xf32, #tpu.memory_space<vmem>>, vector<16xf32>,
      tpu.vector_store %arg5[%swap3A_572, %swap3A_573], %broadcast_in_dim3A_3 {strides = array<i32>} : memref<64x512xf32, #tpu.memory_space<vmem>>, vector<16xf32>,
      %mul3A_575 = arith.constant 16 : i32
      %mul3A_576 = arith.muli %scan3A_323, %mul3A_575 : i32
      %swap3A_577 = arith.constant 42 : i32
      %swap3A_578 = arith.index_cast %swap3A_577 : i32 to index
      %swap3A_579 = arith.index_cast %mul3A_576 : i32 to index
      %swap3A_580 = tpu.vector_load %arg5[%swap3A_578, %swap3A_579] {strides = array<i32>} : memref<64x512xf32, #tpu.memory_space<vmem>>, vector<16xf32>,
      tpu.vector_store %arg5[%swap3A_578, %swap3A_579], %broadcast_in_dim3A_3 {strides = array<i32>} : memref<64x512xf32, #tpu.memory_space<vmem>>, vector<16xf32>,
      %mul3A_581 = arith.constant 16 : i32
      %mul3A_582 = arith.muli %scan3A_323, %mul3A_581 : i32
      %swap3A_583 = arith.constant 43 : i32
      %swap3A_584 = arith.index_cast %swap3A_583 : i32 to index
      %swap3A_585 = arith.index_cast %mul3A_582 : i32 to index
      %swap3A_586 = tpu.vector_load %arg5[%swap3A_584, %swap3A_585] {strides = array<i32>} : memref<64x512xf32, #tpu.memory_space<vmem>>, vector<16xf32>,
      tpu.vector_store %arg5[%swap3A_584, %swap3A_585], %broadcast_in_dim3A_3 {strides = array<i32>} : memref<64x512xf32, #tpu.memory_space<vmem>>, vector<16xf32>,
      %mul3A_587 = arith.constant 16 : i32
      %mul3A_588 = arith.muli %scan3A_323, %mul3A_587 : i32
      %swap3A_589 = arith.constant 44 : i32
      %swap3A_590 = arith.index_cast %swap3A_589 : i32 to index
      %swap3A_591 = arith.index_cast %mul3A_588 : i32 to index
      %swap3A_592 = tpu.vector_load %arg5[%swap3A_590, %swap3A_591] {strides = array<i32>} : memref<64x512xf32, #tpu.memory_space<vmem>>, vector<16xf32>,
      tpu.vector_store %arg5[%swap3A_590, %swap3A_591], %broadcast_in_dim3A_3 {strides = array<i32>} : memref<64x512xf32, #tpu.memory_space<vmem>>, vector<16xf32>,
      %mul3A_593 = arith.constant 16 : i32
      %mul3A_594 = arith.muli %scan3A_323, %mul3A_593 : i32
      %swap3A_595 = arith.constant 45 : i32
      %swap3A_596 = arith.index_cast %swap3A_595 : i32 to index
      %swap3A_597 = arith.index_cast %mul3A_594 : i32 to index
      %swap3A_598 = tpu.vector_load %arg5[%swap3A_596, %swap3A_597] {strides = array<i32>} : memref<64x512xf32, #tpu.memory_space<vmem>>, vector<16xf32>,
      tpu.vector_store %arg5[%swap3A_596, %swap3A_597], %broadcast_in_dim3A_3 {strides = array<i32>} : memref<64x512xf32, #tpu.memory_space<vmem>>, vector<16xf32>,
      %mul3A_599 = arith.constant 16 : i32
      %mul3A_600 = arith.muli %scan3A_323, %mul3A_599 : i32
      %swap3A_601 = arith.constant 46 : i32
      %swap3A_602 = arith.index_cast %swap3A_601 : i32 to index
      %swap3A_603 = arith.index_cast %mul3A_600 : i32 to index
      %swap3A_604 = tpu.vector_load %arg5[%swap3A_602, %swap3A_603] {strides = array<i32>} : memref<64x512xf32, #tpu.memory_space<vmem>>, vector<16xf32>,
      tpu.vector_store %arg5[%swap3A_602, %swap3A_603], %broadcast_in_dim3A_3 {strides = array<i32>} : memref<64x512xf32, #tpu.memory_space<vmem>>, vector<16xf32>,
      %mul3A_605 = arith.constant 16 : i32
      %mul3A_606 = arith.muli %scan3A_323, %mul3A_605 : i32
      %swap3A_607 = arith.constant 47 : i32
      %swap3A_608 = arith.index_cast %swap3A_607 : i32 to index
      %swap3A_609 = arith.index_cast %mul3A_606 : i32 to index
      %swap3A_610 = tpu.vector_load %arg5[%swap3A_608, %swap3A_609] {strides = array<i32>} : memref<64x512xf32, #tpu.memory_space<vmem>>, vector<16xf32>,
      tpu.vector_store %arg5[%swap3A_608, %swap3A_609], %broadcast_in_dim3A_3 {strides = array<i32>} : memref<64x512xf32, #tpu.memory_space<vmem>>, vector<16xf32>,
      %mul3A_611 = arith.constant 16 : i32
      %mul3A_612 = arith.muli %scan3A_323, %mul3A_611 : i32
      %swap3A_613 = arith.constant 48 : i32
      %swap3A_614 = arith.index_cast %swap3A_613 : i32 to index
      %swap3A_615 = arith.index_cast %mul3A_612 : i32 to index
      %swap3A_616 = tpu.vector_load %arg5[%swap3A_614, %swap3A_615] {strides = array<i32>} : memref<64x512xf32, #tpu.memory_space<vmem>>, vector<16xf32>,
      tpu.vector_store %arg5[%swap3A_614, %swap3A_615], %broadcast_in_dim3A_3 {strides = array<i32>} : memref<64x512xf32, #tpu.memory_space<vmem>>, vector<16xf32>,
      %mul3A_617 = arith.constant 16 : i32
      %mul3A_618 = arith.muli %scan3A_323, %mul3A_617 : i32
      %swap3A_619 = arith.constant 49 : i32
      %swap3A_620 = arith.index_cast %swap3A_619 : i32 to index
      %swap3A_621 = arith.index_cast %mul3A_618 : i32 to index
      %swap3A_622 = tpu.vector_load %arg5[%swap3A_620, %swap3A_621] {strides = array<i32>} : memref<64x512xf32, #tpu.memory_space<vmem>>, vector<16xf32>,
      tpu.vector_store %arg5[%swap3A_620, %swap3A_621], %broadcast_in_dim3A_3 {strides = array<i32>} : memref<64x512xf32, #tpu.memory_space<vmem>>, vector<16xf32>,
      %mul3A_623 = arith.constant 16 : i32
      %mul3A_624 = arith.muli %scan3A_323, %mul3A_623 : i32
      %swap3A_625 = arith.constant 50 : i32
      %swap3A_626 = arith.index_cast %swap3A_625 : i32 to index
      %swap3A_627 = arith.index_cast %mul3A_624 : i32 to index
      %swap3A_628 = tpu.vector_load %arg5[%swap3A_626, %swap3A_627] {strides = array<i32>} : memref<64x512xf32, #tpu.memory_space<vmem>>, vector<16xf32>,
      tpu.vector_store %arg5[%swap3A_626, %swap3A_627], %broadcast_in_dim3A_3 {strides = array<i32>} : memref<64x512xf32, #tpu.memory_space<vmem>>, vector<16xf32>,
      %mul3A_629 = arith.constant 16 : i32
      %mul3A_630 = arith.muli %scan3A_323, %mul3A_629 : i32
      %swap3A_631 = arith.constant 51 : i32
      %swap3A_632 = arith.index_cast %swap3A_631 : i32 to index
      %swap3A_633 = arith.index_cast %mul3A_630 : i32 to index
      %swap3A_634 = tpu.vector_load %arg5[%swap3A_632, %swap3A_633] {strides = array<i32>} : memref<64x512xf32, #tpu.memory_space<vmem>>, vector<16xf32>,
      tpu.vector_store %arg5[%swap3A_632, %swap3A_633], %broadcast_in_dim3A_3 {strides = array<i32>} : memref<64x512xf32, #tpu.memory_space<vmem>>, vector<16xf32>,
      %mul3A_635 = arith.constant 16 : i32
      %mul3A_636 = arith.muli %scan3A_323, %mul3A_635 : i32
      %swap3A_637 = arith.constant 52 : i32
      %swap3A_638 = arith.index_cast %swap3A_637 : i32 to index
      %swap3A_639 = arith.index_cast %mul3A_636 : i32 to index
      %swap3A_640 = tpu.vector_load %arg5[%swap3A_638, %swap3A_639] {strides = array<i32>} : memref<64x512xf32, #tpu.memory_space<vmem>>, vector<16xf32>,
      tpu.vector_store %arg5[%swap3A_638, %swap3A_639], %broadcast_in_dim3A_3 {strides = array<i32>} : memref<64x512xf32, #tpu.memory_space<vmem>>, vector<16xf32>,
      %mul3A_641 = arith.constant 16 : i32
      %mul3A_642 = arith.muli %scan3A_323, %mul3A_641 : i32
      %swap3A_643 = arith.constant 53 : i32
      %swap3A_644 = arith.index_cast %swap3A_643 : i32 to index
      %swap3A_645 = arith.index_cast %mul3A_642 : i32 to index
      %swap3A_646 = tpu.vector_load %arg5[%swap3A_644, %swap3A_645] {strides = array<i32>} : memref<64x512xf32, #tpu.memory_space<vmem>>, vector<16xf32>,
      tpu.vector_store %arg5[%swap3A_644, %swap3A_645], %broadcast_in_dim3A_3 {strides = array<i32>} : memref<64x512xf32, #tpu.memory_space<vmem>>, vector<16xf32>,
      %mul3A_647 = arith.constant 16 : i32
      %mul3A_648 = arith.muli %scan3A_323, %mul3A_647 : i32
      %swap3A_649 = arith.constant 54 : i32
      %swap3A_650 = arith.index_cast %swap3A_649 : i32 to index
      %swap3A_651 = arith.index_cast %mul3A_648 : i32 to index
      %swap3A_652 = tpu.vector_load %arg5[%swap3A_650, %swap3A_651] {strides = array<i32>} : memref<64x512xf32, #tpu.memory_space<vmem>>, vector<16xf32>,
      tpu.vector_store %arg5[%swap3A_650, %swap3A_651], %broadcast_in_dim3A_3 {strides = array<i32>} : memref<64x512xf32, #tpu.memory_space<vmem>>, vector<16xf32>,
      %mul3A_653 = arith.constant 16 : i32
      %mul3A_654 = arith.muli %scan3A_323, %mul3A_653 : i32
      %swap3A_655 = arith.constant 55 : i32
      %swap3A_656 = arith.index_cast %swap3A_655 : i32 to index
      %swap3A_657 = arith.index_cast %mul3A_654 : i32 to index
      %swap3A_658 = tpu.vector_load %arg5[%swap3A_656, %swap3A_657] {strides = array<i32>} : memref<64x512xf32, #tpu.memory_space<vmem>>, vector<16xf32>,
      tpu.vector_store %arg5[%swap3A_656, %swap3A_657], %broadcast_in_dim3A_3 {strides = array<i32>} : memref<64x512xf32, #tpu.memory_space<vmem>>, vector<16xf32>,
      %mul3A_659 = arith.constant 16 : i32
      %mul3A_660 = arith.muli %scan3A_323, %mul3A_659 : i32
      %swap3A_661 = arith.constant 56 : i32
      %swap3A_662 = arith.index_cast %swap3A_661 : i32 to index
      %swap3A_663 = arith.index_cast %mul3A_660 : i32 to index
      %swap3A_664 = tpu.vector_load %arg5[%swap3A_662, %swap3A_663] {strides = array<i32>} : memref<64x512xf32, #tpu.memory_space<vmem>>, vector<16xf32>,
      tpu.vector_store %arg5[%swap3A_662, %swap3A_663], %broadcast_in_dim3A_3 {strides = array<i32>} : memref<64x512xf32, #tpu.memory_space<vmem>>, vector<16xf32>,
      %mul3A_665 = arith.constant 16 : i32
      %mul3A_666 = arith.muli %scan3A_323, %mul3A_665 : i32
      %swap3A_667 = arith.constant 57 : i32
      %swap3A_668 = arith.index_cast %swap3A_667 : i32 to index
      %swap3A_669 = arith.index_cast %mul3A_666 : i32 to index
      %swap3A_670 = tpu.vector_load %arg5[%swap3A_668, %swap3A_669] {strides = array<i32>} : memref<64x512xf32, #tpu.memory_space<vmem>>, vector<16xf32>,
      tpu.vector_store %arg5[%swap3A_668, %swap3A_669], %broadcast_in_dim3A_3 {strides = array<i32>} : memref<64x512xf32, #tpu.memory_space<vmem>>, vector<16xf32>,
      %mul3A_671 = arith.constant 16 : i32
      %mul3A_672 = arith.muli %scan3A_323, %mul3A_671 : i32
      %swap3A_673 = arith.constant 58 : i32
      %swap3A_674 = arith.index_cast %swap3A_673 : i32 to index
      %swap3A_675 = arith.index_cast %mul3A_672 : i32 to index
      %swap3A_676 = tpu.vector_load %arg5[%swap3A_674, %swap3A_675] {strides = array<i32>} : memref<64x512xf32, #tpu.memory_space<vmem>>, vector<16xf32>,
      tpu.vector_store %arg5[%swap3A_674, %swap3A_675], %broadcast_in_dim3A_3 {strides = array<i32>} : memref<64x512xf32, #tpu.memory_space<vmem>>, vector<16xf32>,
      %mul3A_677 = arith.constant 16 : i32
      %mul3A_678 = arith.muli %scan3A_323, %mul3A_677 : i32
      %swap3A_679 = arith.constant 59 : i32
      %swap3A_680 = arith.index_cast %swap3A_679 : i32 to index
      %swap3A_681 = arith.index_cast %mul3A_678 : i32 to index
      %swap3A_682 = tpu.vector_load %arg5[%swap3A_680, %swap3A_681] {strides = array<i32>} : memref<64x512xf32, #tpu.memory_space<vmem>>, vector<16xf32>,
      tpu.vector_store %arg5[%swap3A_680, %swap3A_681], %broadcast_in_dim3A_3 {strides = array<i32>} : memref<64x512xf32, #tpu.memory_space<vmem>>, vector<16xf32>,
      %mul3A_683 = arith.constant 16 : i32
      %mul3A_684 = arith.muli %scan3A_323, %mul3A_683 : i32
      %swap3A_685 = arith.constant 60 : i32
      %swap3A_686 = arith.index_cast %swap3A_685 : i32 to index
      %swap3A_687 = arith.index_cast %mul3A_684 : i32 to index
      %swap3A_688 = tpu.vector_load %arg5[%swap3A_686, %swap3A_687] {strides = array<i32>} : memref<64x512xf32, #tpu.memory_space<vmem>>, vector<16xf32>,
      tpu.vector_store %arg5[%swap3A_686, %swap3A_687], %broadcast_in_dim3A_3 {strides = array<i32>} : memref<64x512xf32, #tpu.memory_space<vmem>>, vector<16xf32>,
      %mul3A_689 = arith.constant 16 : i32
      %mul3A_690 = arith.muli %scan3A_323, %mul3A_689 : i32
      %swap3A_691 = arith.constant 61 : i32
      %swap3A_692 = arith.index_cast %swap3A_691 : i32 to index
      %swap3A_693 = arith.index_cast %mul3A_690 : i32 to index
      %swap3A_694 = tpu.vector_load %arg5[%swap3A_692, %swap3A_693] {strides = array<i32>} : memref<64x512xf32, #tpu.memory_space<vmem>>, vector<16xf32>,
      tpu.vector_store %arg5[%swap3A_692, %swap3A_693], %broadcast_in_dim3A_3 {strides = array<i32>} : memref<64x512xf32, #tpu.memory_space<vmem>>, vector<16xf32>,
      %mul3A_695 = arith.constant 16 : i32
      %mul3A_696 = arith.muli %scan3A_323, %mul3A_695 : i32
      %swap3A_697 = arith.constant 62 : i32
      %swap3A_698 = arith.index_cast %swap3A_697 : i32 to index
      %swap3A_699 = arith.index_cast %mul3A_696 : i32 to index
      %swap3A_700 = tpu.vector_load %arg5[%swap3A_698, %swap3A_699] {strides = array<i32>} : memref<64x512xf32, #tpu.memory_space<vmem>>, vector<16xf32>,
      tpu.vector_store %arg5[%swap3A_698, %swap3A_699], %broadcast_in_dim3A_3 {strides = array<i32>} : memref<64x512xf32, #tpu.memory_space<vmem>>, vector<16xf32>,
      %mul3A_701 = arith.constant 16 : i32
      %mul3A_702 = arith.muli %scan3A_323, %mul3A_701 : i32
      %swap3A_703 = arith.constant 63 : i32
      %swap3A_704 = arith.index_cast %swap3A_703 : i32 to index
      %swap3A_705 = arith.index_cast %mul3A_702 : i32 to index
      %swap3A_706 = tpu.vector_load %arg5[%swap3A_704, %swap3A_705] {strides = array<i32>} : memref<64x512xf32, #tpu.memory_space<vmem>>, vector<16xf32>,
      tpu.vector_store %arg5[%swap3A_704, %swap3A_705], %broadcast_in_dim3A_3 {strides = array<i32>} : memref<64x512xf32, #tpu.memory_space<vmem>>, vector<16xf32>,
    }
    %scan3A_10 = arith.constant 32 : i32
    %scan3A_11 = arith.constant 0 : i32
    %scan3A_12 = arith.constant 0 : i32
    %scan3A_13 = arith.constant 32 : i32
    %scan3A_14 = arith.addi %scan3A_12, %scan3A_13 : i32
    %scan3A_15 = arith.constant 1 : i32
    scf.for %scan3A_323 = %scan3A_12 to %scan3A_14 step %scan3A_15  : i32 {
      %mul3A_324 = arith.constant 16 : i32
      %mul3A_325 = arith.muli %scan3A_323, %mul3A_324 : i32
      %get3A = arith.index_cast %mul3A_325 : i32 to index
      %get3A_326 = tpu.vector_load %arg4[%get3A] {strides = array<i32>} : memref<512xi32, #tpu.memory_space<vmem>>, vector<16xi32>,
      %sub3A = arith.constant 0 : i32
      %sub3A_327 = vector.broadcast %sub3A : i32 to vector<16xi32>
      %sub3A_328 = arith.subi %get3A_326, %sub3A_327 : vector<16xi32>
      %mul3A_329 = arith.constant 16 : i32
      %mul3A_330 = arith.muli %scan3A_323, %mul3A_329 : i32
      %add3A_331 = vector.broadcast %mul3A_330 : i32 to vector<16xi32>
      %add3A_332 = arith.addi %iota3A, %add3A_331 : vector<16xi32>
      %ge3A = arith.constant 0 : i32
      %ge3A_333 = vector.broadcast %ge3A : i32 to vector<16xi32>
      %ge3A_334 = arith.cmpi sge, %get3A_326, %ge3A_333 : vector<16xi32>
      %lt3A = arith.constant 64 : i32
      %lt3A_335 = vector.broadcast %lt3A : i32 to vector<16xi32>
      %lt3A_336 = arith.cmpi slt, %get3A_326, %lt3A_335 : vector<16xi32>
      %and3A = arith.andi %ge3A_334, %lt3A_336 : vector<16xi1>
      tpu.vector_store_idx %arg5[%sub3A_328, %add3A_332], %broadcast_in_dim3A_5 masked %and3A : memref<64x512xf32, #tpu.memory_space<vmem>>[vector<16xi32>, vector<16xi32>], vector<16xf32>, vector<16xi1>
    }
    %scan3A_16 = arith.constant 32 : i32
    %dma_start3A = arith.constant 0 : i32
    %dma_start3A_17 = tpu.memref_slice %arg3[%dma_start3A, %mul3A_2] : memref<1000x16384xf32, #tpu.memory_space<hbm>> -> memref<64x512xf32, #tpu.memory_space<hbm>>
    %dma_start3A_18 = arith.constant 0 : i32
    %dma_start3A_19 = tpu.memref_slice %arg3[%dma_start3A_18, %mul3A_2] : memref<1000x16384xf32, #tpu.memory_space<hbm>> -> memref<64x512xf32, #tpu.memory_space<hbm>>
    tpu.enqueue_dma source(%arg5 : memref<64x512xf32, #tpu.memory_space<vmem>>) target(%dma_start3A_19 : memref<64x512xf32, #tpu.memory_space<hbm>>) target_semaphore(%arg9 : memref<!tpu.dma_semaphore, #tpu.memory_space<semaphore_mem>>)
    %scan3A_20 = arith.constant 0 : i32
    %scan3A_21 = arith.constant 0 : i32
    %scan3A_22 = arith.constant 32 : i32
    %scan3A_23 = arith.addi %scan3A_21, %scan3A_22 : i32
    %scan3A_24 = arith.constant 1 : i32
    scf.for %scan3A_323 = %scan3A_21 to %scan3A_23 step %scan3A_24  : i32 {
      %mul3A_324 = arith.constant 16 : i32
      %mul3A_325 = arith.muli %scan3A_323, %mul3A_324 : i32
      %swap3A = arith.constant 0 : i32
      %swap3A_326 = arith.index_cast %swap3A : i32 to index
      %swap3A_327 = arith.index_cast %mul3A_325 : i32 to index
      %swap3A_328 = tpu.vector_load %arg6[%swap3A_326, %swap3A_327] {strides = array<i32>} : memref<64x512xf32, #tpu.memory_space<vmem>>, vector<16xf32>,
      tpu.vector_store %arg6[%swap3A_326, %swap3A_327], %broadcast_in_dim3A_3 {strides = array<i32>} : memref<64x512xf32, #tpu.memory_space<vmem>>, vector<16xf32>,
      %mul3A_329 = arith.constant 16 : i32
      %mul3A_330 = arith.muli %scan3A_323, %mul3A_329 : i32
      %swap3A_331 = arith.constant 1 : i32
      %swap3A_332 = arith.index_cast %swap3A_331 : i32 to index
      %swap3A_333 = arith.index_cast %mul3A_330 : i32 to index
      %swap3A_334 = tpu.vector_load %arg6[%swap3A_332, %swap3A_333] {strides = array<i32>} : memref<64x512xf32, #tpu.memory_space<vmem>>, vector<16xf32>,
      tpu.vector_store %arg6[%swap3A_332, %swap3A_333], %broadcast_in_dim3A_3 {strides = array<i32>} : memref<64x512xf32, #tpu.memory_space<vmem>>, vector<16xf32>,
      %mul3A_335 = arith.constant 16 : i32
      %mul3A_336 = arith.muli %scan3A_323, %mul3A_335 : i32
      %swap3A_337 = arith.constant 2 : i32
      %swap3A_338 = arith.index_cast %swap3A_337 : i32 to index
      %swap3A_339 = arith.index_cast %mul3A_336 : i32 to index
      %swap3A_340 = tpu.vector_load %arg6[%swap3A_338, %swap3A_339] {strides = array<i32>} : memref<64x512xf32, #tpu.memory_space<vmem>>, vector<16xf32>,
      tpu.vector_store %arg6[%swap3A_338, %swap3A_339], %broadcast_in_dim3A_3 {strides = array<i32>} : memref<64x512xf32, #tpu.memory_space<vmem>>, vector<16xf32>,
      %mul3A_341 = arith.constant 16 : i32
      %mul3A_342 = arith.muli %scan3A_323, %mul3A_341 : i32
      %swap3A_343 = arith.constant 3 : i32
      %swap3A_344 = arith.index_cast %swap3A_343 : i32 to index
      %swap3A_345 = arith.index_cast %mul3A_342 : i32 to index
      %swap3A_346 = tpu.vector_load %arg6[%swap3A_344, %swap3A_345] {strides = array<i32>} : memref<64x512xf32, #tpu.memory_space<vmem>>, vector<16xf32>,
      tpu.vector_store %arg6[%swap3A_344, %swap3A_345], %broadcast_in_dim3A_3 {strides = array<i32>} : memref<64x512xf32, #tpu.memory_space<vmem>>, vector<16xf32>,
      %mul3A_347 = arith.constant 16 : i32
      %mul3A_348 = arith.muli %scan3A_323, %mul3A_347 : i32
      %swap3A_349 = arith.constant 4 : i32
      %swap3A_350 = arith.index_cast %swap3A_349 : i32 to index
      %swap3A_351 = arith.index_cast %mul3A_348 : i32 to index
      %swap3A_352 = tpu.vector_load %arg6[%swap3A_350, %swap3A_351] {strides = array<i32>} : memref<64x512xf32, #tpu.memory_space<vmem>>, vector<16xf32>,
      tpu.vector_store %arg6[%swap3A_350, %swap3A_351], %broadcast_in_dim3A_3 {strides = array<i32>} : memref<64x512xf32, #tpu.memory_space<vmem>>, vector<16xf32>,
      %mul3A_353 = arith.constant 16 : i32
      %mul3A_354 = arith.muli %scan3A_323, %mul3A_353 : i32
      %swap3A_355 = arith.constant 5 : i32
      %swap3A_356 = arith.index_cast %swap3A_355 : i32 to index
      %swap3A_357 = arith.index_cast %mul3A_354 : i32 to index
      %swap3A_358 = tpu.vector_load %arg6[%swap3A_356, %swap3A_357] {strides = array<i32>} : memref<64x512xf32, #tpu.memory_space<vmem>>, vector<16xf32>,
      tpu.vector_store %arg6[%swap3A_356, %swap3A_357], %broadcast_in_dim3A_3 {strides = array<i32>} : memref<64x512xf32, #tpu.memory_space<vmem>>, vector<16xf32>,
      %mul3A_359 = arith.constant 16 : i32
      %mul3A_360 = arith.muli %scan3A_323, %mul3A_359 : i32
      %swap3A_361 = arith.constant 6 : i32
      %swap3A_362 = arith.index_cast %swap3A_361 : i32 to index
      %swap3A_363 = arith.index_cast %mul3A_360 : i32 to index
      %swap3A_364 = tpu.vector_load %arg6[%swap3A_362, %swap3A_363] {strides = array<i32>} : memref<64x512xf32, #tpu.memory_space<vmem>>, vector<16xf32>,
      tpu.vector_store %arg6[%swap3A_362, %swap3A_363], %broadcast_in_dim3A_3 {strides = array<i32>} : memref<64x512xf32, #tpu.memory_space<vmem>>, vector<16xf32>,
      %mul3A_365 = arith.constant 16 : i32
      %mul3A_366 = arith.muli %scan3A_323, %mul3A_365 : i32
      %swap3A_367 = arith.constant 7 : i32
      %swap3A_368 = arith.index_cast %swap3A_367 : i32 to index
      %swap3A_369 = arith.index_cast %mul3A_366 : i32 to index
      %swap3A_370 = tpu.vector_load %arg6[%swap3A_368, %swap3A_369] {strides = array<i32>} : memref<64x512xf32, #tpu.memory_space<vmem>>, vector<16xf32>,
      tpu.vector_store %arg6[%swap3A_368, %swap3A_369], %broadcast_in_dim3A_3 {strides = array<i32>} : memref<64x512xf32, #tpu.memory_space<vmem>>, vector<16xf32>,
      %mul3A_371 = arith.constant 16 : i32
      %mul3A_372 = arith.muli %scan3A_323, %mul3A_371 : i32
      %swap3A_373 = arith.constant 8 : i32
      %swap3A_374 = arith.index_cast %swap3A_373 : i32 to index
      %swap3A_375 = arith.index_cast %mul3A_372 : i32 to index
      %swap3A_376 = tpu.vector_load %arg6[%swap3A_374, %swap3A_375] {strides = array<i32>} : memref<64x512xf32, #tpu.memory_space<vmem>>, vector<16xf32>,
      tpu.vector_store %arg6[%swap3A_374, %swap3A_375], %broadcast_in_dim3A_3 {strides = array<i32>} : memref<64x512xf32, #tpu.memory_space<vmem>>, vector<16xf32>,
      %mul3A_377 = arith.constant 16 : i32
      %mul3A_378 = arith.muli %scan3A_323, %mul3A_377 : i32
      %swap3A_379 = arith.constant 9 : i32
      %swap3A_380 = arith.index_cast %swap3A_379 : i32 to index
      %swap3A_381 = arith.index_cast %mul3A_378 : i32 to index
      %swap3A_382 = tpu.vector_load %arg6[%swap3A_380, %swap3A_381] {strides = array<i32>} : memref<64x512xf32, #tpu.memory_space<vmem>>, vector<16xf32>,
      tpu.vector_store %arg6[%swap3A_380, %swap3A_381], %broadcast_in_dim3A_3 {strides = array<i32>} : memref<64x512xf32, #tpu.memory_space<vmem>>, vector<16xf32>,
      %mul3A_383 = arith.constant 16 : i32
      %mul3A_384 = arith.muli %scan3A_323, %mul3A_383 : i32
      %swap3A_385 = arith.constant 10 : i32
      %swap3A_386 = arith.index_cast %swap3A_385 : i32 to index
      %swap3A_387 = arith.index_cast %mul3A_384 : i32 to index
      %swap3A_388 = tpu.vector_load %arg6[%swap3A_386, %swap3A_387] {strides = array<i32>} : memref<64x512xf32, #tpu.memory_space<vmem>>, vector<16xf32>,
      tpu.vector_store %arg6[%swap3A_386, %swap3A_387], %broadcast_in_dim3A_3 {strides = array<i32>} : memref<64x512xf32, #tpu.memory_space<vmem>>, vector<16xf32>,
      %mul3A_389 = arith.constant 16 : i32
      %mul3A_390 = arith.muli %scan3A_323, %mul3A_389 : i32
      %swap3A_391 = arith.constant 11 : i32
      %swap3A_392 = arith.index_cast %swap3A_391 : i32 to index
      %swap3A_393 = arith.index_cast %mul3A_390 : i32 to index
      %swap3A_394 = tpu.vector_load %arg6[%swap3A_392, %swap3A_393] {strides = array<i32>} : memref<64x512xf32, #tpu.memory_space<vmem>>, vector<16xf32>,
      tpu.vector_store %arg6[%swap3A_392, %swap3A_393], %broadcast_in_dim3A_3 {strides = array<i32>} : memref<64x512xf32, #tpu.memory_space<vmem>>, vector<16xf32>,
      %mul3A_395 = arith.constant 16 : i32
      %mul3A_396 = arith.muli %scan3A_323, %mul3A_395 : i32
      %swap3A_397 = arith.constant 12 : i32
      %swap3A_398 = arith.index_cast %swap3A_397 : i32 to index
      %swap3A_399 = arith.index_cast %mul3A_396 : i32 to index
      %swap3A_400 = tpu.vector_load %arg6[%swap3A_398, %swap3A_399] {strides = array<i32>} : memref<64x512xf32, #tpu.memory_space<vmem>>, vector<16xf32>,
      tpu.vector_store %arg6[%swap3A_398, %swap3A_399], %broadcast_in_dim3A_3 {strides = array<i32>} : memref<64x512xf32, #tpu.memory_space<vmem>>, vector<16xf32>,
      %mul3A_401 = arith.constant 16 : i32
      %mul3A_402 = arith.muli %scan3A_323, %mul3A_401 : i32
      %swap3A_403 = arith.constant 13 : i32
      %swap3A_404 = arith.index_cast %swap3A_403 : i32 to index
      %swap3A_405 = arith.index_cast %mul3A_402 : i32 to index
      %swap3A_406 = tpu.vector_load %arg6[%swap3A_404, %swap3A_405] {strides = array<i32>} : memref<64x512xf32, #tpu.memory_space<vmem>>, vector<16xf32>,
      tpu.vector_store %arg6[%swap3A_404, %swap3A_405], %broadcast_in_dim3A_3 {strides = array<i32>} : memref<64x512xf32, #tpu.memory_space<vmem>>, vector<16xf32>,
      %mul3A_407 = arith.constant 16 : i32
      %mul3A_408 = arith.muli %scan3A_323, %mul3A_407 : i32
      %swap3A_409 = arith.constant 14 : i32
      %swap3A_410 = arith.index_cast %swap3A_409 : i32 to index
      %swap3A_411 = arith.index_cast %mul3A_408 : i32 to index
      %swap3A_412 = tpu.vector_load %arg6[%swap3A_410, %swap3A_411] {strides = array<i32>} : memref<64x512xf32, #tpu.memory_space<vmem>>, vector<16xf32>,
      tpu.vector_store %arg6[%swap3A_410, %swap3A_411], %broadcast_in_dim3A_3 {strides = array<i32>} : memref<64x512xf32, #tpu.memory_space<vmem>>, vector<16xf32>,
      %mul3A_413 = arith.constant 16 : i32
      %mul3A_414 = arith.muli %scan3A_323, %mul3A_413 : i32
      %swap3A_415 = arith.constant 15 : i32
      %swap3A_416 = arith.index_cast %swap3A_415 : i32 to index
      %swap3A_417 = arith.index_cast %mul3A_414 : i32 to index
      %swap3A_418 = tpu.vector_load %arg6[%swap3A_416, %swap3A_417] {strides = array<i32>} : memref<64x512xf32, #tpu.memory_space<vmem>>, vector<16xf32>,
      tpu.vector_store %arg6[%swap3A_416, %swap3A_417], %broadcast_in_dim3A_3 {strides = array<i32>} : memref<64x512xf32, #tpu.memory_space<vmem>>, vector<16xf32>,
      %mul3A_419 = arith.constant 16 : i32
      %mul3A_420 = arith.muli %scan3A_323, %mul3A_419 : i32
      %swap3A_421 = arith.constant 16 : i32
      %swap3A_422 = arith.index_cast %swap3A_421 : i32 to index
      %swap3A_423 = arith.index_cast %mul3A_420 : i32 to index
      %swap3A_424 = tpu.vector_load %arg6[%swap3A_422, %swap3A_423] {strides = array<i32>} : memref<64x512xf32, #tpu.memory_space<vmem>>, vector<16xf32>,
      tpu.vector_store %arg6[%swap3A_422, %swap3A_423], %broadcast_in_dim3A_3 {strides = array<i32>} : memref<64x512xf32, #tpu.memory_space<vmem>>, vector<16xf32>,
      %mul3A_425 = arith.constant 16 : i32
      %mul3A_426 = arith.muli %scan3A_323, %mul3A_425 : i32
      %swap3A_427 = arith.constant 17 : i32
      %swap3A_428 = arith.index_cast %swap3A_427 : i32 to index
      %swap3A_429 = arith.index_cast %mul3A_426 : i32 to index
      %swap3A_430 = tpu.vector_load %arg6[%swap3A_428, %swap3A_429] {strides = array<i32>} : memref<64x512xf32, #tpu.memory_space<vmem>>, vector<16xf32>,
      tpu.vector_store %arg6[%swap3A_428, %swap3A_429], %broadcast_in_dim3A_3 {strides = array<i32>} : memref<64x512xf32, #tpu.memory_space<vmem>>, vector<16xf32>,
      %mul3A_431 = arith.constant 16 : i32
      %mul3A_432 = arith.muli %scan3A_323, %mul3A_431 : i32
      %swap3A_433 = arith.constant 18 : i32
      %swap3A_434 = arith.index_cast %swap3A_433 : i32 to index
      %swap3A_435 = arith.index_cast %mul3A_432 : i32 to index
      %swap3A_436 = tpu.vector_load %arg6[%swap3A_434, %swap3A_435] {strides = array<i32>} : memref<64x512xf32, #tpu.memory_space<vmem>>, vector<16xf32>,
      tpu.vector_store %arg6[%swap3A_434, %swap3A_435], %broadcast_in_dim3A_3 {strides = array<i32>} : memref<64x512xf32, #tpu.memory_space<vmem>>, vector<16xf32>,
      %mul3A_437 = arith.constant 16 : i32
      %mul3A_438 = arith.muli %scan3A_323, %mul3A_437 : i32
      %swap3A_439 = arith.constant 19 : i32
      %swap3A_440 = arith.index_cast %swap3A_439 : i32 to index
      %swap3A_441 = arith.index_cast %mul3A_438 : i32 to index
      %swap3A_442 = tpu.vector_load %arg6[%swap3A_440, %swap3A_441] {strides = array<i32>} : memref<64x512xf32, #tpu.memory_space<vmem>>, vector<16xf32>,
      tpu.vector_store %arg6[%swap3A_440, %swap3A_441], %broadcast_in_dim3A_3 {strides = array<i32>} : memref<64x512xf32, #tpu.memory_space<vmem>>, vector<16xf32>,
      %mul3A_443 = arith.constant 16 : i32
      %mul3A_444 = arith.muli %scan3A_323, %mul3A_443 : i32
      %swap3A_445 = arith.constant 20 : i32
      %swap3A_446 = arith.index_cast %swap3A_445 : i32 to index
      %swap3A_447 = arith.index_cast %mul3A_444 : i32 to index
      %swap3A_448 = tpu.vector_load %arg6[%swap3A_446, %swap3A_447] {strides = array<i32>} : memref<64x512xf32, #tpu.memory_space<vmem>>, vector<16xf32>,
      tpu.vector_store %arg6[%swap3A_446, %swap3A_447], %broadcast_in_dim3A_3 {strides = array<i32>} : memref<64x512xf32, #tpu.memory_space<vmem>>, vector<16xf32>,
      %mul3A_449 = arith.constant 16 : i32
      %mul3A_450 = arith.muli %scan3A_323, %mul3A_449 : i32
      %swap3A_451 = arith.constant 21 : i32
      %swap3A_452 = arith.index_cast %swap3A_451 : i32 to index
      %swap3A_453 = arith.index_cast %mul3A_450 : i32 to index
      %swap3A_454 = tpu.vector_load %arg6[%swap3A_452, %swap3A_453] {strides = array<i32>} : memref<64x512xf32, #tpu.memory_space<vmem>>, vector<16xf32>,
      tpu.vector_store %arg6[%swap3A_452, %swap3A_453], %broadcast_in_dim3A_3 {strides = array<i32>} : memref<64x512xf32, #tpu.memory_space<vmem>>, vector<16xf32>,
      %mul3A_455 = arith.constant 16 : i32
      %mul3A_456 = arith.muli %scan3A_323, %mul3A_455 : i32
      %swap3A_457 = arith.constant 22 : i32
      %swap3A_458 = arith.index_cast %swap3A_457 : i32 to index
      %swap3A_459 = arith.index_cast %mul3A_456 : i32 to index
      %swap3A_460 = tpu.vector_load %arg6[%swap3A_458, %swap3A_459] {strides = array<i32>} : memref<64x512xf32, #tpu.memory_space<vmem>>, vector<16xf32>,
      tpu.vector_store %arg6[%swap3A_458, %swap3A_459], %broadcast_in_dim3A_3 {strides = array<i32>} : memref<64x512xf32, #tpu.memory_space<vmem>>, vector<16xf32>,
      %mul3A_461 = arith.constant 16 : i32
      %mul3A_462 = arith.muli %scan3A_323, %mul3A_461 : i32
      %swap3A_463 = arith.constant 23 : i32
      %swap3A_464 = arith.index_cast %swap3A_463 : i32 to index
      %swap3A_465 = arith.index_cast %mul3A_462 : i32 to index
      %swap3A_466 = tpu.vector_load %arg6[%swap3A_464, %swap3A_465] {strides = array<i32>} : memref<64x512xf32, #tpu.memory_space<vmem>>, vector<16xf32>,
      tpu.vector_store %arg6[%swap3A_464, %swap3A_465], %broadcast_in_dim3A_3 {strides = array<i32>} : memref<64x512xf32, #tpu.memory_space<vmem>>, vector<16xf32>,
      %mul3A_467 = arith.constant 16 : i32
      %mul3A_468 = arith.muli %scan3A_323, %mul3A_467 : i32
      %swap3A_469 = arith.constant 24 : i32
      %swap3A_470 = arith.index_cast %swap3A_469 : i32 to index
      %swap3A_471 = arith.index_cast %mul3A_468 : i32 to index
      %swap3A_472 = tpu.vector_load %arg6[%swap3A_470, %swap3A_471] {strides = array<i32>} : memref<64x512xf32, #tpu.memory_space<vmem>>, vector<16xf32>,
      tpu.vector_store %arg6[%swap3A_470, %swap3A_471], %broadcast_in_dim3A_3 {strides = array<i32>} : memref<64x512xf32, #tpu.memory_space<vmem>>, vector<16xf32>,
      %mul3A_473 = arith.constant 16 : i32
      %mul3A_474 = arith.muli %scan3A_323, %mul3A_473 : i32
      %swap3A_475 = arith.constant 25 : i32
      %swap3A_476 = arith.index_cast %swap3A_475 : i32 to index
      %swap3A_477 = arith.index_cast %mul3A_474 : i32 to index
      %swap3A_478 = tpu.vector_load %arg6[%swap3A_476, %swap3A_477] {strides = array<i32>} : memref<64x512xf32, #tpu.memory_space<vmem>>, vector<16xf32>,
      tpu.vector_store %arg6[%swap3A_476, %swap3A_477], %broadcast_in_dim3A_3 {strides = array<i32>} : memref<64x512xf32, #tpu.memory_space<vmem>>, vector<16xf32>,
      %mul3A_479 = arith.constant 16 : i32
      %mul3A_480 = arith.muli %scan3A_323, %mul3A_479 : i32
      %swap3A_481 = arith.constant 26 : i32
      %swap3A_482 = arith.index_cast %swap3A_481 : i32 to index
      %swap3A_483 = arith.index_cast %mul3A_480 : i32 to index
      %swap3A_484 = tpu.vector_load %arg6[%swap3A_482, %swap3A_483] {strides = array<i32>} : memref<64x512xf32, #tpu.memory_space<vmem>>, vector<16xf32>,
      tpu.vector_store %arg6[%swap3A_482, %swap3A_483], %broadcast_in_dim3A_3 {strides = array<i32>} : memref<64x512xf32, #tpu.memory_space<vmem>>, vector<16xf32>,
      %mul3A_485 = arith.constant 16 : i32
      %mul3A_486 = arith.muli %scan3A_323, %mul3A_485 : i32
      %swap3A_487 = arith.constant 27 : i32
      %swap3A_488 = arith.index_cast %swap3A_487 : i32 to index
      %swap3A_489 = arith.index_cast %mul3A_486 : i32 to index
      %swap3A_490 = tpu.vector_load %arg6[%swap3A_488, %swap3A_489] {strides = array<i32>} : memref<64x512xf32, #tpu.memory_space<vmem>>, vector<16xf32>,
      tpu.vector_store %arg6[%swap3A_488, %swap3A_489], %broadcast_in_dim3A_3 {strides = array<i32>} : memref<64x512xf32, #tpu.memory_space<vmem>>, vector<16xf32>,
      %mul3A_491 = arith.constant 16 : i32
      %mul3A_492 = arith.muli %scan3A_323, %mul3A_491 : i32
      %swap3A_493 = arith.constant 28 : i32
      %swap3A_494 = arith.index_cast %swap3A_493 : i32 to index
      %swap3A_495 = arith.index_cast %mul3A_492 : i32 to index
      %swap3A_496 = tpu.vector_load %arg6[%swap3A_494, %swap3A_495] {strides = array<i32>} : memref<64x512xf32, #tpu.memory_space<vmem>>, vector<16xf32>,
      tpu.vector_store %arg6[%swap3A_494, %swap3A_495], %broadcast_in_dim3A_3 {strides = array<i32>} : memref<64x512xf32, #tpu.memory_space<vmem>>, vector<16xf32>,
      %mul3A_497 = arith.constant 16 : i32
      %mul3A_498 = arith.muli %scan3A_323, %mul3A_497 : i32
      %swap3A_499 = arith.constant 29 : i32
      %swap3A_500 = arith.index_cast %swap3A_499 : i32 to index
      %swap3A_501 = arith.index_cast %mul3A_498 : i32 to index
      %swap3A_502 = tpu.vector_load %arg6[%swap3A_500, %swap3A_501] {strides = array<i32>} : memref<64x512xf32, #tpu.memory_space<vmem>>, vector<16xf32>,
      tpu.vector_store %arg6[%swap3A_500, %swap3A_501], %broadcast_in_dim3A_3 {strides = array<i32>} : memref<64x512xf32, #tpu.memory_space<vmem>>, vector<16xf32>,
      %mul3A_503 = arith.constant 16 : i32
      %mul3A_504 = arith.muli %scan3A_323, %mul3A_503 : i32
      %swap3A_505 = arith.constant 30 : i32
      %swap3A_506 = arith.index_cast %swap3A_505 : i32 to index
      %swap3A_507 = arith.index_cast %mul3A_504 : i32 to index
      %swap3A_508 = tpu.vector_load %arg6[%swap3A_506, %swap3A_507] {strides = array<i32>} : memref<64x512xf32, #tpu.memory_space<vmem>>, vector<16xf32>,
      tpu.vector_store %arg6[%swap3A_506, %swap3A_507], %broadcast_in_dim3A_3 {strides = array<i32>} : memref<64x512xf32, #tpu.memory_space<vmem>>, vector<16xf32>,
      %mul3A_509 = arith.constant 16 : i32
      %mul3A_510 = arith.muli %scan3A_323, %mul3A_509 : i32
      %swap3A_511 = arith.constant 31 : i32
      %swap3A_512 = arith.index_cast %swap3A_511 : i32 to index
      %swap3A_513 = arith.index_cast %mul3A_510 : i32 to index
      %swap3A_514 = tpu.vector_load %arg6[%swap3A_512, %swap3A_513] {strides = array<i32>} : memref<64x512xf32, #tpu.memory_space<vmem>>, vector<16xf32>,
      tpu.vector_store %arg6[%swap3A_512, %swap3A_513], %broadcast_in_dim3A_3 {strides = array<i32>} : memref<64x512xf32, #tpu.memory_space<vmem>>, vector<16xf32>,
      %mul3A_515 = arith.constant 16 : i32
      %mul3A_516 = arith.muli %scan3A_323, %mul3A_515 : i32
      %swap3A_517 = arith.constant 32 : i32
      %swap3A_518 = arith.index_cast %swap3A_517 : i32 to index
      %swap3A_519 = arith.index_cast %mul3A_516 : i32 to index
      %swap3A_520 = tpu.vector_load %arg6[%swap3A_518, %swap3A_519] {strides = array<i32>} : memref<64x512xf32, #tpu.memory_space<vmem>>, vector<16xf32>,
      tpu.vector_store %arg6[%swap3A_518, %swap3A_519], %broadcast_in_dim3A_3 {strides = array<i32>} : memref<64x512xf32, #tpu.memory_space<vmem>>, vector<16xf32>,
      %mul3A_521 = arith.constant 16 : i32
      %mul3A_522 = arith.muli %scan3A_323, %mul3A_521 : i32
      %swap3A_523 = arith.constant 33 : i32
      %swap3A_524 = arith.index_cast %swap3A_523 : i32 to index
      %swap3A_525 = arith.index_cast %mul3A_522 : i32 to index
      %swap3A_526 = tpu.vector_load %arg6[%swap3A_524, %swap3A_525] {strides = array<i32>} : memref<64x512xf32, #tpu.memory_space<vmem>>, vector<16xf32>,
      tpu.vector_store %arg6[%swap3A_524, %swap3A_525], %broadcast_in_dim3A_3 {strides = array<i32>} : memref<64x512xf32, #tpu.memory_space<vmem>>, vector<16xf32>,
      %mul3A_527 = arith.constant 16 : i32
      %mul3A_528 = arith.muli %scan3A_323, %mul3A_527 : i32
      %swap3A_529 = arith.constant 34 : i32
      %swap3A_530 = arith.index_cast %swap3A_529 : i32 to index
      %swap3A_531 = arith.index_cast %mul3A_528 : i32 to index
      %swap3A_532 = tpu.vector_load %arg6[%swap3A_530, %swap3A_531] {strides = array<i32>} : memref<64x512xf32, #tpu.memory_space<vmem>>, vector<16xf32>,
      tpu.vector_store %arg6[%swap3A_530, %swap3A_531], %broadcast_in_dim3A_3 {strides = array<i32>} : memref<64x512xf32, #tpu.memory_space<vmem>>, vector<16xf32>,
      %mul3A_533 = arith.constant 16 : i32
      %mul3A_534 = arith.muli %scan3A_323, %mul3A_533 : i32
      %swap3A_535 = arith.constant 35 : i32
      %swap3A_536 = arith.index_cast %swap3A_535 : i32 to index
      %swap3A_537 = arith.index_cast %mul3A_534 : i32 to index
      %swap3A_538 = tpu.vector_load %arg6[%swap3A_536, %swap3A_537] {strides = array<i32>} : memref<64x512xf32, #tpu.memory_space<vmem>>, vector<16xf32>,
      tpu.vector_store %arg6[%swap3A_536, %swap3A_537], %broadcast_in_dim3A_3 {strides = array<i32>} : memref<64x512xf32, #tpu.memory_space<vmem>>, vector<16xf32>,
      %mul3A_539 = arith.constant 16 : i32
      %mul3A_540 = arith.muli %scan3A_323, %mul3A_539 : i32
      %swap3A_541 = arith.constant 36 : i32
      %swap3A_542 = arith.index_cast %swap3A_541 : i32 to index
      %swap3A_543 = arith.index_cast %mul3A_540 : i32 to index
      %swap3A_544 = tpu.vector_load %arg6[%swap3A_542, %swap3A_543] {strides = array<i32>} : memref<64x512xf32, #tpu.memory_space<vmem>>, vector<16xf32>,
      tpu.vector_store %arg6[%swap3A_542, %swap3A_543], %broadcast_in_dim3A_3 {strides = array<i32>} : memref<64x512xf32, #tpu.memory_space<vmem>>, vector<16xf32>,
      %mul3A_545 = arith.constant 16 : i32
      %mul3A_546 = arith.muli %scan3A_323, %mul3A_545 : i32
      %swap3A_547 = arith.constant 37 : i32
      %swap3A_548 = arith.index_cast %swap3A_547 : i32 to index
      %swap3A_549 = arith.index_cast %mul3A_546 : i32 to index
      %swap3A_550 = tpu.vector_load %arg6[%swap3A_548, %swap3A_549] {strides = array<i32>} : memref<64x512xf32, #tpu.memory_space<vmem>>, vector<16xf32>,
      tpu.vector_store %arg6[%swap3A_548, %swap3A_549], %broadcast_in_dim3A_3 {strides = array<i32>} : memref<64x512xf32, #tpu.memory_space<vmem>>, vector<16xf32>,
      %mul3A_551 = arith.constant 16 : i32
      %mul3A_552 = arith.muli %scan3A_323, %mul3A_551 : i32
      %swap3A_553 = arith.constant 38 : i32
      %swap3A_554 = arith.index_cast %swap3A_553 : i32 to index
      %swap3A_555 = arith.index_cast %mul3A_552 : i32 to index
      %swap3A_556 = tpu.vector_load %arg6[%swap3A_554, %swap3A_555] {strides = array<i32>} : memref<64x512xf32, #tpu.memory_space<vmem>>, vector<16xf32>,
      tpu.vector_store %arg6[%swap3A_554, %swap3A_555], %broadcast_in_dim3A_3 {strides = array<i32>} : memref<64x512xf32, #tpu.memory_space<vmem>>, vector<16xf32>,
      %mul3A_557 = arith.constant 16 : i32
      %mul3A_558 = arith.muli %scan3A_323, %mul3A_557 : i32
      %swap3A_559 = arith.constant 39 : i32
      %swap3A_560 = arith.index_cast %swap3A_559 : i32 to index
      %swap3A_561 = arith.index_cast %mul3A_558 : i32 to index
      %swap3A_562 = tpu.vector_load %arg6[%swap3A_560, %swap3A_561] {strides = array<i32>} : memref<64x512xf32, #tpu.memory_space<vmem>>, vector<16xf32>,
      tpu.vector_store %arg6[%swap3A_560, %swap3A_561], %broadcast_in_dim3A_3 {strides = array<i32>} : memref<64x512xf32, #tpu.memory_space<vmem>>, vector<16xf32>,
      %mul3A_563 = arith.constant 16 : i32
      %mul3A_564 = arith.muli %scan3A_323, %mul3A_563 : i32
      %swap3A_565 = arith.constant 40 : i32
      %swap3A_566 = arith.index_cast %swap3A_565 : i32 to index
      %swap3A_567 = arith.index_cast %mul3A_564 : i32 to index
      %swap3A_568 = tpu.vector_load %arg6[%swap3A_566, %swap3A_567] {strides = array<i32>} : memref<64x512xf32, #tpu.memory_space<vmem>>, vector<16xf32>,
      tpu.vector_store %arg6[%swap3A_566, %swap3A_567], %broadcast_in_dim3A_3 {strides = array<i32>} : memref<64x512xf32, #tpu.memory_space<vmem>>, vector<16xf32>,
      %mul3A_569 = arith.constant 16 : i32
      %mul3A_570 = arith.muli %scan3A_323, %mul3A_569 : i32
      %swap3A_571 = arith.constant 41 : i32
      %swap3A_572 = arith.index_cast %swap3A_571 : i32 to index
      %swap3A_573 = arith.index_cast %mul3A_570 : i32 to index
      %swap3A_574 = tpu.vector_load %arg6[%swap3A_572, %swap3A_573] {strides = array<i32>} : memref<64x512xf32, #tpu.memory_space<vmem>>, vector<16xf32>,
      tpu.vector_store %arg6[%swap3A_572, %swap3A_573], %broadcast_in_dim3A_3 {strides = array<i32>} : memref<64x512xf32, #tpu.memory_space<vmem>>, vector<16xf32>,
      %mul3A_575 = arith.constant 16 : i32
      %mul3A_576 = arith.muli %scan3A_323, %mul3A_575 : i32
      %swap3A_577 = arith.constant 42 : i32
      %swap3A_578 = arith.index_cast %swap3A_577 : i32 to index
      %swap3A_579 = arith.index_cast %mul3A_576 : i32 to index
      %swap3A_580 = tpu.vector_load %arg6[%swap3A_578, %swap3A_579] {strides = array<i32>} : memref<64x512xf32, #tpu.memory_space<vmem>>, vector<16xf32>,
      tpu.vector_store %arg6[%swap3A_578, %swap3A_579], %broadcast_in_dim3A_3 {strides = array<i32>} : memref<64x512xf32, #tpu.memory_space<vmem>>, vector<16xf32>,
      %mul3A_581 = arith.constant 16 : i32
      %mul3A_582 = arith.muli %scan3A_323, %mul3A_581 : i32
      %swap3A_583 = arith.constant 43 : i32
      %swap3A_584 = arith.index_cast %swap3A_583 : i32 to index
      %swap3A_585 = arith.index_cast %mul3A_582 : i32 to index
      %swap3A_586 = tpu.vector_load %arg6[%swap3A_584, %swap3A_585] {strides = array<i32>} : memref<64x512xf32, #tpu.memory_space<vmem>>, vector<16xf32>,
      tpu.vector_store %arg6[%swap3A_584, %swap3A_585], %broadcast_in_dim3A_3 {strides = array<i32>} : memref<64x512xf32, #tpu.memory_space<vmem>>, vector<16xf32>,
      %mul3A_587 = arith.constant 16 : i32
      %mul3A_588 = arith.muli %scan3A_323, %mul3A_587 : i32
      %swap3A_589 = arith.constant 44 : i32
      %swap3A_590 = arith.index_cast %swap3A_589 : i32 to index
      %swap3A_591 = arith.index_cast %mul3A_588 : i32 to index
      %swap3A_592 = tpu.vector_load %arg6[%swap3A_590, %swap3A_591] {strides = array<i32>} : memref<64x512xf32, #tpu.memory_space<vmem>>, vector<16xf32>,
      tpu.vector_store %arg6[%swap3A_590, %swap3A_591], %broadcast_in_dim3A_3 {strides = array<i32>} : memref<64x512xf32, #tpu.memory_space<vmem>>, vector<16xf32>,
      %mul3A_593 = arith.constant 16 : i32
      %mul3A_594 = arith.muli %scan3A_323, %mul3A_593 : i32
      %swap3A_595 = arith.constant 45 : i32
      %swap3A_596 = arith.index_cast %swap3A_595 : i32 to index
      %swap3A_597 = arith.index_cast %mul3A_594 : i32 to index
      %swap3A_598 = tpu.vector_load %arg6[%swap3A_596, %swap3A_597] {strides = array<i32>} : memref<64x512xf32, #tpu.memory_space<vmem>>, vector<16xf32>,
      tpu.vector_store %arg6[%swap3A_596, %swap3A_597], %broadcast_in_dim3A_3 {strides = array<i32>} : memref<64x512xf32, #tpu.memory_space<vmem>>, vector<16xf32>,
      %mul3A_599 = arith.constant 16 : i32
      %mul3A_600 = arith.muli %scan3A_323, %mul3A_599 : i32
      %swap3A_601 = arith.constant 46 : i32
      %swap3A_602 = arith.index_cast %swap3A_601 : i32 to index
      %swap3A_603 = arith.index_cast %mul3A_600 : i32 to index
      %swap3A_604 = tpu.vector_load %arg6[%swap3A_602, %swap3A_603] {strides = array<i32>} : memref<64x512xf32, #tpu.memory_space<vmem>>, vector<16xf32>,
      tpu.vector_store %arg6[%swap3A_602, %swap3A_603], %broadcast_in_dim3A_3 {strides = array<i32>} : memref<64x512xf32, #tpu.memory_space<vmem>>, vector<16xf32>,
      %mul3A_605 = arith.constant 16 : i32
      %mul3A_606 = arith.muli %scan3A_323, %mul3A_605 : i32
      %swap3A_607 = arith.constant 47 : i32
      %swap3A_608 = arith.index_cast %swap3A_607 : i32 to index
      %swap3A_609 = arith.index_cast %mul3A_606 : i32 to index
      %swap3A_610 = tpu.vector_load %arg6[%swap3A_608, %swap3A_609] {strides = array<i32>} : memref<64x512xf32, #tpu.memory_space<vmem>>, vector<16xf32>,
      tpu.vector_store %arg6[%swap3A_608, %swap3A_609], %broadcast_in_dim3A_3 {strides = array<i32>} : memref<64x512xf32, #tpu.memory_space<vmem>>, vector<16xf32>,
      %mul3A_611 = arith.constant 16 : i32
      %mul3A_612 = arith.muli %scan3A_323, %mul3A_611 : i32
      %swap3A_613 = arith.constant 48 : i32
      %swap3A_614 = arith.index_cast %swap3A_613 : i32 to index
      %swap3A_615 = arith.index_cast %mul3A_612 : i32 to index
      %swap3A_616 = tpu.vector_load %arg6[%swap3A_614, %swap3A_615] {strides = array<i32>} : memref<64x512xf32, #tpu.memory_space<vmem>>, vector<16xf32>,
      tpu.vector_store %arg6[%swap3A_614, %swap3A_615], %broadcast_in_dim3A_3 {strides = array<i32>} : memref<64x512xf32, #tpu.memory_space<vmem>>, vector<16xf32>,
      %mul3A_617 = arith.constant 16 : i32
      %mul3A_618 = arith.muli %scan3A_323, %mul3A_617 : i32
      %swap3A_619 = arith.constant 49 : i32
      %swap3A_620 = arith.index_cast %swap3A_619 : i32 to index
      %swap3A_621 = arith.index_cast %mul3A_618 : i32 to index
      %swap3A_622 = tpu.vector_load %arg6[%swap3A_620, %swap3A_621] {strides = array<i32>} : memref<64x512xf32, #tpu.memory_space<vmem>>, vector<16xf32>,
      tpu.vector_store %arg6[%swap3A_620, %swap3A_621], %broadcast_in_dim3A_3 {strides = array<i32>} : memref<64x512xf32, #tpu.memory_space<vmem>>, vector<16xf32>,
      %mul3A_623 = arith.constant 16 : i32
      %mul3A_624 = arith.muli %scan3A_323, %mul3A_623 : i32
      %swap3A_625 = arith.constant 50 : i32
      %swap3A_626 = arith.index_cast %swap3A_625 : i32 to index
      %swap3A_627 = arith.index_cast %mul3A_624 : i32 to index
      %swap3A_628 = tpu.vector_load %arg6[%swap3A_626, %swap3A_627] {strides = array<i32>} : memref<64x512xf32, #tpu.memory_space<vmem>>, vector<16xf32>,
      tpu.vector_store %arg6[%swap3A_626, %swap3A_627], %broadcast_in_dim3A_3 {strides = array<i32>} : memref<64x512xf32, #tpu.memory_space<vmem>>, vector<16xf32>,
      %mul3A_629 = arith.constant 16 : i32
      %mul3A_630 = arith.muli %scan3A_323, %mul3A_629 : i32
      %swap3A_631 = arith.constant 51 : i32
      %swap3A_632 = arith.index_cast %swap3A_631 : i32 to index
      %swap3A_633 = arith.index_cast %mul3A_630 : i32 to index
      %swap3A_634 = tpu.vector_load %arg6[%swap3A_632, %swap3A_633] {strides = array<i32>} : memref<64x512xf32, #tpu.memory_space<vmem>>, vector<16xf32>,
      tpu.vector_store %arg6[%swap3A_632, %swap3A_633], %broadcast_in_dim3A_3 {strides = array<i32>} : memref<64x512xf32, #tpu.memory_space<vmem>>, vector<16xf32>,
      %mul3A_635 = arith.constant 16 : i32
      %mul3A_636 = arith.muli %scan3A_323, %mul3A_635 : i32
      %swap3A_637 = arith.constant 52 : i32
      %swap3A_638 = arith.index_cast %swap3A_637 : i32 to index
      %swap3A_639 = arith.index_cast %mul3A_636 : i32 to index
      %swap3A_640 = tpu.vector_load %arg6[%swap3A_638, %swap3A_639] {strides = array<i32>} : memref<64x512xf32, #tpu.memory_space<vmem>>, vector<16xf32>,
      tpu.vector_store %arg6[%swap3A_638, %swap3A_639], %broadcast_in_dim3A_3 {strides = array<i32>} : memref<64x512xf32, #tpu.memory_space<vmem>>, vector<16xf32>,
      %mul3A_641 = arith.constant 16 : i32
      %mul3A_642 = arith.muli %scan3A_323, %mul3A_641 : i32
      %swap3A_643 = arith.constant 53 : i32
      %swap3A_644 = arith.index_cast %swap3A_643 : i32 to index
      %swap3A_645 = arith.index_cast %mul3A_642 : i32 to index
      %swap3A_646 = tpu.vector_load %arg6[%swap3A_644, %swap3A_645] {strides = array<i32>} : memref<64x512xf32, #tpu.memory_space<vmem>>, vector<16xf32>,
      tpu.vector_store %arg6[%swap3A_644, %swap3A_645], %broadcast_in_dim3A_3 {strides = array<i32>} : memref<64x512xf32, #tpu.memory_space<vmem>>, vector<16xf32>,
      %mul3A_647 = arith.constant 16 : i32
      %mul3A_648 = arith.muli %scan3A_323, %mul3A_647 : i32
      %swap3A_649 = arith.constant 54 : i32
      %swap3A_650 = arith.index_cast %swap3A_649 : i32 to index
      %swap3A_651 = arith.index_cast %mul3A_648 : i32 to index
      %swap3A_652 = tpu.vector_load %arg6[%swap3A_650, %swap3A_651] {strides = array<i32>} : memref<64x512xf32, #tpu.memory_space<vmem>>, vector<16xf32>,
      tpu.vector_store %arg6[%swap3A_650, %swap3A_651], %broadcast_in_dim3A_3 {strides = array<i32>} : memref<64x512xf32, #tpu.memory_space<vmem>>, vector<16xf32>,
      %mul3A_653 = arith.constant 16 : i32
      %mul3A_654 = arith.muli %scan3A_323, %mul3A_653 : i32
      %swap3A_655 = arith.constant 55 : i32
      %swap3A_656 = arith.index_cast %swap3A_655 : i32 to index
      %swap3A_657 = arith.index_cast %mul3A_654 : i32 to index
      %swap3A_658 = tpu.vector_load %arg6[%swap3A_656, %swap3A_657] {strides = array<i32>} : memref<64x512xf32, #tpu.memory_space<vmem>>, vector<16xf32>,
      tpu.vector_store %arg6[%swap3A_656, %swap3A_657], %broadcast_in_dim3A_3 {strides = array<i32>} : memref<64x512xf32, #tpu.memory_space<vmem>>, vector<16xf32>,
      %mul3A_659 = arith.constant 16 : i32
      %mul3A_660 = arith.muli %scan3A_323, %mul3A_659 : i32
      %swap3A_661 = arith.constant 56 : i32
      %swap3A_662 = arith.index_cast %swap3A_661 : i32 to index
      %swap3A_663 = arith.index_cast %mul3A_660 : i32 to index
      %swap3A_664 = tpu.vector_load %arg6[%swap3A_662, %swap3A_663] {strides = array<i32>} : memref<64x512xf32, #tpu.memory_space<vmem>>, vector<16xf32>,
      tpu.vector_store %arg6[%swap3A_662, %swap3A_663], %broadcast_in_dim3A_3 {strides = array<i32>} : memref<64x512xf32, #tpu.memory_space<vmem>>, vector<16xf32>,
      %mul3A_665 = arith.constant 16 : i32
      %mul3A_666 = arith.muli %scan3A_323, %mul3A_665 : i32
      %swap3A_667 = arith.constant 57 : i32
      %swap3A_668 = arith.index_cast %swap3A_667 : i32 to index
      %swap3A_669 = arith.index_cast %mul3A_666 : i32 to index
      %swap3A_670 = tpu.vector_load %arg6[%swap3A_668, %swap3A_669] {strides = array<i32>} : memref<64x512xf32, #tpu.memory_space<vmem>>, vector<16xf32>,
      tpu.vector_store %arg6[%swap3A_668, %swap3A_669], %broadcast_in_dim3A_3 {strides = array<i32>} : memref<64x512xf32, #tpu.memory_space<vmem>>, vector<16xf32>,
      %mul3A_671 = arith.constant 16 : i32
      %mul3A_672 = arith.muli %scan3A_323, %mul3A_671 : i32
      %swap3A_673 = arith.constant 58 : i32
      %swap3A_674 = arith.index_cast %swap3A_673 : i32 to index
      %swap3A_675 = arith.index_cast %mul3A_672 : i32 to index
      %swap3A_676 = tpu.vector_load %arg6[%swap3A_674, %swap3A_675] {strides = array<i32>} : memref<64x512xf32, #tpu.memory_space<vmem>>, vector<16xf32>,
      tpu.vector_store %arg6[%swap3A_674, %swap3A_675], %broadcast_in_dim3A_3 {strides = array<i32>} : memref<64x512xf32, #tpu.memory_space<vmem>>, vector<16xf32>,
      %mul3A_677 = arith.constant 16 : i32
      %mul3A_678 = arith.muli %scan3A_323, %mul3A_677 : i32
      %swap3A_679 = arith.constant 59 : i32
      %swap3A_680 = arith.index_cast %swap3A_679 : i32 to index
      %swap3A_681 = arith.index_cast %mul3A_678 : i32 to index
      %swap3A_682 = tpu.vector_load %arg6[%swap3A_680, %swap3A_681] {strides = array<i32>} : memref<64x512xf32, #tpu.memory_space<vmem>>, vector<16xf32>,
      tpu.vector_store %arg6[%swap3A_680, %swap3A_681], %broadcast_in_dim3A_3 {strides = array<i32>} : memref<64x512xf32, #tpu.memory_space<vmem>>, vector<16xf32>,
      %mul3A_683 = arith.constant 16 : i32
      %mul3A_684 = arith.muli %scan3A_323, %mul3A_683 : i32
      %swap3A_685 = arith.constant 60 : i32
      %swap3A_686 = arith.index_cast %swap3A_685 : i32 to index
      %swap3A_687 = arith.index_cast %mul3A_684 : i32 to index
      %swap3A_688 = tpu.vector_load %arg6[%swap3A_686, %swap3A_687] {strides = array<i32>} : memref<64x512xf32, #tpu.memory_space<vmem>>, vector<16xf32>,
      tpu.vector_store %arg6[%swap3A_686, %swap3A_687], %broadcast_in_dim3A_3 {strides = array<i32>} : memref<64x512xf32, #tpu.memory_space<vmem>>, vector<16xf32>,
      %mul3A_689 = arith.constant 16 : i32
      %mul3A_690 = arith.muli %scan3A_323, %mul3A_689 : i32
      %swap3A_691 = arith.constant 61 : i32
      %swap3A_692 = arith.index_cast %swap3A_691 : i32 to index
      %swap3A_693 = arith.index_cast %mul3A_690 : i32 to index
      %swap3A_694 = tpu.vector_load %arg6[%swap3A_692, %swap3A_693] {strides = array<i32>} : memref<64x512xf32, #tpu.memory_space<vmem>>, vector<16xf32>,
      tpu.vector_store %arg6[%swap3A_692, %swap3A_693], %broadcast_in_dim3A_3 {strides = array<i32>} : memref<64x512xf32, #tpu.memory_space<vmem>>, vector<16xf32>,
      %mul3A_695 = arith.constant 16 : i32
      %mul3A_696 = arith.muli %scan3A_323, %mul3A_695 : i32
      %swap3A_697 = arith.constant 62 : i32
      %swap3A_698 = arith.index_cast %swap3A_697 : i32 to index
      %swap3A_699 = arith.index_cast %mul3A_696 : i32 to index
      %swap3A_700 = tpu.vector_load %arg6[%swap3A_698, %swap3A_699] {strides = array<i32>} : memref<64x512xf32, #tpu.memory_space<vmem>>, vector<16xf32>,
      tpu.vector_store %arg6[%swap3A_698, %swap3A_699], %broadcast_in_dim3A_3 {strides = array<i32>} : memref<64x512xf32, #tpu.memory_space<vmem>>, vector<16xf32>,
      %mul3A_701 = arith.constant 16 : i32
      %mul3A_702 = arith.muli %scan3A_323, %mul3A_701 : i32
      %swap3A_703 = arith.constant 63 : i32
      %swap3A_704 = arith.index_cast %swap3A_703 : i32 to index
      %swap3A_705 = arith.index_cast %mul3A_702 : i32 to index
      %swap3A_706 = tpu.vector_load %arg6[%swap3A_704, %swap3A_705] {strides = array<i32>} : memref<64x512xf32, #tpu.memory_space<vmem>>, vector<16xf32>,
      tpu.vector_store %arg6[%swap3A_704, %swap3A_705], %broadcast_in_dim3A_3 {strides = array<i32>} : memref<64x512xf32, #tpu.memory_space<vmem>>, vector<16xf32>,
    }
    %scan3A_25 = arith.constant 32 : i32
    %scan3A_26 = arith.constant 0 : i32
    %scan3A_27 = arith.constant 0 : i32
    %scan3A_28 = arith.constant 32 : i32
    %scan3A_29 = arith.addi %scan3A_27, %scan3A_28 : i32
    %scan3A_30 = arith.constant 1 : i32
    scf.for %scan3A_323 = %scan3A_27 to %scan3A_29 step %scan3A_30  : i32 {
      %mul3A_324 = arith.constant 16 : i32
      %mul3A_325 = arith.muli %scan3A_323, %mul3A_324 : i32
      %get3A = arith.index_cast %mul3A_325 : i32 to index
      %get3A_326 = tpu.vector_load %arg4[%get3A] {strides = array<i32>} : memref<512xi32, #tpu.memory_space<vmem>>, vector<16xi32>,
      %sub3A = arith.constant 64 : i32
      %sub3A_327 = vector.broadcast %sub3A : i32 to vector<16xi32>
      %sub3A_328 = arith.subi %get3A_326, %sub3A_327 : vector<16xi32>
      %mul3A_329 = arith.constant 16 : i32
      %mul3A_330 = arith.muli %scan3A_323, %mul3A_329 : i32
      %add3A_331 = vector.broadcast %mul3A_330 : i32 to vector<16xi32>
      %add3A_332 = arith.addi %iota3A, %add3A_331 : vector<16xi32>
      %ge3A = arith.constant 64 : i32
      %ge3A_333 = vector.broadcast %ge3A : i32 to vector<16xi32>
      %ge3A_334 = arith.cmpi sge, %get3A_326, %ge3A_333 : vector<16xi32>
      %lt3A = arith.constant 128 : i32
      %lt3A_335 = vector.broadcast %lt3A : i32 to vector<16xi32>
      %lt3A_336 = arith.cmpi slt, %get3A_326, %lt3A_335 : vector<16xi32>
      %and3A = arith.andi %ge3A_334, %lt3A_336 : vector<16xi1>
      tpu.vector_store_idx %arg6[%sub3A_328, %add3A_332], %broadcast_in_dim3A_5 masked %and3A : memref<64x512xf32, #tpu.memory_space<vmem>>[vector<16xi32>, vector<16xi32>], vector<16xf32>, vector<16xi1>
    }
    %scan3A_31 = arith.constant 32 : i32
    %dma_start3A_32 = arith.constant 64 : i32
    %dma_start3A_33 = tpu.memref_slice %arg3[%dma_start3A_32, %mul3A_2] : memref<1000x16384xf32, #tpu.memory_space<hbm>> -> memref<64x512xf32, #tpu.memory_space<hbm>>
    %dma_start3A_34 = arith.constant 64 : i32
    %dma_start3A_35 = tpu.memref_slice %arg3[%dma_start3A_34, %mul3A_2] : memref<1000x16384xf32, #tpu.memory_space<hbm>> -> memref<64x512xf32, #tpu.memory_space<hbm>>
    tpu.enqueue_dma source(%arg6 : memref<64x512xf32, #tpu.memory_space<vmem>>) target(%dma_start3A_35 : memref<64x512xf32, #tpu.memory_space<hbm>>) target_semaphore(%arg10 : memref<!tpu.dma_semaphore, #tpu.memory_space<semaphore_mem>>)
    %scan3A_36 = arith.constant 0 : i32
    %scan3A_37 = arith.constant 0 : i32
    %scan3A_38 = arith.constant 32 : i32
    %scan3A_39 = arith.addi %scan3A_37, %scan3A_38 : i32
    %scan3A_40 = arith.constant 1 : i32
    scf.for %scan3A_323 = %scan3A_37 to %scan3A_39 step %scan3A_40  : i32 {
      %mul3A_324 = arith.constant 16 : i32
      %mul3A_325 = arith.muli %scan3A_323, %mul3A_324 : i32
      %swap3A = arith.constant 0 : i32
      %swap3A_326 = arith.index_cast %swap3A : i32 to index
      %swap3A_327 = arith.index_cast %mul3A_325 : i32 to index
      %swap3A_328 = tpu.vector_load %arg7[%swap3A_326, %swap3A_327] {strides = array<i32>} : memref<64x512xf32, #tpu.memory_space<vmem>>, vector<16xf32>,
      tpu.vector_store %arg7[%swap3A_326, %swap3A_327], %broadcast_in_dim3A_3 {strides = array<i32>} : memref<64x512xf32, #tpu.memory_space<vmem>>, vector<16xf32>,
      %mul3A_329 = arith.constant 16 : i32
      %mul3A_330 = arith.muli %scan3A_323, %mul3A_329 : i32
      %swap3A_331 = arith.constant 1 : i32
      %swap3A_332 = arith.index_cast %swap3A_331 : i32 to index
      %swap3A_333 = arith.index_cast %mul3A_330 : i32 to index
      %swap3A_334 = tpu.vector_load %arg7[%swap3A_332, %swap3A_333] {strides = array<i32>} : memref<64x512xf32, #tpu.memory_space<vmem>>, vector<16xf32>,
      tpu.vector_store %arg7[%swap3A_332, %swap3A_333], %broadcast_in_dim3A_3 {strides = array<i32>} : memref<64x512xf32, #tpu.memory_space<vmem>>, vector<16xf32>,
      %mul3A_335 = arith.constant 16 : i32
      %mul3A_336 = arith.muli %scan3A_323, %mul3A_335 : i32
      %swap3A_337 = arith.constant 2 : i32
      %swap3A_338 = arith.index_cast %swap3A_337 : i32 to index
      %swap3A_339 = arith.index_cast %mul3A_336 : i32 to index
      %swap3A_340 = tpu.vector_load %arg7[%swap3A_338, %swap3A_339] {strides = array<i32>} : memref<64x512xf32, #tpu.memory_space<vmem>>, vector<16xf32>,
      tpu.vector_store %arg7[%swap3A_338, %swap3A_339], %broadcast_in_dim3A_3 {strides = array<i32>} : memref<64x512xf32, #tpu.memory_space<vmem>>, vector<16xf32>,
      %mul3A_341 = arith.constant 16 : i32
      %mul3A_342 = arith.muli %scan3A_323, %mul3A_341 : i32
      %swap3A_343 = arith.constant 3 : i32
      %swap3A_344 = arith.index_cast %swap3A_343 : i32 to index
      %swap3A_345 = arith.index_cast %mul3A_342 : i32 to index
      %swap3A_346 = tpu.vector_load %arg7[%swap3A_344, %swap3A_345] {strides = array<i32>} : memref<64x512xf32, #tpu.memory_space<vmem>>, vector<16xf32>,
      tpu.vector_store %arg7[%swap3A_344, %swap3A_345], %broadcast_in_dim3A_3 {strides = array<i32>} : memref<64x512xf32, #tpu.memory_space<vmem>>, vector<16xf32>,
      %mul3A_347 = arith.constant 16 : i32
      %mul3A_348 = arith.muli %scan3A_323, %mul3A_347 : i32
      %swap3A_349 = arith.constant 4 : i32
      %swap3A_350 = arith.index_cast %swap3A_349 : i32 to index
      %swap3A_351 = arith.index_cast %mul3A_348 : i32 to index
      %swap3A_352 = tpu.vector_load %arg7[%swap3A_350, %swap3A_351] {strides = array<i32>} : memref<64x512xf32, #tpu.memory_space<vmem>>, vector<16xf32>,
      tpu.vector_store %arg7[%swap3A_350, %swap3A_351], %broadcast_in_dim3A_3 {strides = array<i32>} : memref<64x512xf32, #tpu.memory_space<vmem>>, vector<16xf32>,
      %mul3A_353 = arith.constant 16 : i32
      %mul3A_354 = arith.muli %scan3A_323, %mul3A_353 : i32
      %swap3A_355 = arith.constant 5 : i32
      %swap3A_356 = arith.index_cast %swap3A_355 : i32 to index
      %swap3A_357 = arith.index_cast %mul3A_354 : i32 to index
      %swap3A_358 = tpu.vector_load %arg7[%swap3A_356, %swap3A_357] {strides = array<i32>} : memref<64x512xf32, #tpu.memory_space<vmem>>, vector<16xf32>,
      tpu.vector_store %arg7[%swap3A_356, %swap3A_357], %broadcast_in_dim3A_3 {strides = array<i32>} : memref<64x512xf32, #tpu.memory_space<vmem>>, vector<16xf32>,
      %mul3A_359 = arith.constant 16 : i32
      %mul3A_360 = arith.muli %scan3A_323, %mul3A_359 : i32
      %swap3A_361 = arith.constant 6 : i32
      %swap3A_362 = arith.index_cast %swap3A_361 : i32 to index
      %swap3A_363 = arith.index_cast %mul3A_360 : i32 to index
      %swap3A_364 = tpu.vector_load %arg7[%swap3A_362, %swap3A_363] {strides = array<i32>} : memref<64x512xf32, #tpu.memory_space<vmem>>, vector<16xf32>,
      tpu.vector_store %arg7[%swap3A_362, %swap3A_363], %broadcast_in_dim3A_3 {strides = array<i32>} : memref<64x512xf32, #tpu.memory_space<vmem>>, vector<16xf32>,
      %mul3A_365 = arith.constant 16 : i32
      %mul3A_366 = arith.muli %scan3A_323, %mul3A_365 : i32
      %swap3A_367 = arith.constant 7 : i32
      %swap3A_368 = arith.index_cast %swap3A_367 : i32 to index
      %swap3A_369 = arith.index_cast %mul3A_366 : i32 to index
      %swap3A_370 = tpu.vector_load %arg7[%swap3A_368, %swap3A_369] {strides = array<i32>} : memref<64x512xf32, #tpu.memory_space<vmem>>, vector<16xf32>,
      tpu.vector_store %arg7[%swap3A_368, %swap3A_369], %broadcast_in_dim3A_3 {strides = array<i32>} : memref<64x512xf32, #tpu.memory_space<vmem>>, vector<16xf32>,
      %mul3A_371 = arith.constant 16 : i32
      %mul3A_372 = arith.muli %scan3A_323, %mul3A_371 : i32
      %swap3A_373 = arith.constant 8 : i32
      %swap3A_374 = arith.index_cast %swap3A_373 : i32 to index
      %swap3A_375 = arith.index_cast %mul3A_372 : i32 to index
      %swap3A_376 = tpu.vector_load %arg7[%swap3A_374, %swap3A_375] {strides = array<i32>} : memref<64x512xf32, #tpu.memory_space<vmem>>, vector<16xf32>,
      tpu.vector_store %arg7[%swap3A_374, %swap3A_375], %broadcast_in_dim3A_3 {strides = array<i32>} : memref<64x512xf32, #tpu.memory_space<vmem>>, vector<16xf32>,
      %mul3A_377 = arith.constant 16 : i32
      %mul3A_378 = arith.muli %scan3A_323, %mul3A_377 : i32
      %swap3A_379 = arith.constant 9 : i32
      %swap3A_380 = arith.index_cast %swap3A_379 : i32 to index
      %swap3A_381 = arith.index_cast %mul3A_378 : i32 to index
      %swap3A_382 = tpu.vector_load %arg7[%swap3A_380, %swap3A_381] {strides = array<i32>} : memref<64x512xf32, #tpu.memory_space<vmem>>, vector<16xf32>,
      tpu.vector_store %arg7[%swap3A_380, %swap3A_381], %broadcast_in_dim3A_3 {strides = array<i32>} : memref<64x512xf32, #tpu.memory_space<vmem>>, vector<16xf32>,
      %mul3A_383 = arith.constant 16 : i32
      %mul3A_384 = arith.muli %scan3A_323, %mul3A_383 : i32
      %swap3A_385 = arith.constant 10 : i32
      %swap3A_386 = arith.index_cast %swap3A_385 : i32 to index
      %swap3A_387 = arith.index_cast %mul3A_384 : i32 to index
      %swap3A_388 = tpu.vector_load %arg7[%swap3A_386, %swap3A_387] {strides = array<i32>} : memref<64x512xf32, #tpu.memory_space<vmem>>, vector<16xf32>,
      tpu.vector_store %arg7[%swap3A_386, %swap3A_387], %broadcast_in_dim3A_3 {strides = array<i32>} : memref<64x512xf32, #tpu.memory_space<vmem>>, vector<16xf32>,
      %mul3A_389 = arith.constant 16 : i32
      %mul3A_390 = arith.muli %scan3A_323, %mul3A_389 : i32
      %swap3A_391 = arith.constant 11 : i32
      %swap3A_392 = arith.index_cast %swap3A_391 : i32 to index
      %swap3A_393 = arith.index_cast %mul3A_390 : i32 to index
      %swap3A_394 = tpu.vector_load %arg7[%swap3A_392, %swap3A_393] {strides = array<i32>} : memref<64x512xf32, #tpu.memory_space<vmem>>, vector<16xf32>,
      tpu.vector_store %arg7[%swap3A_392, %swap3A_393], %broadcast_in_dim3A_3 {strides = array<i32>} : memref<64x512xf32, #tpu.memory_space<vmem>>, vector<16xf32>,
      %mul3A_395 = arith.constant 16 : i32
      %mul3A_396 = arith.muli %scan3A_323, %mul3A_395 : i32
      %swap3A_397 = arith.constant 12 : i32
      %swap3A_398 = arith.index_cast %swap3A_397 : i32 to index
      %swap3A_399 = arith.index_cast %mul3A_396 : i32 to index
      %swap3A_400 = tpu.vector_load %arg7[%swap3A_398, %swap3A_399] {strides = array<i32>} : memref<64x512xf32, #tpu.memory_space<vmem>>, vector<16xf32>,
      tpu.vector_store %arg7[%swap3A_398, %swap3A_399], %broadcast_in_dim3A_3 {strides = array<i32>} : memref<64x512xf32, #tpu.memory_space<vmem>>, vector<16xf32>,
      %mul3A_401 = arith.constant 16 : i32
      %mul3A_402 = arith.muli %scan3A_323, %mul3A_401 : i32
      %swap3A_403 = arith.constant 13 : i32
      %swap3A_404 = arith.index_cast %swap3A_403 : i32 to index
      %swap3A_405 = arith.index_cast %mul3A_402 : i32 to index
      %swap3A_406 = tpu.vector_load %arg7[%swap3A_404, %swap3A_405] {strides = array<i32>} : memref<64x512xf32, #tpu.memory_space<vmem>>, vector<16xf32>,
      tpu.vector_store %arg7[%swap3A_404, %swap3A_405], %broadcast_in_dim3A_3 {strides = array<i32>} : memref<64x512xf32, #tpu.memory_space<vmem>>, vector<16xf32>,
      %mul3A_407 = arith.constant 16 : i32
      %mul3A_408 = arith.muli %scan3A_323, %mul3A_407 : i32
      %swap3A_409 = arith.constant 14 : i32
      %swap3A_410 = arith.index_cast %swap3A_409 : i32 to index
      %swap3A_411 = arith.index_cast %mul3A_408 : i32 to index
      %swap3A_412 = tpu.vector_load %arg7[%swap3A_410, %swap3A_411] {strides = array<i32>} : memref<64x512xf32, #tpu.memory_space<vmem>>, vector<16xf32>,
      tpu.vector_store %arg7[%swap3A_410, %swap3A_411], %broadcast_in_dim3A_3 {strides = array<i32>} : memref<64x512xf32, #tpu.memory_space<vmem>>, vector<16xf32>,
      %mul3A_413 = arith.constant 16 : i32
      %mul3A_414 = arith.muli %scan3A_323, %mul3A_413 : i32
      %swap3A_415 = arith.constant 15 : i32
      %swap3A_416 = arith.index_cast %swap3A_415 : i32 to index
      %swap3A_417 = arith.index_cast %mul3A_414 : i32 to index
      %swap3A_418 = tpu.vector_load %arg7[%swap3A_416, %swap3A_417] {strides = array<i32>} : memref<64x512xf32, #tpu.memory_space<vmem>>, vector<16xf32>,
      tpu.vector_store %arg7[%swap3A_416, %swap3A_417], %broadcast_in_dim3A_3 {strides = array<i32>} : memref<64x512xf32, #tpu.memory_space<vmem>>, vector<16xf32>,
      %mul3A_419 = arith.constant 16 : i32
      %mul3A_420 = arith.muli %scan3A_323, %mul3A_419 : i32
      %swap3A_421 = arith.constant 16 : i32
      %swap3A_422 = arith.index_cast %swap3A_421 : i32 to index
      %swap3A_423 = arith.index_cast %mul3A_420 : i32 to index
      %swap3A_424 = tpu.vector_load %arg7[%swap3A_422, %swap3A_423] {strides = array<i32>} : memref<64x512xf32, #tpu.memory_space<vmem>>, vector<16xf32>,
      tpu.vector_store %arg7[%swap3A_422, %swap3A_423], %broadcast_in_dim3A_3 {strides = array<i32>} : memref<64x512xf32, #tpu.memory_space<vmem>>, vector<16xf32>,
      %mul3A_425 = arith.constant 16 : i32
      %mul3A_426 = arith.muli %scan3A_323, %mul3A_425 : i32
      %swap3A_427 = arith.constant 17 : i32
      %swap3A_428 = arith.index_cast %swap3A_427 : i32 to index
      %swap3A_429 = arith.index_cast %mul3A_426 : i32 to index
      %swap3A_430 = tpu.vector_load %arg7[%swap3A_428, %swap3A_429] {strides = array<i32>} : memref<64x512xf32, #tpu.memory_space<vmem>>, vector<16xf32>,
      tpu.vector_store %arg7[%swap3A_428, %swap3A_429], %broadcast_in_dim3A_3 {strides = array<i32>} : memref<64x512xf32, #tpu.memory_space<vmem>>, vector<16xf32>,
      %mul3A_431 = arith.constant 16 : i32
      %mul3A_432 = arith.muli %scan3A_323, %mul3A_431 : i32
      %swap3A_433 = arith.constant 18 : i32
      %swap3A_434 = arith.index_cast %swap3A_433 : i32 to index
      %swap3A_435 = arith.index_cast %mul3A_432 : i32 to index
      %swap3A_436 = tpu.vector_load %arg7[%swap3A_434, %swap3A_435] {strides = array<i32>} : memref<64x512xf32, #tpu.memory_space<vmem>>, vector<16xf32>,
      tpu.vector_store %arg7[%swap3A_434, %swap3A_435], %broadcast_in_dim3A_3 {strides = array<i32>} : memref<64x512xf32, #tpu.memory_space<vmem>>, vector<16xf32>,
      %mul3A_437 = arith.constant 16 : i32
      %mul3A_438 = arith.muli %scan3A_323, %mul3A_437 : i32
      %swap3A_439 = arith.constant 19 : i32
      %swap3A_440 = arith.index_cast %swap3A_439 : i32 to index
      %swap3A_441 = arith.index_cast %mul3A_438 : i32 to index
      %swap3A_442 = tpu.vector_load %arg7[%swap3A_440, %swap3A_441] {strides = array<i32>} : memref<64x512xf32, #tpu.memory_space<vmem>>, vector<16xf32>,
      tpu.vector_store %arg7[%swap3A_440, %swap3A_441], %broadcast_in_dim3A_3 {strides = array<i32>} : memref<64x512xf32, #tpu.memory_space<vmem>>, vector<16xf32>,
      %mul3A_443 = arith.constant 16 : i32
      %mul3A_444 = arith.muli %scan3A_323, %mul3A_443 : i32
      %swap3A_445 = arith.constant 20 : i32
      %swap3A_446 = arith.index_cast %swap3A_445 : i32 to index
      %swap3A_447 = arith.index_cast %mul3A_444 : i32 to index
      %swap3A_448 = tpu.vector_load %arg7[%swap3A_446, %swap3A_447] {strides = array<i32>} : memref<64x512xf32, #tpu.memory_space<vmem>>, vector<16xf32>,
      tpu.vector_store %arg7[%swap3A_446, %swap3A_447], %broadcast_in_dim3A_3 {strides = array<i32>} : memref<64x512xf32, #tpu.memory_space<vmem>>, vector<16xf32>,
      %mul3A_449 = arith.constant 16 : i32
      %mul3A_450 = arith.muli %scan3A_323, %mul3A_449 : i32
      %swap3A_451 = arith.constant 21 : i32
      %swap3A_452 = arith.index_cast %swap3A_451 : i32 to index
      %swap3A_453 = arith.index_cast %mul3A_450 : i32 to index
      %swap3A_454 = tpu.vector_load %arg7[%swap3A_452, %swap3A_453] {strides = array<i32>} : memref<64x512xf32, #tpu.memory_space<vmem>>, vector<16xf32>,
      tpu.vector_store %arg7[%swap3A_452, %swap3A_453], %broadcast_in_dim3A_3 {strides = array<i32>} : memref<64x512xf32, #tpu.memory_space<vmem>>, vector<16xf32>,
      %mul3A_455 = arith.constant 16 : i32
      %mul3A_456 = arith.muli %scan3A_323, %mul3A_455 : i32
      %swap3A_457 = arith.constant 22 : i32
      %swap3A_458 = arith.index_cast %swap3A_457 : i32 to index
      %swap3A_459 = arith.index_cast %mul3A_456 : i32 to index
      %swap3A_460 = tpu.vector_load %arg7[%swap3A_458, %swap3A_459] {strides = array<i32>} : memref<64x512xf32, #tpu.memory_space<vmem>>, vector<16xf32>,
      tpu.vector_store %arg7[%swap3A_458, %swap3A_459], %broadcast_in_dim3A_3 {strides = array<i32>} : memref<64x512xf32, #tpu.memory_space<vmem>>, vector<16xf32>,
      %mul3A_461 = arith.constant 16 : i32
      %mul3A_462 = arith.muli %scan3A_323, %mul3A_461 : i32
      %swap3A_463 = arith.constant 23 : i32
      %swap3A_464 = arith.index_cast %swap3A_463 : i32 to index
      %swap3A_465 = arith.index_cast %mul3A_462 : i32 to index
      %swap3A_466 = tpu.vector_load %arg7[%swap3A_464, %swap3A_465] {strides = array<i32>} : memref<64x512xf32, #tpu.memory_space<vmem>>, vector<16xf32>,
      tpu.vector_store %arg7[%swap3A_464, %swap3A_465], %broadcast_in_dim3A_3 {strides = array<i32>} : memref<64x512xf32, #tpu.memory_space<vmem>>, vector<16xf32>,
      %mul3A_467 = arith.constant 16 : i32
      %mul3A_468 = arith.muli %scan3A_323, %mul3A_467 : i32
      %swap3A_469 = arith.constant 24 : i32
      %swap3A_470 = arith.index_cast %swap3A_469 : i32 to index
      %swap3A_471 = arith.index_cast %mul3A_468 : i32 to index
      %swap3A_472 = tpu.vector_load %arg7[%swap3A_470, %swap3A_471] {strides = array<i32>} : memref<64x512xf32, #tpu.memory_space<vmem>>, vector<16xf32>,
      tpu.vector_store %arg7[%swap3A_470, %swap3A_471], %broadcast_in_dim3A_3 {strides = array<i32>} : memref<64x512xf32, #tpu.memory_space<vmem>>, vector<16xf32>,
      %mul3A_473 = arith.constant 16 : i32
      %mul3A_474 = arith.muli %scan3A_323, %mul3A_473 : i32
      %swap3A_475 = arith.constant 25 : i32
      %swap3A_476 = arith.index_cast %swap3A_475 : i32 to index
      %swap3A_477 = arith.index_cast %mul3A_474 : i32 to index
      %swap3A_478 = tpu.vector_load %arg7[%swap3A_476, %swap3A_477] {strides = array<i32>} : memref<64x512xf32, #tpu.memory_space<vmem>>, vector<16xf32>,
      tpu.vector_store %arg7[%swap3A_476, %swap3A_477], %broadcast_in_dim3A_3 {strides = array<i32>} : memref<64x512xf32, #tpu.memory_space<vmem>>, vector<16xf32>,
      %mul3A_479 = arith.constant 16 : i32
      %mul3A_480 = arith.muli %scan3A_323, %mul3A_479 : i32
      %swap3A_481 = arith.constant 26 : i32
      %swap3A_482 = arith.index_cast %swap3A_481 : i32 to index
      %swap3A_483 = arith.index_cast %mul3A_480 : i32 to index
      %swap3A_484 = tpu.vector_load %arg7[%swap3A_482, %swap3A_483] {strides = array<i32>} : memref<64x512xf32, #tpu.memory_space<vmem>>, vector<16xf32>,
      tpu.vector_store %arg7[%swap3A_482, %swap3A_483], %broadcast_in_dim3A_3 {strides = array<i32>} : memref<64x512xf32, #tpu.memory_space<vmem>>, vector<16xf32>,
      %mul3A_485 = arith.constant 16 : i32
      %mul3A_486 = arith.muli %scan3A_323, %mul3A_485 : i32
      %swap3A_487 = arith.constant 27 : i32
      %swap3A_488 = arith.index_cast %swap3A_487 : i32 to index
      %swap3A_489 = arith.index_cast %mul3A_486 : i32 to index
      %swap3A_490 = tpu.vector_load %arg7[%swap3A_488, %swap3A_489] {strides = array<i32>} : memref<64x512xf32, #tpu.memory_space<vmem>>, vector<16xf32>,
      tpu.vector_store %arg7[%swap3A_488, %swap3A_489], %broadcast_in_dim3A_3 {strides = array<i32>} : memref<64x512xf32, #tpu.memory_space<vmem>>, vector<16xf32>,
      %mul3A_491 = arith.constant 16 : i32
      %mul3A_492 = arith.muli %scan3A_323, %mul3A_491 : i32
      %swap3A_493 = arith.constant 28 : i32
      %swap3A_494 = arith.index_cast %swap3A_493 : i32 to index
      %swap3A_495 = arith.index_cast %mul3A_492 : i32 to index
      %swap3A_496 = tpu.vector_load %arg7[%swap3A_494, %swap3A_495] {strides = array<i32>} : memref<64x512xf32, #tpu.memory_space<vmem>>, vector<16xf32>,
      tpu.vector_store %arg7[%swap3A_494, %swap3A_495], %broadcast_in_dim3A_3 {strides = array<i32>} : memref<64x512xf32, #tpu.memory_space<vmem>>, vector<16xf32>,
      %mul3A_497 = arith.constant 16 : i32
      %mul3A_498 = arith.muli %scan3A_323, %mul3A_497 : i32
      %swap3A_499 = arith.constant 29 : i32
      %swap3A_500 = arith.index_cast %swap3A_499 : i32 to index
      %swap3A_501 = arith.index_cast %mul3A_498 : i32 to index
      %swap3A_502 = tpu.vector_load %arg7[%swap3A_500, %swap3A_501] {strides = array<i32>} : memref<64x512xf32, #tpu.memory_space<vmem>>, vector<16xf32>,
      tpu.vector_store %arg7[%swap3A_500, %swap3A_501], %broadcast_in_dim3A_3 {strides = array<i32>} : memref<64x512xf32, #tpu.memory_space<vmem>>, vector<16xf32>,
      %mul3A_503 = arith.constant 16 : i32
      %mul3A_504 = arith.muli %scan3A_323, %mul3A_503 : i32
      %swap3A_505 = arith.constant 30 : i32
      %swap3A_506 = arith.index_cast %swap3A_505 : i32 to index
      %swap3A_507 = arith.index_cast %mul3A_504 : i32 to index
      %swap3A_508 = tpu.vector_load %arg7[%swap3A_506, %swap3A_507] {strides = array<i32>} : memref<64x512xf32, #tpu.memory_space<vmem>>, vector<16xf32>,
      tpu.vector_store %arg7[%swap3A_506, %swap3A_507], %broadcast_in_dim3A_3 {strides = array<i32>} : memref<64x512xf32, #tpu.memory_space<vmem>>, vector<16xf32>,
      %mul3A_509 = arith.constant 16 : i32
      %mul3A_510 = arith.muli %scan3A_323, %mul3A_509 : i32
      %swap3A_511 = arith.constant 31 : i32
      %swap3A_512 = arith.index_cast %swap3A_511 : i32 to index
      %swap3A_513 = arith.index_cast %mul3A_510 : i32 to index
      %swap3A_514 = tpu.vector_load %arg7[%swap3A_512, %swap3A_513] {strides = array<i32>} : memref<64x512xf32, #tpu.memory_space<vmem>>, vector<16xf32>,
      tpu.vector_store %arg7[%swap3A_512, %swap3A_513], %broadcast_in_dim3A_3 {strides = array<i32>} : memref<64x512xf32, #tpu.memory_space<vmem>>, vector<16xf32>,
      %mul3A_515 = arith.constant 16 : i32
      %mul3A_516 = arith.muli %scan3A_323, %mul3A_515 : i32
      %swap3A_517 = arith.constant 32 : i32
      %swap3A_518 = arith.index_cast %swap3A_517 : i32 to index
      %swap3A_519 = arith.index_cast %mul3A_516 : i32 to index
      %swap3A_520 = tpu.vector_load %arg7[%swap3A_518, %swap3A_519] {strides = array<i32>} : memref<64x512xf32, #tpu.memory_space<vmem>>, vector<16xf32>,
      tpu.vector_store %arg7[%swap3A_518, %swap3A_519], %broadcast_in_dim3A_3 {strides = array<i32>} : memref<64x512xf32, #tpu.memory_space<vmem>>, vector<16xf32>,
      %mul3A_521 = arith.constant 16 : i32
      %mul3A_522 = arith.muli %scan3A_323, %mul3A_521 : i32
      %swap3A_523 = arith.constant 33 : i32
      %swap3A_524 = arith.index_cast %swap3A_523 : i32 to index
      %swap3A_525 = arith.index_cast %mul3A_522 : i32 to index
      %swap3A_526 = tpu.vector_load %arg7[%swap3A_524, %swap3A_525] {strides = array<i32>} : memref<64x512xf32, #tpu.memory_space<vmem>>, vector<16xf32>,
      tpu.vector_store %arg7[%swap3A_524, %swap3A_525], %broadcast_in_dim3A_3 {strides = array<i32>} : memref<64x512xf32, #tpu.memory_space<vmem>>, vector<16xf32>,
      %mul3A_527 = arith.constant 16 : i32
      %mul3A_528 = arith.muli %scan3A_323, %mul3A_527 : i32
      %swap3A_529 = arith.constant 34 : i32
      %swap3A_530 = arith.index_cast %swap3A_529 : i32 to index
      %swap3A_531 = arith.index_cast %mul3A_528 : i32 to index
      %swap3A_532 = tpu.vector_load %arg7[%swap3A_530, %swap3A_531] {strides = array<i32>} : memref<64x512xf32, #tpu.memory_space<vmem>>, vector<16xf32>,
      tpu.vector_store %arg7[%swap3A_530, %swap3A_531], %broadcast_in_dim3A_3 {strides = array<i32>} : memref<64x512xf32, #tpu.memory_space<vmem>>, vector<16xf32>,
      %mul3A_533 = arith.constant 16 : i32
      %mul3A_534 = arith.muli %scan3A_323, %mul3A_533 : i32
      %swap3A_535 = arith.constant 35 : i32
      %swap3A_536 = arith.index_cast %swap3A_535 : i32 to index
      %swap3A_537 = arith.index_cast %mul3A_534 : i32 to index
      %swap3A_538 = tpu.vector_load %arg7[%swap3A_536, %swap3A_537] {strides = array<i32>} : memref<64x512xf32, #tpu.memory_space<vmem>>, vector<16xf32>,
      tpu.vector_store %arg7[%swap3A_536, %swap3A_537], %broadcast_in_dim3A_3 {strides = array<i32>} : memref<64x512xf32, #tpu.memory_space<vmem>>, vector<16xf32>,
      %mul3A_539 = arith.constant 16 : i32
      %mul3A_540 = arith.muli %scan3A_323, %mul3A_539 : i32
      %swap3A_541 = arith.constant 36 : i32
      %swap3A_542 = arith.index_cast %swap3A_541 : i32 to index
      %swap3A_543 = arith.index_cast %mul3A_540 : i32 to index
      %swap3A_544 = tpu.vector_load %arg7[%swap3A_542, %swap3A_543] {strides = array<i32>} : memref<64x512xf32, #tpu.memory_space<vmem>>, vector<16xf32>,
      tpu.vector_store %arg7[%swap3A_542, %swap3A_543], %broadcast_in_dim3A_3 {strides = array<i32>} : memref<64x512xf32, #tpu.memory_space<vmem>>, vector<16xf32>,
      %mul3A_545 = arith.constant 16 : i32
      %mul3A_546 = arith.muli %scan3A_323, %mul3A_545 : i32
      %swap3A_547 = arith.constant 37 : i32
      %swap3A_548 = arith.index_cast %swap3A_547 : i32 to index
      %swap3A_549 = arith.index_cast %mul3A_546 : i32 to index
      %swap3A_550 = tpu.vector_load %arg7[%swap3A_548, %swap3A_549] {strides = array<i32>} : memref<64x512xf32, #tpu.memory_space<vmem>>, vector<16xf32>,
      tpu.vector_store %arg7[%swap3A_548, %swap3A_549], %broadcast_in_dim3A_3 {strides = array<i32>} : memref<64x512xf32, #tpu.memory_space<vmem>>, vector<16xf32>,
      %mul3A_551 = arith.constant 16 : i32
      %mul3A_552 = arith.muli %scan3A_323, %mul3A_551 : i32
      %swap3A_553 = arith.constant 38 : i32
      %swap3A_554 = arith.index_cast %swap3A_553 : i32 to index
      %swap3A_555 = arith.index_cast %mul3A_552 : i32 to index
      %swap3A_556 = tpu.vector_load %arg7[%swap3A_554, %swap3A_555] {strides = array<i32>} : memref<64x512xf32, #tpu.memory_space<vmem>>, vector<16xf32>,
      tpu.vector_store %arg7[%swap3A_554, %swap3A_555], %broadcast_in_dim3A_3 {strides = array<i32>} : memref<64x512xf32, #tpu.memory_space<vmem>>, vector<16xf32>,
      %mul3A_557 = arith.constant 16 : i32
      %mul3A_558 = arith.muli %scan3A_323, %mul3A_557 : i32
      %swap3A_559 = arith.constant 39 : i32
      %swap3A_560 = arith.index_cast %swap3A_559 : i32 to index
      %swap3A_561 = arith.index_cast %mul3A_558 : i32 to index
      %swap3A_562 = tpu.vector_load %arg7[%swap3A_560, %swap3A_561] {strides = array<i32>} : memref<64x512xf32, #tpu.memory_space<vmem>>, vector<16xf32>,
      tpu.vector_store %arg7[%swap3A_560, %swap3A_561], %broadcast_in_dim3A_3 {strides = array<i32>} : memref<64x512xf32, #tpu.memory_space<vmem>>, vector<16xf32>,
      %mul3A_563 = arith.constant 16 : i32
      %mul3A_564 = arith.muli %scan3A_323, %mul3A_563 : i32
      %swap3A_565 = arith.constant 40 : i32
      %swap3A_566 = arith.index_cast %swap3A_565 : i32 to index
      %swap3A_567 = arith.index_cast %mul3A_564 : i32 to index
      %swap3A_568 = tpu.vector_load %arg7[%swap3A_566, %swap3A_567] {strides = array<i32>} : memref<64x512xf32, #tpu.memory_space<vmem>>, vector<16xf32>,
      tpu.vector_store %arg7[%swap3A_566, %swap3A_567], %broadcast_in_dim3A_3 {strides = array<i32>} : memref<64x512xf32, #tpu.memory_space<vmem>>, vector<16xf32>,
      %mul3A_569 = arith.constant 16 : i32
      %mul3A_570 = arith.muli %scan3A_323, %mul3A_569 : i32
      %swap3A_571 = arith.constant 41 : i32
      %swap3A_572 = arith.index_cast %swap3A_571 : i32 to index
      %swap3A_573 = arith.index_cast %mul3A_570 : i32 to index
      %swap3A_574 = tpu.vector_load %arg7[%swap3A_572, %swap3A_573] {strides = array<i32>} : memref<64x512xf32, #tpu.memory_space<vmem>>, vector<16xf32>,
      tpu.vector_store %arg7[%swap3A_572, %swap3A_573], %broadcast_in_dim3A_3 {strides = array<i32>} : memref<64x512xf32, #tpu.memory_space<vmem>>, vector<16xf32>,
      %mul3A_575 = arith.constant 16 : i32
      %mul3A_576 = arith.muli %scan3A_323, %mul3A_575 : i32
      %swap3A_577 = arith.constant 42 : i32
      %swap3A_578 = arith.index_cast %swap3A_577 : i32 to index
      %swap3A_579 = arith.index_cast %mul3A_576 : i32 to index
      %swap3A_580 = tpu.vector_load %arg7[%swap3A_578, %swap3A_579] {strides = array<i32>} : memref<64x512xf32, #tpu.memory_space<vmem>>, vector<16xf32>,
      tpu.vector_store %arg7[%swap3A_578, %swap3A_579], %broadcast_in_dim3A_3 {strides = array<i32>} : memref<64x512xf32, #tpu.memory_space<vmem>>, vector<16xf32>,
      %mul3A_581 = arith.constant 16 : i32
      %mul3A_582 = arith.muli %scan3A_323, %mul3A_581 : i32
      %swap3A_583 = arith.constant 43 : i32
      %swap3A_584 = arith.index_cast %swap3A_583 : i32 to index
      %swap3A_585 = arith.index_cast %mul3A_582 : i32 to index
      %swap3A_586 = tpu.vector_load %arg7[%swap3A_584, %swap3A_585] {strides = array<i32>} : memref<64x512xf32, #tpu.memory_space<vmem>>, vector<16xf32>,
      tpu.vector_store %arg7[%swap3A_584, %swap3A_585], %broadcast_in_dim3A_3 {strides = array<i32>} : memref<64x512xf32, #tpu.memory_space<vmem>>, vector<16xf32>,
      %mul3A_587 = arith.constant 16 : i32
      %mul3A_588 = arith.muli %scan3A_323, %mul3A_587 : i32
      %swap3A_589 = arith.constant 44 : i32
      %swap3A_590 = arith.index_cast %swap3A_589 : i32 to index
      %swap3A_591 = arith.index_cast %mul3A_588 : i32 to index
      %swap3A_592 = tpu.vector_load %arg7[%swap3A_590, %swap3A_591] {strides = array<i32>} : memref<64x512xf32, #tpu.memory_space<vmem>>, vector<16xf32>,
      tpu.vector_store %arg7[%swap3A_590, %swap3A_591], %broadcast_in_dim3A_3 {strides = array<i32>} : memref<64x512xf32, #tpu.memory_space<vmem>>, vector<16xf32>,
      %mul3A_593 = arith.constant 16 : i32
      %mul3A_594 = arith.muli %scan3A_323, %mul3A_593 : i32
      %swap3A_595 = arith.constant 45 : i32
      %swap3A_596 = arith.index_cast %swap3A_595 : i32 to index
      %swap3A_597 = arith.index_cast %mul3A_594 : i32 to index
      %swap3A_598 = tpu.vector_load %arg7[%swap3A_596, %swap3A_597] {strides = array<i32>} : memref<64x512xf32, #tpu.memory_space<vmem>>, vector<16xf32>,
      tpu.vector_store %arg7[%swap3A_596, %swap3A_597], %broadcast_in_dim3A_3 {strides = array<i32>} : memref<64x512xf32, #tpu.memory_space<vmem>>, vector<16xf32>,
      %mul3A_599 = arith.constant 16 : i32
      %mul3A_600 = arith.muli %scan3A_323, %mul3A_599 : i32
      %swap3A_601 = arith.constant 46 : i32
      %swap3A_602 = arith.index_cast %swap3A_601 : i32 to index
      %swap3A_603 = arith.index_cast %mul3A_600 : i32 to index
      %swap3A_604 = tpu.vector_load %arg7[%swap3A_602, %swap3A_603] {strides = array<i32>} : memref<64x512xf32, #tpu.memory_space<vmem>>, vector<16xf32>,
      tpu.vector_store %arg7[%swap3A_602, %swap3A_603], %broadcast_in_dim3A_3 {strides = array<i32>} : memref<64x512xf32, #tpu.memory_space<vmem>>, vector<16xf32>,
      %mul3A_605 = arith.constant 16 : i32
      %mul3A_606 = arith.muli %scan3A_323, %mul3A_605 : i32
      %swap3A_607 = arith.constant 47 : i32
      %swap3A_608 = arith.index_cast %swap3A_607 : i32 to index
      %swap3A_609 = arith.index_cast %mul3A_606 : i32 to index
      %swap3A_610 = tpu.vector_load %arg7[%swap3A_608, %swap3A_609] {strides = array<i32>} : memref<64x512xf32, #tpu.memory_space<vmem>>, vector<16xf32>,
      tpu.vector_store %arg7[%swap3A_608, %swap3A_609], %broadcast_in_dim3A_3 {strides = array<i32>} : memref<64x512xf32, #tpu.memory_space<vmem>>, vector<16xf32>,
      %mul3A_611 = arith.constant 16 : i32
      %mul3A_612 = arith.muli %scan3A_323, %mul3A_611 : i32
      %swap3A_613 = arith.constant 48 : i32
      %swap3A_614 = arith.index_cast %swap3A_613 : i32 to index
      %swap3A_615 = arith.index_cast %mul3A_612 : i32 to index
      %swap3A_616 = tpu.vector_load %arg7[%swap3A_614, %swap3A_615] {strides = array<i32>} : memref<64x512xf32, #tpu.memory_space<vmem>>, vector<16xf32>,
      tpu.vector_store %arg7[%swap3A_614, %swap3A_615], %broadcast_in_dim3A_3 {strides = array<i32>} : memref<64x512xf32, #tpu.memory_space<vmem>>, vector<16xf32>,
      %mul3A_617 = arith.constant 16 : i32
      %mul3A_618 = arith.muli %scan3A_323, %mul3A_617 : i32
      %swap3A_619 = arith.constant 49 : i32
      %swap3A_620 = arith.index_cast %swap3A_619 : i32 to index
      %swap3A_621 = arith.index_cast %mul3A_618 : i32 to index
      %swap3A_622 = tpu.vector_load %arg7[%swap3A_620, %swap3A_621] {strides = array<i32>} : memref<64x512xf32, #tpu.memory_space<vmem>>, vector<16xf32>,
      tpu.vector_store %arg7[%swap3A_620, %swap3A_621], %broadcast_in_dim3A_3 {strides = array<i32>} : memref<64x512xf32, #tpu.memory_space<vmem>>, vector<16xf32>,
      %mul3A_623 = arith.constant 16 : i32
      %mul3A_624 = arith.muli %scan3A_323, %mul3A_623 : i32
      %swap3A_625 = arith.constant 50 : i32
      %swap3A_626 = arith.index_cast %swap3A_625 : i32 to index
      %swap3A_627 = arith.index_cast %mul3A_624 : i32 to index
      %swap3A_628 = tpu.vector_load %arg7[%swap3A_626, %swap3A_627] {strides = array<i32>} : memref<64x512xf32, #tpu.memory_space<vmem>>, vector<16xf32>,
      tpu.vector_store %arg7[%swap3A_626, %swap3A_627], %broadcast_in_dim3A_3 {strides = array<i32>} : memref<64x512xf32, #tpu.memory_space<vmem>>, vector<16xf32>,
      %mul3A_629 = arith.constant 16 : i32
      %mul3A_630 = arith.muli %scan3A_323, %mul3A_629 : i32
      %swap3A_631 = arith.constant 51 : i32
      %swap3A_632 = arith.index_cast %swap3A_631 : i32 to index
      %swap3A_633 = arith.index_cast %mul3A_630 : i32 to index
      %swap3A_634 = tpu.vector_load %arg7[%swap3A_632, %swap3A_633] {strides = array<i32>} : memref<64x512xf32, #tpu.memory_space<vmem>>, vector<16xf32>,
      tpu.vector_store %arg7[%swap3A_632, %swap3A_633], %broadcast_in_dim3A_3 {strides = array<i32>} : memref<64x512xf32, #tpu.memory_space<vmem>>, vector<16xf32>,
      %mul3A_635 = arith.constant 16 : i32
      %mul3A_636 = arith.muli %scan3A_323, %mul3A_635 : i32
      %swap3A_637 = arith.constant 52 : i32
      %swap3A_638 = arith.index_cast %swap3A_637 : i32 to index
      %swap3A_639 = arith.index_cast %mul3A_636 : i32 to index
      %swap3A_640 = tpu.vector_load %arg7[%swap3A_638, %swap3A_639] {strides = array<i32>} : memref<64x512xf32, #tpu.memory_space<vmem>>, vector<16xf32>,
      tpu.vector_store %arg7[%swap3A_638, %swap3A_639], %broadcast_in_dim3A_3 {strides = array<i32>} : memref<64x512xf32, #tpu.memory_space<vmem>>, vector<16xf32>,
      %mul3A_641 = arith.constant 16 : i32
      %mul3A_642 = arith.muli %scan3A_323, %mul3A_641 : i32
      %swap3A_643 = arith.constant 53 : i32
      %swap3A_644 = arith.index_cast %swap3A_643 : i32 to index
      %swap3A_645 = arith.index_cast %mul3A_642 : i32 to index
      %swap3A_646 = tpu.vector_load %arg7[%swap3A_644, %swap3A_645] {strides = array<i32>} : memref<64x512xf32, #tpu.memory_space<vmem>>, vector<16xf32>,
      tpu.vector_store %arg7[%swap3A_644, %swap3A_645], %broadcast_in_dim3A_3 {strides = array<i32>} : memref<64x512xf32, #tpu.memory_space<vmem>>, vector<16xf32>,
      %mul3A_647 = arith.constant 16 : i32
      %mul3A_648 = arith.muli %scan3A_323, %mul3A_647 : i32
      %swap3A_649 = arith.constant 54 : i32
      %swap3A_650 = arith.index_cast %swap3A_649 : i32 to index
      %swap3A_651 = arith.index_cast %mul3A_648 : i32 to index
      %swap3A_652 = tpu.vector_load %arg7[%swap3A_650, %swap3A_651] {strides = array<i32>} : memref<64x512xf32, #tpu.memory_space<vmem>>, vector<16xf32>,
      tpu.vector_store %arg7[%swap3A_650, %swap3A_651], %broadcast_in_dim3A_3 {strides = array<i32>} : memref<64x512xf32, #tpu.memory_space<vmem>>, vector<16xf32>,
      %mul3A_653 = arith.constant 16 : i32
      %mul3A_654 = arith.muli %scan3A_323, %mul3A_653 : i32
      %swap3A_655 = arith.constant 55 : i32
      %swap3A_656 = arith.index_cast %swap3A_655 : i32 to index
      %swap3A_657 = arith.index_cast %mul3A_654 : i32 to index
      %swap3A_658 = tpu.vector_load %arg7[%swap3A_656, %swap3A_657] {strides = array<i32>} : memref<64x512xf32, #tpu.memory_space<vmem>>, vector<16xf32>,
      tpu.vector_store %arg7[%swap3A_656, %swap3A_657], %broadcast_in_dim3A_3 {strides = array<i32>} : memref<64x512xf32, #tpu.memory_space<vmem>>, vector<16xf32>,
      %mul3A_659 = arith.constant 16 : i32
      %mul3A_660 = arith.muli %scan3A_323, %mul3A_659 : i32
      %swap3A_661 = arith.constant 56 : i32
      %swap3A_662 = arith.index_cast %swap3A_661 : i32 to index
      %swap3A_663 = arith.index_cast %mul3A_660 : i32 to index
      %swap3A_664 = tpu.vector_load %arg7[%swap3A_662, %swap3A_663] {strides = array<i32>} : memref<64x512xf32, #tpu.memory_space<vmem>>, vector<16xf32>,
      tpu.vector_store %arg7[%swap3A_662, %swap3A_663], %broadcast_in_dim3A_3 {strides = array<i32>} : memref<64x512xf32, #tpu.memory_space<vmem>>, vector<16xf32>,
      %mul3A_665 = arith.constant 16 : i32
      %mul3A_666 = arith.muli %scan3A_323, %mul3A_665 : i32
      %swap3A_667 = arith.constant 57 : i32
      %swap3A_668 = arith.index_cast %swap3A_667 : i32 to index
      %swap3A_669 = arith.index_cast %mul3A_666 : i32 to index
      %swap3A_670 = tpu.vector_load %arg7[%swap3A_668, %swap3A_669] {strides = array<i32>} : memref<64x512xf32, #tpu.memory_space<vmem>>, vector<16xf32>,
      tpu.vector_store %arg7[%swap3A_668, %swap3A_669], %broadcast_in_dim3A_3 {strides = array<i32>} : memref<64x512xf32, #tpu.memory_space<vmem>>, vector<16xf32>,
      %mul3A_671 = arith.constant 16 : i32
      %mul3A_672 = arith.muli %scan3A_323, %mul3A_671 : i32
      %swap3A_673 = arith.constant 58 : i32
      %swap3A_674 = arith.index_cast %swap3A_673 : i32 to index
      %swap3A_675 = arith.index_cast %mul3A_672 : i32 to index
      %swap3A_676 = tpu.vector_load %arg7[%swap3A_674, %swap3A_675] {strides = array<i32>} : memref<64x512xf32, #tpu.memory_space<vmem>>, vector<16xf32>,
      tpu.vector_store %arg7[%swap3A_674, %swap3A_675], %broadcast_in_dim3A_3 {strides = array<i32>} : memref<64x512xf32, #tpu.memory_space<vmem>>, vector<16xf32>,
      %mul3A_677 = arith.constant 16 : i32
      %mul3A_678 = arith.muli %scan3A_323, %mul3A_677 : i32
      %swap3A_679 = arith.constant 59 : i32
      %swap3A_680 = arith.index_cast %swap3A_679 : i32 to index
      %swap3A_681 = arith.index_cast %mul3A_678 : i32 to index
      %swap3A_682 = tpu.vector_load %arg7[%swap3A_680, %swap3A_681] {strides = array<i32>} : memref<64x512xf32, #tpu.memory_space<vmem>>, vector<16xf32>,
      tpu.vector_store %arg7[%swap3A_680, %swap3A_681], %broadcast_in_dim3A_3 {strides = array<i32>} : memref<64x512xf32, #tpu.memory_space<vmem>>, vector<16xf32>,
      %mul3A_683 = arith.constant 16 : i32
      %mul3A_684 = arith.muli %scan3A_323, %mul3A_683 : i32
      %swap3A_685 = arith.constant 60 : i32
      %swap3A_686 = arith.index_cast %swap3A_685 : i32 to index
      %swap3A_687 = arith.index_cast %mul3A_684 : i32 to index
      %swap3A_688 = tpu.vector_load %arg7[%swap3A_686, %swap3A_687] {strides = array<i32>} : memref<64x512xf32, #tpu.memory_space<vmem>>, vector<16xf32>,
      tpu.vector_store %arg7[%swap3A_686, %swap3A_687], %broadcast_in_dim3A_3 {strides = array<i32>} : memref<64x512xf32, #tpu.memory_space<vmem>>, vector<16xf32>,
      %mul3A_689 = arith.constant 16 : i32
      %mul3A_690 = arith.muli %scan3A_323, %mul3A_689 : i32
      %swap3A_691 = arith.constant 61 : i32
      %swap3A_692 = arith.index_cast %swap3A_691 : i32 to index
      %swap3A_693 = arith.index_cast %mul3A_690 : i32 to index
      %swap3A_694 = tpu.vector_load %arg7[%swap3A_692, %swap3A_693] {strides = array<i32>} : memref<64x512xf32, #tpu.memory_space<vmem>>, vector<16xf32>,
      tpu.vector_store %arg7[%swap3A_692, %swap3A_693], %broadcast_in_dim3A_3 {strides = array<i32>} : memref<64x512xf32, #tpu.memory_space<vmem>>, vector<16xf32>,
      %mul3A_695 = arith.constant 16 : i32
      %mul3A_696 = arith.muli %scan3A_323, %mul3A_695 : i32
      %swap3A_697 = arith.constant 62 : i32
      %swap3A_698 = arith.index_cast %swap3A_697 : i32 to index
      %swap3A_699 = arith.index_cast %mul3A_696 : i32 to index
      %swap3A_700 = tpu.vector_load %arg7[%swap3A_698, %swap3A_699] {strides = array<i32>} : memref<64x512xf32, #tpu.memory_space<vmem>>, vector<16xf32>,
      tpu.vector_store %arg7[%swap3A_698, %swap3A_699], %broadcast_in_dim3A_3 {strides = array<i32>} : memref<64x512xf32, #tpu.memory_space<vmem>>, vector<16xf32>,
      %mul3A_701 = arith.constant 16 : i32
      %mul3A_702 = arith.muli %scan3A_323, %mul3A_701 : i32
      %swap3A_703 = arith.constant 63 : i32
      %swap3A_704 = arith.index_cast %swap3A_703 : i32 to index
      %swap3A_705 = arith.index_cast %mul3A_702 : i32 to index
      %swap3A_706 = tpu.vector_load %arg7[%swap3A_704, %swap3A_705] {strides = array<i32>} : memref<64x512xf32, #tpu.memory_space<vmem>>, vector<16xf32>,
      tpu.vector_store %arg7[%swap3A_704, %swap3A_705], %broadcast_in_dim3A_3 {strides = array<i32>} : memref<64x512xf32, #tpu.memory_space<vmem>>, vector<16xf32>,
    }
    %scan3A_41 = arith.constant 32 : i32
    %scan3A_42 = arith.constant 0 : i32
    %scan3A_43 = arith.constant 0 : i32
    %scan3A_44 = arith.constant 32 : i32
    %scan3A_45 = arith.addi %scan3A_43, %scan3A_44 : i32
    %scan3A_46 = arith.constant 1 : i32
    scf.for %scan3A_323 = %scan3A_43 to %scan3A_45 step %scan3A_46  : i32 {
      %mul3A_324 = arith.constant 16 : i32
      %mul3A_325 = arith.muli %scan3A_323, %mul3A_324 : i32
      %get3A = arith.index_cast %mul3A_325 : i32 to index
      %get3A_326 = tpu.vector_load %arg4[%get3A] {strides = array<i32>} : memref<512xi32, #tpu.memory_space<vmem>>, vector<16xi32>,
      %sub3A = arith.constant 128 : i32
      %sub3A_327 = vector.broadcast %sub3A : i32 to vector<16xi32>
      %sub3A_328 = arith.subi %get3A_326, %sub3A_327 : vector<16xi32>
      %mul3A_329 = arith.constant 16 : i32
      %mul3A_330 = arith.muli %scan3A_323, %mul3A_329 : i32
      %add3A_331 = vector.broadcast %mul3A_330 : i32 to vector<16xi32>
      %add3A_332 = arith.addi %iota3A, %add3A_331 : vector<16xi32>
      %ge3A = arith.constant 128 : i32
      %ge3A_333 = vector.broadcast %ge3A : i32 to vector<16xi32>
      %ge3A_334 = arith.cmpi sge, %get3A_326, %ge3A_333 : vector<16xi32>
      %lt3A = arith.constant 192 : i32
      %lt3A_335 = vector.broadcast %lt3A : i32 to vector<16xi32>
      %lt3A_336 = arith.cmpi slt, %get3A_326, %lt3A_335 : vector<16xi32>
      %and3A = arith.andi %ge3A_334, %lt3A_336 : vector<16xi1>
      tpu.vector_store_idx %arg7[%sub3A_328, %add3A_332], %broadcast_in_dim3A_5 masked %and3A : memref<64x512xf32, #tpu.memory_space<vmem>>[vector<16xi32>, vector<16xi32>], vector<16xf32>, vector<16xi1>
    }
    %scan3A_47 = arith.constant 32 : i32
    %dma_start3A_48 = arith.constant 128 : i32
    %dma_start3A_49 = tpu.memref_slice %arg3[%dma_start3A_48, %mul3A_2] : memref<1000x16384xf32, #tpu.memory_space<hbm>> -> memref<64x512xf32, #tpu.memory_space<hbm>>
    %dma_start3A_50 = arith.constant 128 : i32
    %dma_start3A_51 = tpu.memref_slice %arg3[%dma_start3A_50, %mul3A_2] : memref<1000x16384xf32, #tpu.memory_space<hbm>> -> memref<64x512xf32, #tpu.memory_space<hbm>>
    tpu.enqueue_dma source(%arg7 : memref<64x512xf32, #tpu.memory_space<vmem>>) target(%dma_start3A_51 : memref<64x512xf32, #tpu.memory_space<hbm>>) target_semaphore(%arg11 : memref<!tpu.dma_semaphore, #tpu.memory_space<semaphore_mem>>)
    %dma_wait3A = arith.constant 0 : i32
    %dma_wait3A_52 = tpu.memref_slice %arg3[%dma_wait3A, %mul3A_2] : memref<1000x16384xf32, #tpu.memory_space<hbm>> -> memref<64x512xf32, #tpu.memory_space<hbm>>
    %dma_wait3A_53 = arith.constant 0 : i32
    %dma_wait3A_54 = tpu.memref_slice %arg3[%dma_wait3A_53, %mul3A_2] : memref<1000x16384xf32, #tpu.memory_space<hbm>> -> memref<64x512xf32, #tpu.memory_space<hbm>>
    tpu.wait_dma2 semaphore(%arg9 : memref<!tpu.dma_semaphore, #tpu.memory_space<semaphore_mem>>) src(%arg5 : memref<64x512xf32, #tpu.memory_space<vmem>>) dst(%dma_wait3A_54 : memref<64x512xf32, #tpu.memory_space<hbm>>)
    %scan3A_55 = arith.constant 0 : i32
    %scan3A_56 = arith.constant 0 : i32
    %scan3A_57 = arith.constant 32 : i32
    %scan3A_58 = arith.addi %scan3A_56, %scan3A_57 : i32
    %scan3A_59 = arith.constant 1 : i32
    scf.for %scan3A_323 = %scan3A_56 to %scan3A_58 step %scan3A_59  : i32 {
      %mul3A_324 = arith.constant 16 : i32
      %mul3A_325 = arith.muli %scan3A_323, %mul3A_324 : i32
      %get3A = arith.index_cast %mul3A_325 : i32 to index
      %get3A_326 = tpu.vector_load %arg4[%get3A] {strides = array<i32>} : memref<512xi32, #tpu.memory_space<vmem>>, vector<16xi32>,
      %sub3A = arith.constant 0 : i32
      %sub3A_327 = vector.broadcast %sub3A : i32 to vector<16xi32>
      %sub3A_328 = arith.subi %get3A_326, %sub3A_327 : vector<16xi32>
      %mul3A_329 = arith.constant 16 : i32
      %mul3A_330 = arith.muli %scan3A_323, %mul3A_329 : i32
      %add3A_331 = vector.broadcast %mul3A_330 : i32 to vector<16xi32>
      %add3A_332 = arith.addi %iota3A, %add3A_331 : vector<16xi32>
      %ge3A = arith.constant 0 : i32
      %ge3A_333 = vector.broadcast %ge3A : i32 to vector<16xi32>
      %ge3A_334 = arith.cmpi sge, %get3A_326, %ge3A_333 : vector<16xi32>
      %lt3A = arith.constant 64 : i32
      %lt3A_335 = vector.broadcast %lt3A : i32 to vector<16xi32>
      %lt3A_336 = arith.cmpi slt, %get3A_326, %lt3A_335 : vector<16xi32>
      %and3A = arith.andi %ge3A_334, %lt3A_336 : vector<16xi1>
      tpu.vector_store_idx %arg5[%sub3A_328, %add3A_332], %broadcast_in_dim3A_3 masked %and3A : memref<64x512xf32, #tpu.memory_space<vmem>>[vector<16xi32>, vector<16xi32>], vector<16xf32>, vector<16xi1>
    }
    %scan3A_60 = arith.constant 32 : i32
    %scan3A_61 = arith.constant 0 : i32
    %scan3A_62 = arith.constant 0 : i32
    %scan3A_63 = arith.constant 32 : i32
    %scan3A_64 = arith.addi %scan3A_62, %scan3A_63 : i32
    %scan3A_65 = arith.constant 1 : i32
    scf.for %scan3A_323 = %scan3A_62 to %scan3A_64 step %scan3A_65  : i32 {
      %mul3A_324 = arith.constant 16 : i32
      %mul3A_325 = arith.muli %scan3A_323, %mul3A_324 : i32
      %get3A = arith.index_cast %mul3A_325 : i32 to index
      %get3A_326 = tpu.vector_load %arg4[%get3A] {strides = array<i32>} : memref<512xi32, #tpu.memory_space<vmem>>, vector<16xi32>,
      %sub3A = arith.constant 192 : i32
      %sub3A_327 = vector.broadcast %sub3A : i32 to vector<16xi32>
      %sub3A_328 = arith.subi %get3A_326, %sub3A_327 : vector<16xi32>
      %mul3A_329 = arith.constant 16 : i32
      %mul3A_330 = arith.muli %scan3A_323, %mul3A_329 : i32
      %add3A_331 = vector.broadcast %mul3A_330 : i32 to vector<16xi32>
      %add3A_332 = arith.addi %iota3A, %add3A_331 : vector<16xi32>
      %ge3A = arith.constant 192 : i32
      %ge3A_333 = vector.broadcast %ge3A : i32 to vector<16xi32>
      %ge3A_334 = arith.cmpi sge, %get3A_326, %ge3A_333 : vector<16xi32>
      %lt3A = arith.constant 256 : i32
      %lt3A_335 = vector.broadcast %lt3A : i32 to vector<16xi32>
      %lt3A_336 = arith.cmpi slt, %get3A_326, %lt3A_335 : vector<16xi32>
      %and3A = arith.andi %ge3A_334, %lt3A_336 : vector<16xi1>
      tpu.vector_store_idx %arg5[%sub3A_328, %add3A_332], %broadcast_in_dim3A_5 masked %and3A : memref<64x512xf32, #tpu.memory_space<vmem>>[vector<16xi32>, vector<16xi32>], vector<16xf32>, vector<16xi1>
    }
    %scan3A_66 = arith.constant 32 : i32
    %dma_start3A_67 = arith.constant 192 : i32
    %dma_start3A_68 = tpu.memref_slice %arg3[%dma_start3A_67, %mul3A_2] : memref<1000x16384xf32, #tpu.memory_space<hbm>> -> memref<64x512xf32, #tpu.memory_space<hbm>>
    %dma_start3A_69 = arith.constant 192 : i32
    %dma_start3A_70 = tpu.memref_slice %arg3[%dma_start3A_69, %mul3A_2] : memref<1000x16384xf32, #tpu.memory_space<hbm>> -> memref<64x512xf32, #tpu.memory_space<hbm>>
    tpu.enqueue_dma source(%arg5 : memref<64x512xf32, #tpu.memory_space<vmem>>) target(%dma_start3A_70 : memref<64x512xf32, #tpu.memory_space<hbm>>) target_semaphore(%arg9 : memref<!tpu.dma_semaphore, #tpu.memory_space<semaphore_mem>>)
    %dma_wait3A_71 = arith.constant 64 : i32
    %dma_wait3A_72 = tpu.memref_slice %arg3[%dma_wait3A_71, %mul3A_2] : memref<1000x16384xf32, #tpu.memory_space<hbm>> -> memref<64x512xf32, #tpu.memory_space<hbm>>
    %dma_wait3A_73 = arith.constant 64 : i32
    %dma_wait3A_74 = tpu.memref_slice %arg3[%dma_wait3A_73, %mul3A_2] : memref<1000x16384xf32, #tpu.memory_space<hbm>> -> memref<64x512xf32, #tpu.memory_space<hbm>>
    tpu.wait_dma2 semaphore(%arg10 : memref<!tpu.dma_semaphore, #tpu.memory_space<semaphore_mem>>) src(%arg6 : memref<64x512xf32, #tpu.memory_space<vmem>>) dst(%dma_wait3A_74 : memref<64x512xf32, #tpu.memory_space<hbm>>)
    %scan3A_75 = arith.constant 0 : i32
    %scan3A_76 = arith.constant 0 : i32
    %scan3A_77 = arith.constant 32 : i32
    %scan3A_78 = arith.addi %scan3A_76, %scan3A_77 : i32
    %scan3A_79 = arith.constant 1 : i32
    scf.for %scan3A_323 = %scan3A_76 to %scan3A_78 step %scan3A_79  : i32 {
      %mul3A_324 = arith.constant 16 : i32
      %mul3A_325 = arith.muli %scan3A_323, %mul3A_324 : i32
      %get3A = arith.index_cast %mul3A_325 : i32 to index
      %get3A_326 = tpu.vector_load %arg4[%get3A] {strides = array<i32>} : memref<512xi32, #tpu.memory_space<vmem>>, vector<16xi32>,
      %sub3A = arith.constant 64 : i32
      %sub3A_327 = vector.broadcast %sub3A : i32 to vector<16xi32>
      %sub3A_328 = arith.subi %get3A_326, %sub3A_327 : vector<16xi32>
      %mul3A_329 = arith.constant 16 : i32
      %mul3A_330 = arith.muli %scan3A_323, %mul3A_329 : i32
      %add3A_331 = vector.broadcast %mul3A_330 : i32 to vector<16xi32>
      %add3A_332 = arith.addi %iota3A, %add3A_331 : vector<16xi32>
      %ge3A = arith.constant 64 : i32
      %ge3A_333 = vector.broadcast %ge3A : i32 to vector<16xi32>
      %ge3A_334 = arith.cmpi sge, %get3A_326, %ge3A_333 : vector<16xi32>
      %lt3A = arith.constant 128 : i32
      %lt3A_335 = vector.broadcast %lt3A : i32 to vector<16xi32>
      %lt3A_336 = arith.cmpi slt, %get3A_326, %lt3A_335 : vector<16xi32>
      %and3A = arith.andi %ge3A_334, %lt3A_336 : vector<16xi1>
      tpu.vector_store_idx %arg6[%sub3A_328, %add3A_332], %broadcast_in_dim3A_3 masked %and3A : memref<64x512xf32, #tpu.memory_space<vmem>>[vector<16xi32>, vector<16xi32>], vector<16xf32>, vector<16xi1>
    }
    %scan3A_80 = arith.constant 32 : i32
    %scan3A_81 = arith.constant 0 : i32
    %scan3A_82 = arith.constant 0 : i32
    %scan3A_83 = arith.constant 32 : i32
    %scan3A_84 = arith.addi %scan3A_82, %scan3A_83 : i32
    %scan3A_85 = arith.constant 1 : i32
    scf.for %scan3A_323 = %scan3A_82 to %scan3A_84 step %scan3A_85  : i32 {
      %mul3A_324 = arith.constant 16 : i32
      %mul3A_325 = arith.muli %scan3A_323, %mul3A_324 : i32
      %get3A = arith.index_cast %mul3A_325 : i32 to index
      %get3A_326 = tpu.vector_load %arg4[%get3A] {strides = array<i32>} : memref<512xi32, #tpu.memory_space<vmem>>, vector<16xi32>,
      %sub3A = arith.constant 256 : i32
      %sub3A_327 = vector.broadcast %sub3A : i32 to vector<16xi32>
      %sub3A_328 = arith.subi %get3A_326, %sub3A_327 : vector<16xi32>
      %mul3A_329 = arith.constant 16 : i32
      %mul3A_330 = arith.muli %scan3A_323, %mul3A_329 : i32
      %add3A_331 = vector.broadcast %mul3A_330 : i32 to vector<16xi32>
      %add3A_332 = arith.addi %iota3A, %add3A_331 : vector<16xi32>
      %ge3A = arith.constant 256 : i32
      %ge3A_333 = vector.broadcast %ge3A : i32 to vector<16xi32>
      %ge3A_334 = arith.cmpi sge, %get3A_326, %ge3A_333 : vector<16xi32>
      %lt3A = arith.constant 320 : i32
      %lt3A_335 = vector.broadcast %lt3A : i32 to vector<16xi32>
      %lt3A_336 = arith.cmpi slt, %get3A_326, %lt3A_335 : vector<16xi32>
      %and3A = arith.andi %ge3A_334, %lt3A_336 : vector<16xi1>
      tpu.vector_store_idx %arg6[%sub3A_328, %add3A_332], %broadcast_in_dim3A_5 masked %and3A : memref<64x512xf32, #tpu.memory_space<vmem>>[vector<16xi32>, vector<16xi32>], vector<16xf32>, vector<16xi1>
    }
    %scan3A_86 = arith.constant 32 : i32
    %dma_start3A_87 = arith.constant 256 : i32
    %dma_start3A_88 = tpu.memref_slice %arg3[%dma_start3A_87, %mul3A_2] : memref<1000x16384xf32, #tpu.memory_space<hbm>> -> memref<64x512xf32, #tpu.memory_space<hbm>>
    %dma_start3A_89 = arith.constant 256 : i32
    %dma_start3A_90 = tpu.memref_slice %arg3[%dma_start3A_89, %mul3A_2] : memref<1000x16384xf32, #tpu.memory_space<hbm>> -> memref<64x512xf32, #tpu.memory_space<hbm>>
    tpu.enqueue_dma source(%arg6 : memref<64x512xf32, #tpu.memory_space<vmem>>) target(%dma_start3A_90 : memref<64x512xf32, #tpu.memory_space<hbm>>) target_semaphore(%arg10 : memref<!tpu.dma_semaphore, #tpu.memory_space<semaphore_mem>>)
    %dma_wait3A_91 = arith.constant 128 : i32
    %dma_wait3A_92 = tpu.memref_slice %arg3[%dma_wait3A_91, %mul3A_2] : memref<1000x16384xf32, #tpu.memory_space<hbm>> -> memref<64x512xf32, #tpu.memory_space<hbm>>
    %dma_wait3A_93 = arith.constant 128 : i32
    %dma_wait3A_94 = tpu.memref_slice %arg3[%dma_wait3A_93, %mul3A_2] : memref<1000x16384xf32, #tpu.memory_space<hbm>> -> memref<64x512xf32, #tpu.memory_space<hbm>>
    tpu.wait_dma2 semaphore(%arg11 : memref<!tpu.dma_semaphore, #tpu.memory_space<semaphore_mem>>) src(%arg7 : memref<64x512xf32, #tpu.memory_space<vmem>>) dst(%dma_wait3A_94 : memref<64x512xf32, #tpu.memory_space<hbm>>)
    %scan3A_95 = arith.constant 0 : i32
    %scan3A_96 = arith.constant 0 : i32
    %scan3A_97 = arith.constant 32 : i32
    %scan3A_98 = arith.addi %scan3A_96, %scan3A_97 : i32
    %scan3A_99 = arith.constant 1 : i32
    scf.for %scan3A_323 = %scan3A_96 to %scan3A_98 step %scan3A_99  : i32 {
      %mul3A_324 = arith.constant 16 : i32
      %mul3A_325 = arith.muli %scan3A_323, %mul3A_324 : i32
      %get3A = arith.index_cast %mul3A_325 : i32 to index
      %get3A_326 = tpu.vector_load %arg4[%get3A] {strides = array<i32>} : memref<512xi32, #tpu.memory_space<vmem>>, vector<16xi32>,
      %sub3A = arith.constant 128 : i32
      %sub3A_327 = vector.broadcast %sub3A : i32 to vector<16xi32>
      %sub3A_328 = arith.subi %get3A_326, %sub3A_327 : vector<16xi32>
      %mul3A_329 = arith.constant 16 : i32
      %mul3A_330 = arith.muli %scan3A_323, %mul3A_329 : i32
      %add3A_331 = vector.broadcast %mul3A_330 : i32 to vector<16xi32>
      %add3A_332 = arith.addi %iota3A, %add3A_331 : vector<16xi32>
      %ge3A = arith.constant 128 : i32
      %ge3A_333 = vector.broadcast %ge3A : i32 to vector<16xi32>
      %ge3A_334 = arith.cmpi sge, %get3A_326, %ge3A_333 : vector<16xi32>
      %lt3A = arith.constant 192 : i32
      %lt3A_335 = vector.broadcast %lt3A : i32 to vector<16xi32>
      %lt3A_336 = arith.cmpi slt, %get3A_326, %lt3A_335 : vector<16xi32>
      %and3A = arith.andi %ge3A_334, %lt3A_336 : vector<16xi1>
      tpu.vector_store_idx %arg7[%sub3A_328, %add3A_332], %broadcast_in_dim3A_3 masked %and3A : memref<64x512xf32, #tpu.memory_space<vmem>>[vector<16xi32>, vector<16xi32>], vector<16xf32>, vector<16xi1>
    }
    %scan3A_100 = arith.constant 32 : i32
    %scan3A_101 = arith.constant 0 : i32
    %scan3A_102 = arith.constant 0 : i32
    %scan3A_103 = arith.constant 32 : i32
    %scan3A_104 = arith.addi %scan3A_102, %scan3A_103 : i32
    %scan3A_105 = arith.constant 1 : i32
    scf.for %scan3A_323 = %scan3A_102 to %scan3A_104 step %scan3A_105  : i32 {
      %mul3A_324 = arith.constant 16 : i32
      %mul3A_325 = arith.muli %scan3A_323, %mul3A_324 : i32
      %get3A = arith.index_cast %mul3A_325 : i32 to index
      %get3A_326 = tpu.vector_load %arg4[%get3A] {strides = array<i32>} : memref<512xi32, #tpu.memory_space<vmem>>, vector<16xi32>,
      %sub3A = arith.constant 320 : i32
      %sub3A_327 = vector.broadcast %sub3A : i32 to vector<16xi32>
      %sub3A_328 = arith.subi %get3A_326, %sub3A_327 : vector<16xi32>
      %mul3A_329 = arith.constant 16 : i32
      %mul3A_330 = arith.muli %scan3A_323, %mul3A_329 : i32
      %add3A_331 = vector.broadcast %mul3A_330 : i32 to vector<16xi32>
      %add3A_332 = arith.addi %iota3A, %add3A_331 : vector<16xi32>
      %ge3A = arith.constant 320 : i32
      %ge3A_333 = vector.broadcast %ge3A : i32 to vector<16xi32>
      %ge3A_334 = arith.cmpi sge, %get3A_326, %ge3A_333 : vector<16xi32>
      %lt3A = arith.constant 384 : i32
      %lt3A_335 = vector.broadcast %lt3A : i32 to vector<16xi32>
      %lt3A_336 = arith.cmpi slt, %get3A_326, %lt3A_335 : vector<16xi32>
      %and3A = arith.andi %ge3A_334, %lt3A_336 : vector<16xi1>
      tpu.vector_store_idx %arg7[%sub3A_328, %add3A_332], %broadcast_in_dim3A_5 masked %and3A : memref<64x512xf32, #tpu.memory_space<vmem>>[vector<16xi32>, vector<16xi32>], vector<16xf32>, vector<16xi1>
    }
    %scan3A_106 = arith.constant 32 : i32
    %dma_start3A_107 = arith.constant 320 : i32
    %dma_start3A_108 = tpu.memref_slice %arg3[%dma_start3A_107, %mul3A_2] : memref<1000x16384xf32, #tpu.memory_space<hbm>> -> memref<64x512xf32, #tpu.memory_space<hbm>>
    %dma_start3A_109 = arith.constant 320 : i32
    %dma_start3A_110 = tpu.memref_slice %arg3[%dma_start3A_109, %mul3A_2] : memref<1000x16384xf32, #tpu.memory_space<hbm>> -> memref<64x512xf32, #tpu.memory_space<hbm>>
    tpu.enqueue_dma source(%arg7 : memref<64x512xf32, #tpu.memory_space<vmem>>) target(%dma_start3A_110 : memref<64x512xf32, #tpu.memory_space<hbm>>) target_semaphore(%arg11 : memref<!tpu.dma_semaphore, #tpu.memory_space<semaphore_mem>>)
    %dma_wait3A_111 = arith.constant 192 : i32
    %dma_wait3A_112 = tpu.memref_slice %arg3[%dma_wait3A_111, %mul3A_2] : memref<1000x16384xf32, #tpu.memory_space<hbm>> -> memref<64x512xf32, #tpu.memory_space<hbm>>
    %dma_wait3A_113 = arith.constant 192 : i32
    %dma_wait3A_114 = tpu.memref_slice %arg3[%dma_wait3A_113, %mul3A_2] : memref<1000x16384xf32, #tpu.memory_space<hbm>> -> memref<64x512xf32, #tpu.memory_space<hbm>>
    tpu.wait_dma2 semaphore(%arg9 : memref<!tpu.dma_semaphore, #tpu.memory_space<semaphore_mem>>) src(%arg5 : memref<64x512xf32, #tpu.memory_space<vmem>>) dst(%dma_wait3A_114 : memref<64x512xf32, #tpu.memory_space<hbm>>)
    %scan3A_115 = arith.constant 0 : i32
    %scan3A_116 = arith.constant 0 : i32
    %scan3A_117 = arith.constant 32 : i32
    %scan3A_118 = arith.addi %scan3A_116, %scan3A_117 : i32
    %scan3A_119 = arith.constant 1 : i32
    scf.for %scan3A_323 = %scan3A_116 to %scan3A_118 step %scan3A_119  : i32 {
      %mul3A_324 = arith.constant 16 : i32
      %mul3A_325 = arith.muli %scan3A_323, %mul3A_324 : i32
      %get3A = arith.index_cast %mul3A_325 : i32 to index
      %get3A_326 = tpu.vector_load %arg4[%get3A] {strides = array<i32>} : memref<512xi32, #tpu.memory_space<vmem>>, vector<16xi32>,
      %sub3A = arith.constant 192 : i32
      %sub3A_327 = vector.broadcast %sub3A : i32 to vector<16xi32>
      %sub3A_328 = arith.subi %get3A_326, %sub3A_327 : vector<16xi32>
      %mul3A_329 = arith.constant 16 : i32
      %mul3A_330 = arith.muli %scan3A_323, %mul3A_329 : i32
      %add3A_331 = vector.broadcast %mul3A_330 : i32 to vector<16xi32>
      %add3A_332 = arith.addi %iota3A, %add3A_331 : vector<16xi32>
      %ge3A = arith.constant 192 : i32
      %ge3A_333 = vector.broadcast %ge3A : i32 to vector<16xi32>
      %ge3A_334 = arith.cmpi sge, %get3A_326, %ge3A_333 : vector<16xi32>
      %lt3A = arith.constant 256 : i32
      %lt3A_335 = vector.broadcast %lt3A : i32 to vector<16xi32>
      %lt3A_336 = arith.cmpi slt, %get3A_326, %lt3A_335 : vector<16xi32>
      %and3A = arith.andi %ge3A_334, %lt3A_336 : vector<16xi1>
      tpu.vector_store_idx %arg5[%sub3A_328, %add3A_332], %broadcast_in_dim3A_3 masked %and3A : memref<64x512xf32, #tpu.memory_space<vmem>>[vector<16xi32>, vector<16xi32>], vector<16xf32>, vector<16xi1>
    }
    %scan3A_120 = arith.constant 32 : i32
    %scan3A_121 = arith.constant 0 : i32
    %scan3A_122 = arith.constant 0 : i32
    %scan3A_123 = arith.constant 32 : i32
    %scan3A_124 = arith.addi %scan3A_122, %scan3A_123 : i32
    %scan3A_125 = arith.constant 1 : i32
    scf.for %scan3A_323 = %scan3A_122 to %scan3A_124 step %scan3A_125  : i32 {
      %mul3A_324 = arith.constant 16 : i32
      %mul3A_325 = arith.muli %scan3A_323, %mul3A_324 : i32
      %get3A = arith.index_cast %mul3A_325 : i32 to index
      %get3A_326 = tpu.vector_load %arg4[%get3A] {strides = array<i32>} : memref<512xi32, #tpu.memory_space<vmem>>, vector<16xi32>,
      %sub3A = arith.constant 384 : i32
      %sub3A_327 = vector.broadcast %sub3A : i32 to vector<16xi32>
      %sub3A_328 = arith.subi %get3A_326, %sub3A_327 : vector<16xi32>
      %mul3A_329 = arith.constant 16 : i32
      %mul3A_330 = arith.muli %scan3A_323, %mul3A_329 : i32
      %add3A_331 = vector.broadcast %mul3A_330 : i32 to vector<16xi32>
      %add3A_332 = arith.addi %iota3A, %add3A_331 : vector<16xi32>
      %ge3A = arith.constant 384 : i32
      %ge3A_333 = vector.broadcast %ge3A : i32 to vector<16xi32>
      %ge3A_334 = arith.cmpi sge, %get3A_326, %ge3A_333 : vector<16xi32>
      %lt3A = arith.constant 448 : i32
      %lt3A_335 = vector.broadcast %lt3A : i32 to vector<16xi32>
      %lt3A_336 = arith.cmpi slt, %get3A_326, %lt3A_335 : vector<16xi32>
      %and3A = arith.andi %ge3A_334, %lt3A_336 : vector<16xi1>
      tpu.vector_store_idx %arg5[%sub3A_328, %add3A_332], %broadcast_in_dim3A_5 masked %and3A : memref<64x512xf32, #tpu.memory_space<vmem>>[vector<16xi32>, vector<16xi32>], vector<16xf32>, vector<16xi1>
    }
    %scan3A_126 = arith.constant 32 : i32
    %dma_start3A_127 = arith.constant 384 : i32
    %dma_start3A_128 = tpu.memref_slice %arg3[%dma_start3A_127, %mul3A_2] : memref<1000x16384xf32, #tpu.memory_space<hbm>> -> memref<64x512xf32, #tpu.memory_space<hbm>>
    %dma_start3A_129 = arith.constant 384 : i32
    %dma_start3A_130 = tpu.memref_slice %arg3[%dma_start3A_129, %mul3A_2] : memref<1000x16384xf32, #tpu.memory_space<hbm>> -> memref<64x512xf32, #tpu.memory_space<hbm>>
    tpu.enqueue_dma source(%arg5 : memref<64x512xf32, #tpu.memory_space<vmem>>) target(%dma_start3A_130 : memref<64x512xf32, #tpu.memory_space<hbm>>) target_semaphore(%arg9 : memref<!tpu.dma_semaphore, #tpu.memory_space<semaphore_mem>>)
    %dma_wait3A_131 = arith.constant 256 : i32
    %dma_wait3A_132 = tpu.memref_slice %arg3[%dma_wait3A_131, %mul3A_2] : memref<1000x16384xf32, #tpu.memory_space<hbm>> -> memref<64x512xf32, #tpu.memory_space<hbm>>
    %dma_wait3A_133 = arith.constant 256 : i32
    %dma_wait3A_134 = tpu.memref_slice %arg3[%dma_wait3A_133, %mul3A_2] : memref<1000x16384xf32, #tpu.memory_space<hbm>> -> memref<64x512xf32, #tpu.memory_space<hbm>>
    tpu.wait_dma2 semaphore(%arg10 : memref<!tpu.dma_semaphore, #tpu.memory_space<semaphore_mem>>) src(%arg6 : memref<64x512xf32, #tpu.memory_space<vmem>>) dst(%dma_wait3A_134 : memref<64x512xf32, #tpu.memory_space<hbm>>)
    %scan3A_135 = arith.constant 0 : i32
    %scan3A_136 = arith.constant 0 : i32
    %scan3A_137 = arith.constant 32 : i32
    %scan3A_138 = arith.addi %scan3A_136, %scan3A_137 : i32
    %scan3A_139 = arith.constant 1 : i32
    scf.for %scan3A_323 = %scan3A_136 to %scan3A_138 step %scan3A_139  : i32 {
      %mul3A_324 = arith.constant 16 : i32
      %mul3A_325 = arith.muli %scan3A_323, %mul3A_324 : i32
      %get3A = arith.index_cast %mul3A_325 : i32 to index
      %get3A_326 = tpu.vector_load %arg4[%get3A] {strides = array<i32>} : memref<512xi32, #tpu.memory_space<vmem>>, vector<16xi32>,
      %sub3A = arith.constant 256 : i32
      %sub3A_327 = vector.broadcast %sub3A : i32 to vector<16xi32>
      %sub3A_328 = arith.subi %get3A_326, %sub3A_327 : vector<16xi32>
      %mul3A_329 = arith.constant 16 : i32
      %mul3A_330 = arith.muli %scan3A_323, %mul3A_329 : i32
      %add3A_331 = vector.broadcast %mul3A_330 : i32 to vector<16xi32>
      %add3A_332 = arith.addi %iota3A, %add3A_331 : vector<16xi32>
      %ge3A = arith.constant 256 : i32
      %ge3A_333 = vector.broadcast %ge3A : i32 to vector<16xi32>
      %ge3A_334 = arith.cmpi sge, %get3A_326, %ge3A_333 : vector<16xi32>
      %lt3A = arith.constant 320 : i32
      %lt3A_335 = vector.broadcast %lt3A : i32 to vector<16xi32>
      %lt3A_336 = arith.cmpi slt, %get3A_326, %lt3A_335 : vector<16xi32>
      %and3A = arith.andi %ge3A_334, %lt3A_336 : vector<16xi1>
      tpu.vector_store_idx %arg6[%sub3A_328, %add3A_332], %broadcast_in_dim3A_3 masked %and3A : memref<64x512xf32, #tpu.memory_space<vmem>>[vector<16xi32>, vector<16xi32>], vector<16xf32>, vector<16xi1>
    }
    %scan3A_140 = arith.constant 32 : i32
    %scan3A_141 = arith.constant 0 : i32
    %scan3A_142 = arith.constant 0 : i32
    %scan3A_143 = arith.constant 32 : i32
    %scan3A_144 = arith.addi %scan3A_142, %scan3A_143 : i32
    %scan3A_145 = arith.constant 1 : i32
    scf.for %scan3A_323 = %scan3A_142 to %scan3A_144 step %scan3A_145  : i32 {
      %mul3A_324 = arith.constant 16 : i32
      %mul3A_325 = arith.muli %scan3A_323, %mul3A_324 : i32
      %get3A = arith.index_cast %mul3A_325 : i32 to index
      %get3A_326 = tpu.vector_load %arg4[%get3A] {strides = array<i32>} : memref<512xi32, #tpu.memory_space<vmem>>, vector<16xi32>,
      %sub3A = arith.constant 448 : i32
      %sub3A_327 = vector.broadcast %sub3A : i32 to vector<16xi32>
      %sub3A_328 = arith.subi %get3A_326, %sub3A_327 : vector<16xi32>
      %mul3A_329 = arith.constant 16 : i32
      %mul3A_330 = arith.muli %scan3A_323, %mul3A_329 : i32
      %add3A_331 = vector.broadcast %mul3A_330 : i32 to vector<16xi32>
      %add3A_332 = arith.addi %iota3A, %add3A_331 : vector<16xi32>
      %ge3A = arith.constant 448 : i32
      %ge3A_333 = vector.broadcast %ge3A : i32 to vector<16xi32>
      %ge3A_334 = arith.cmpi sge, %get3A_326, %ge3A_333 : vector<16xi32>
      %lt3A = arith.constant 512 : i32
      %lt3A_335 = vector.broadcast %lt3A : i32 to vector<16xi32>
      %lt3A_336 = arith.cmpi slt, %get3A_326, %lt3A_335 : vector<16xi32>
      %and3A = arith.andi %ge3A_334, %lt3A_336 : vector<16xi1>
      tpu.vector_store_idx %arg6[%sub3A_328, %add3A_332], %broadcast_in_dim3A_5 masked %and3A : memref<64x512xf32, #tpu.memory_space<vmem>>[vector<16xi32>, vector<16xi32>], vector<16xf32>, vector<16xi1>
    }
    %scan3A_146 = arith.constant 32 : i32
    %dma_start3A_147 = arith.constant 448 : i32
    %dma_start3A_148 = tpu.memref_slice %arg3[%dma_start3A_147, %mul3A_2] : memref<1000x16384xf32, #tpu.memory_space<hbm>> -> memref<64x512xf32, #tpu.memory_space<hbm>>
    %dma_start3A_149 = arith.constant 448 : i32
    %dma_start3A_150 = tpu.memref_slice %arg3[%dma_start3A_149, %mul3A_2] : memref<1000x16384xf32, #tpu.memory_space<hbm>> -> memref<64x512xf32, #tpu.memory_space<hbm>>
    tpu.enqueue_dma source(%arg6 : memref<64x512xf32, #tpu.memory_space<vmem>>) target(%dma_start3A_150 : memref<64x512xf32, #tpu.memory_space<hbm>>) target_semaphore(%arg10 : memref<!tpu.dma_semaphore, #tpu.memory_space<semaphore_mem>>)
    %dma_wait3A_151 = arith.constant 320 : i32
    %dma_wait3A_152 = tpu.memref_slice %arg3[%dma_wait3A_151, %mul3A_2] : memref<1000x16384xf32, #tpu.memory_space<hbm>> -> memref<64x512xf32, #tpu.memory_space<hbm>>
    %dma_wait3A_153 = arith.constant 320 : i32
    %dma_wait3A_154 = tpu.memref_slice %arg3[%dma_wait3A_153, %mul3A_2] : memref<1000x16384xf32, #tpu.memory_space<hbm>> -> memref<64x512xf32, #tpu.memory_space<hbm>>
    tpu.wait_dma2 semaphore(%arg11 : memref<!tpu.dma_semaphore, #tpu.memory_space<semaphore_mem>>) src(%arg7 : memref<64x512xf32, #tpu.memory_space<vmem>>) dst(%dma_wait3A_154 : memref<64x512xf32, #tpu.memory_space<hbm>>)
    %scan3A_155 = arith.constant 0 : i32
    %scan3A_156 = arith.constant 0 : i32
    %scan3A_157 = arith.constant 32 : i32
    %scan3A_158 = arith.addi %scan3A_156, %scan3A_157 : i32
    %scan3A_159 = arith.constant 1 : i32
    scf.for %scan3A_323 = %scan3A_156 to %scan3A_158 step %scan3A_159  : i32 {
      %mul3A_324 = arith.constant 16 : i32
      %mul3A_325 = arith.muli %scan3A_323, %mul3A_324 : i32
      %get3A = arith.index_cast %mul3A_325 : i32 to index
      %get3A_326 = tpu.vector_load %arg4[%get3A] {strides = array<i32>} : memref<512xi32, #tpu.memory_space<vmem>>, vector<16xi32>,
      %sub3A = arith.constant 320 : i32
      %sub3A_327 = vector.broadcast %sub3A : i32 to vector<16xi32>
      %sub3A_328 = arith.subi %get3A_326, %sub3A_327 : vector<16xi32>
      %mul3A_329 = arith.constant 16 : i32
      %mul3A_330 = arith.muli %scan3A_323, %mul3A_329 : i32
      %add3A_331 = vector.broadcast %mul3A_330 : i32 to vector<16xi32>
      %add3A_332 = arith.addi %iota3A, %add3A_331 : vector<16xi32>
      %ge3A = arith.constant 320 : i32
      %ge3A_333 = vector.broadcast %ge3A : i32 to vector<16xi32>
      %ge3A_334 = arith.cmpi sge, %get3A_326, %ge3A_333 : vector<16xi32>
      %lt3A = arith.constant 384 : i32
      %lt3A_335 = vector.broadcast %lt3A : i32 to vector<16xi32>
      %lt3A_336 = arith.cmpi slt, %get3A_326, %lt3A_335 : vector<16xi32>
      %and3A = arith.andi %ge3A_334, %lt3A_336 : vector<16xi1>
      tpu.vector_store_idx %arg7[%sub3A_328, %add3A_332], %broadcast_in_dim3A_3 masked %and3A : memref<64x512xf32, #tpu.memory_space<vmem>>[vector<16xi32>, vector<16xi32>], vector<16xf32>, vector<16xi1>
    }
    %scan3A_160 = arith.constant 32 : i32
    %scan3A_161 = arith.constant 0 : i32
    %scan3A_162 = arith.constant 0 : i32
    %scan3A_163 = arith.constant 32 : i32
    %scan3A_164 = arith.addi %scan3A_162, %scan3A_163 : i32
    %scan3A_165 = arith.constant 1 : i32
    scf.for %scan3A_323 = %scan3A_162 to %scan3A_164 step %scan3A_165  : i32 {
      %mul3A_324 = arith.constant 16 : i32
      %mul3A_325 = arith.muli %scan3A_323, %mul3A_324 : i32
      %get3A = arith.index_cast %mul3A_325 : i32 to index
      %get3A_326 = tpu.vector_load %arg4[%get3A] {strides = array<i32>} : memref<512xi32, #tpu.memory_space<vmem>>, vector<16xi32>,
      %sub3A = arith.constant 512 : i32
      %sub3A_327 = vector.broadcast %sub3A : i32 to vector<16xi32>
      %sub3A_328 = arith.subi %get3A_326, %sub3A_327 : vector<16xi32>
      %mul3A_329 = arith.constant 16 : i32
      %mul3A_330 = arith.muli %scan3A_323, %mul3A_329 : i32
      %add3A_331 = vector.broadcast %mul3A_330 : i32 to vector<16xi32>
      %add3A_332 = arith.addi %iota3A, %add3A_331 : vector<16xi32>
      %ge3A = arith.constant 512 : i32
      %ge3A_333 = vector.broadcast %ge3A : i32 to vector<16xi32>
      %ge3A_334 = arith.cmpi sge, %get3A_326, %ge3A_333 : vector<16xi32>
      %lt3A = arith.constant 576 : i32
      %lt3A_335 = vector.broadcast %lt3A : i32 to vector<16xi32>
      %lt3A_336 = arith.cmpi slt, %get3A_326, %lt3A_335 : vector<16xi32>
      %and3A = arith.andi %ge3A_334, %lt3A_336 : vector<16xi1>
      tpu.vector_store_idx %arg7[%sub3A_328, %add3A_332], %broadcast_in_dim3A_5 masked %and3A : memref<64x512xf32, #tpu.memory_space<vmem>>[vector<16xi32>, vector<16xi32>], vector<16xf32>, vector<16xi1>
    }
    %scan3A_166 = arith.constant 32 : i32
    %dma_start3A_167 = arith.constant 512 : i32
    %dma_start3A_168 = tpu.memref_slice %arg3[%dma_start3A_167, %mul3A_2] : memref<1000x16384xf32, #tpu.memory_space<hbm>> -> memref<64x512xf32, #tpu.memory_space<hbm>>
    %dma_start3A_169 = arith.constant 512 : i32
    %dma_start3A_170 = tpu.memref_slice %arg3[%dma_start3A_169, %mul3A_2] : memref<1000x16384xf32, #tpu.memory_space<hbm>> -> memref<64x512xf32, #tpu.memory_space<hbm>>
    tpu.enqueue_dma source(%arg7 : memref<64x512xf32, #tpu.memory_space<vmem>>) target(%dma_start3A_170 : memref<64x512xf32, #tpu.memory_space<hbm>>) target_semaphore(%arg11 : memref<!tpu.dma_semaphore, #tpu.memory_space<semaphore_mem>>)
    %dma_wait3A_171 = arith.constant 384 : i32
    %dma_wait3A_172 = tpu.memref_slice %arg3[%dma_wait3A_171, %mul3A_2] : memref<1000x16384xf32, #tpu.memory_space<hbm>> -> memref<64x512xf32, #tpu.memory_space<hbm>>
    %dma_wait3A_173 = arith.constant 384 : i32
    %dma_wait3A_174 = tpu.memref_slice %arg3[%dma_wait3A_173, %mul3A_2] : memref<1000x16384xf32, #tpu.memory_space<hbm>> -> memref<64x512xf32, #tpu.memory_space<hbm>>
    tpu.wait_dma2 semaphore(%arg9 : memref<!tpu.dma_semaphore, #tpu.memory_space<semaphore_mem>>) src(%arg5 : memref<64x512xf32, #tpu.memory_space<vmem>>) dst(%dma_wait3A_174 : memref<64x512xf32, #tpu.memory_space<hbm>>)
    %scan3A_175 = arith.constant 0 : i32
    %scan3A_176 = arith.constant 0 : i32
    %scan3A_177 = arith.constant 32 : i32
    %scan3A_178 = arith.addi %scan3A_176, %scan3A_177 : i32
    %scan3A_179 = arith.constant 1 : i32
    scf.for %scan3A_323 = %scan3A_176 to %scan3A_178 step %scan3A_179  : i32 {
      %mul3A_324 = arith.constant 16 : i32
      %mul3A_325 = arith.muli %scan3A_323, %mul3A_324 : i32
      %get3A = arith.index_cast %mul3A_325 : i32 to index
      %get3A_326 = tpu.vector_load %arg4[%get3A] {strides = array<i32>} : memref<512xi32, #tpu.memory_space<vmem>>, vector<16xi32>,
      %sub3A = arith.constant 384 : i32
      %sub3A_327 = vector.broadcast %sub3A : i32 to vector<16xi32>
      %sub3A_328 = arith.subi %get3A_326, %sub3A_327 : vector<16xi32>
      %mul3A_329 = arith.constant 16 : i32
      %mul3A_330 = arith.muli %scan3A_323, %mul3A_329 : i32
      %add3A_331 = vector.broadcast %mul3A_330 : i32 to vector<16xi32>
      %add3A_332 = arith.addi %iota3A, %add3A_331 : vector<16xi32>
      %ge3A = arith.constant 384 : i32
      %ge3A_333 = vector.broadcast %ge3A : i32 to vector<16xi32>
      %ge3A_334 = arith.cmpi sge, %get3A_326, %ge3A_333 : vector<16xi32>
      %lt3A = arith.constant 448 : i32
      %lt3A_335 = vector.broadcast %lt3A : i32 to vector<16xi32>
      %lt3A_336 = arith.cmpi slt, %get3A_326, %lt3A_335 : vector<16xi32>
      %and3A = arith.andi %ge3A_334, %lt3A_336 : vector<16xi1>
      tpu.vector_store_idx %arg5[%sub3A_328, %add3A_332], %broadcast_in_dim3A_3 masked %and3A : memref<64x512xf32, #tpu.memory_space<vmem>>[vector<16xi32>, vector<16xi32>], vector<16xf32>, vector<16xi1>
    }
    %scan3A_180 = arith.constant 32 : i32
    %scan3A_181 = arith.constant 0 : i32
    %scan3A_182 = arith.constant 0 : i32
    %scan3A_183 = arith.constant 32 : i32
    %scan3A_184 = arith.addi %scan3A_182, %scan3A_183 : i32
    %scan3A_185 = arith.constant 1 : i32
    scf.for %scan3A_323 = %scan3A_182 to %scan3A_184 step %scan3A_185  : i32 {
      %mul3A_324 = arith.constant 16 : i32
      %mul3A_325 = arith.muli %scan3A_323, %mul3A_324 : i32
      %get3A = arith.index_cast %mul3A_325 : i32 to index
      %get3A_326 = tpu.vector_load %arg4[%get3A] {strides = array<i32>} : memref<512xi32, #tpu.memory_space<vmem>>, vector<16xi32>,
      %sub3A = arith.constant 576 : i32
      %sub3A_327 = vector.broadcast %sub3A : i32 to vector<16xi32>
      %sub3A_328 = arith.subi %get3A_326, %sub3A_327 : vector<16xi32>
      %mul3A_329 = arith.constant 16 : i32
      %mul3A_330 = arith.muli %scan3A_323, %mul3A_329 : i32
      %add3A_331 = vector.broadcast %mul3A_330 : i32 to vector<16xi32>
      %add3A_332 = arith.addi %iota3A, %add3A_331 : vector<16xi32>
      %ge3A = arith.constant 576 : i32
      %ge3A_333 = vector.broadcast %ge3A : i32 to vector<16xi32>
      %ge3A_334 = arith.cmpi sge, %get3A_326, %ge3A_333 : vector<16xi32>
      %lt3A = arith.constant 640 : i32
      %lt3A_335 = vector.broadcast %lt3A : i32 to vector<16xi32>
      %lt3A_336 = arith.cmpi slt, %get3A_326, %lt3A_335 : vector<16xi32>
      %and3A = arith.andi %ge3A_334, %lt3A_336 : vector<16xi1>
      tpu.vector_store_idx %arg5[%sub3A_328, %add3A_332], %broadcast_in_dim3A_5 masked %and3A : memref<64x512xf32, #tpu.memory_space<vmem>>[vector<16xi32>, vector<16xi32>], vector<16xf32>, vector<16xi1>
    }
    %scan3A_186 = arith.constant 32 : i32
    %dma_start3A_187 = arith.constant 576 : i32
    %dma_start3A_188 = tpu.memref_slice %arg3[%dma_start3A_187, %mul3A_2] : memref<1000x16384xf32, #tpu.memory_space<hbm>> -> memref<64x512xf32, #tpu.memory_space<hbm>>
    %dma_start3A_189 = arith.constant 576 : i32
    %dma_start3A_190 = tpu.memref_slice %arg3[%dma_start3A_189, %mul3A_2] : memref<1000x16384xf32, #tpu.memory_space<hbm>> -> memref<64x512xf32, #tpu.memory_space<hbm>>
    tpu.enqueue_dma source(%arg5 : memref<64x512xf32, #tpu.memory_space<vmem>>) target(%dma_start3A_190 : memref<64x512xf32, #tpu.memory_space<hbm>>) target_semaphore(%arg9 : memref<!tpu.dma_semaphore, #tpu.memory_space<semaphore_mem>>)
    %dma_wait3A_191 = arith.constant 448 : i32
    %dma_wait3A_192 = tpu.memref_slice %arg3[%dma_wait3A_191, %mul3A_2] : memref<1000x16384xf32, #tpu.memory_space<hbm>> -> memref<64x512xf32, #tpu.memory_space<hbm>>
    %dma_wait3A_193 = arith.constant 448 : i32
    %dma_wait3A_194 = tpu.memref_slice %arg3[%dma_wait3A_193, %mul3A_2] : memref<1000x16384xf32, #tpu.memory_space<hbm>> -> memref<64x512xf32, #tpu.memory_space<hbm>>
    tpu.wait_dma2 semaphore(%arg10 : memref<!tpu.dma_semaphore, #tpu.memory_space<semaphore_mem>>) src(%arg6 : memref<64x512xf32, #tpu.memory_space<vmem>>) dst(%dma_wait3A_194 : memref<64x512xf32, #tpu.memory_space<hbm>>)
    %scan3A_195 = arith.constant 0 : i32
    %scan3A_196 = arith.constant 0 : i32
    %scan3A_197 = arith.constant 32 : i32
    %scan3A_198 = arith.addi %scan3A_196, %scan3A_197 : i32
    %scan3A_199 = arith.constant 1 : i32
    scf.for %scan3A_323 = %scan3A_196 to %scan3A_198 step %scan3A_199  : i32 {
      %mul3A_324 = arith.constant 16 : i32
      %mul3A_325 = arith.muli %scan3A_323, %mul3A_324 : i32
      %get3A = arith.index_cast %mul3A_325 : i32 to index
      %get3A_326 = tpu.vector_load %arg4[%get3A] {strides = array<i32>} : memref<512xi32, #tpu.memory_space<vmem>>, vector<16xi32>,
      %sub3A = arith.constant 448 : i32
      %sub3A_327 = vector.broadcast %sub3A : i32 to vector<16xi32>
      %sub3A_328 = arith.subi %get3A_326, %sub3A_327 : vector<16xi32>
      %mul3A_329 = arith.constant 16 : i32
      %mul3A_330 = arith.muli %scan3A_323, %mul3A_329 : i32
      %add3A_331 = vector.broadcast %mul3A_330 : i32 to vector<16xi32>
      %add3A_332 = arith.addi %iota3A, %add3A_331 : vector<16xi32>
      %ge3A = arith.constant 448 : i32
      %ge3A_333 = vector.broadcast %ge3A : i32 to vector<16xi32>
      %ge3A_334 = arith.cmpi sge, %get3A_326, %ge3A_333 : vector<16xi32>
      %lt3A = arith.constant 512 : i32
      %lt3A_335 = vector.broadcast %lt3A : i32 to vector<16xi32>
      %lt3A_336 = arith.cmpi slt, %get3A_326, %lt3A_335 : vector<16xi32>
      %and3A = arith.andi %ge3A_334, %lt3A_336 : vector<16xi1>
      tpu.vector_store_idx %arg6[%sub3A_328, %add3A_332], %broadcast_in_dim3A_3 masked %and3A : memref<64x512xf32, #tpu.memory_space<vmem>>[vector<16xi32>, vector<16xi32>], vector<16xf32>, vector<16xi1>
    }
    %scan3A_200 = arith.constant 32 : i32
    %scan3A_201 = arith.constant 0 : i32
    %scan3A_202 = arith.constant 0 : i32
    %scan3A_203 = arith.constant 32 : i32
    %scan3A_204 = arith.addi %scan3A_202, %scan3A_203 : i32
    %scan3A_205 = arith.constant 1 : i32
    scf.for %scan3A_323 = %scan3A_202 to %scan3A_204 step %scan3A_205  : i32 {
      %mul3A_324 = arith.constant 16 : i32
      %mul3A_325 = arith.muli %scan3A_323, %mul3A_324 : i32
      %get3A = arith.index_cast %mul3A_325 : i32 to index
      %get3A_326 = tpu.vector_load %arg4[%get3A] {strides = array<i32>} : memref<512xi32, #tpu.memory_space<vmem>>, vector<16xi32>,
      %sub3A = arith.constant 640 : i32
      %sub3A_327 = vector.broadcast %sub3A : i32 to vector<16xi32>
      %sub3A_328 = arith.subi %get3A_326, %sub3A_327 : vector<16xi32>
      %mul3A_329 = arith.constant 16 : i32
      %mul3A_330 = arith.muli %scan3A_323, %mul3A_329 : i32
      %add3A_331 = vector.broadcast %mul3A_330 : i32 to vector<16xi32>
      %add3A_332 = arith.addi %iota3A, %add3A_331 : vector<16xi32>
      %ge3A = arith.constant 640 : i32
      %ge3A_333 = vector.broadcast %ge3A : i32 to vector<16xi32>
      %ge3A_334 = arith.cmpi sge, %get3A_326, %ge3A_333 : vector<16xi32>
      %lt3A = arith.constant 704 : i32
      %lt3A_335 = vector.broadcast %lt3A : i32 to vector<16xi32>
      %lt3A_336 = arith.cmpi slt, %get3A_326, %lt3A_335 : vector<16xi32>
      %and3A = arith.andi %ge3A_334, %lt3A_336 : vector<16xi1>
      tpu.vector_store_idx %arg6[%sub3A_328, %add3A_332], %broadcast_in_dim3A_5 masked %and3A : memref<64x512xf32, #tpu.memory_space<vmem>>[vector<16xi32>, vector<16xi32>], vector<16xf32>, vector<16xi1>
    }
    %scan3A_206 = arith.constant 32 : i32
    %dma_start3A_207 = arith.constant 640 : i32
    %dma_start3A_208 = tpu.memref_slice %arg3[%dma_start3A_207, %mul3A_2] : memref<1000x16384xf32, #tpu.memory_space<hbm>> -> memref<64x512xf32, #tpu.memory_space<hbm>>
    %dma_start3A_209 = arith.constant 640 : i32
    %dma_start3A_210 = tpu.memref_slice %arg3[%dma_start3A_209, %mul3A_2] : memref<1000x16384xf32, #tpu.memory_space<hbm>> -> memref<64x512xf32, #tpu.memory_space<hbm>>
    tpu.enqueue_dma source(%arg6 : memref<64x512xf32, #tpu.memory_space<vmem>>) target(%dma_start3A_210 : memref<64x512xf32, #tpu.memory_space<hbm>>) target_semaphore(%arg10 : memref<!tpu.dma_semaphore, #tpu.memory_space<semaphore_mem>>)
    %dma_wait3A_211 = arith.constant 512 : i32
    %dma_wait3A_212 = tpu.memref_slice %arg3[%dma_wait3A_211, %mul3A_2] : memref<1000x16384xf32, #tpu.memory_space<hbm>> -> memref<64x512xf32, #tpu.memory_space<hbm>>
    %dma_wait3A_213 = arith.constant 512 : i32
    %dma_wait3A_214 = tpu.memref_slice %arg3[%dma_wait3A_213, %mul3A_2] : memref<1000x16384xf32, #tpu.memory_space<hbm>> -> memref<64x512xf32, #tpu.memory_space<hbm>>
    tpu.wait_dma2 semaphore(%arg11 : memref<!tpu.dma_semaphore, #tpu.memory_space<semaphore_mem>>) src(%arg7 : memref<64x512xf32, #tpu.memory_space<vmem>>) dst(%dma_wait3A_214 : memref<64x512xf32, #tpu.memory_space<hbm>>)
    %scan3A_215 = arith.constant 0 : i32
    %scan3A_216 = arith.constant 0 : i32
    %scan3A_217 = arith.constant 32 : i32
    %scan3A_218 = arith.addi %scan3A_216, %scan3A_217 : i32
    %scan3A_219 = arith.constant 1 : i32
    scf.for %scan3A_323 = %scan3A_216 to %scan3A_218 step %scan3A_219  : i32 {
      %mul3A_324 = arith.constant 16 : i32
      %mul3A_325 = arith.muli %scan3A_323, %mul3A_324 : i32
      %get3A = arith.index_cast %mul3A_325 : i32 to index
      %get3A_326 = tpu.vector_load %arg4[%get3A] {strides = array<i32>} : memref<512xi32, #tpu.memory_space<vmem>>, vector<16xi32>,
      %sub3A = arith.constant 512 : i32
      %sub3A_327 = vector.broadcast %sub3A : i32 to vector<16xi32>
      %sub3A_328 = arith.subi %get3A_326, %sub3A_327 : vector<16xi32>
      %mul3A_329 = arith.constant 16 : i32
      %mul3A_330 = arith.muli %scan3A_323, %mul3A_329 : i32
      %add3A_331 = vector.broadcast %mul3A_330 : i32 to vector<16xi32>
      %add3A_332 = arith.addi %iota3A, %add3A_331 : vector<16xi32>
      %ge3A = arith.constant 512 : i32
      %ge3A_333 = vector.broadcast %ge3A : i32 to vector<16xi32>
      %ge3A_334 = arith.cmpi sge, %get3A_326, %ge3A_333 : vector<16xi32>
      %lt3A = arith.constant 576 : i32
      %lt3A_335 = vector.broadcast %lt3A : i32 to vector<16xi32>
      %lt3A_336 = arith.cmpi slt, %get3A_326, %lt3A_335 : vector<16xi32>
      %and3A = arith.andi %ge3A_334, %lt3A_336 : vector<16xi1>
      tpu.vector_store_idx %arg7[%sub3A_328, %add3A_332], %broadcast_in_dim3A_3 masked %and3A : memref<64x512xf32, #tpu.memory_space<vmem>>[vector<16xi32>, vector<16xi32>], vector<16xf32>, vector<16xi1>
    }
    %scan3A_220 = arith.constant 32 : i32
    %scan3A_221 = arith.constant 0 : i32
    %scan3A_222 = arith.constant 0 : i32
    %scan3A_223 = arith.constant 32 : i32
    %scan3A_224 = arith.addi %scan3A_222, %scan3A_223 : i32
    %scan3A_225 = arith.constant 1 : i32
    scf.for %scan3A_323 = %scan3A_222 to %scan3A_224 step %scan3A_225  : i32 {
      %mul3A_324 = arith.constant 16 : i32
      %mul3A_325 = arith.muli %scan3A_323, %mul3A_324 : i32
      %get3A = arith.index_cast %mul3A_325 : i32 to index
      %get3A_326 = tpu.vector_load %arg4[%get3A] {strides = array<i32>} : memref<512xi32, #tpu.memory_space<vmem>>, vector<16xi32>,
      %sub3A = arith.constant 704 : i32
      %sub3A_327 = vector.broadcast %sub3A : i32 to vector<16xi32>
      %sub3A_328 = arith.subi %get3A_326, %sub3A_327 : vector<16xi32>
      %mul3A_329 = arith.constant 16 : i32
      %mul3A_330 = arith.muli %scan3A_323, %mul3A_329 : i32
      %add3A_331 = vector.broadcast %mul3A_330 : i32 to vector<16xi32>
      %add3A_332 = arith.addi %iota3A, %add3A_331 : vector<16xi32>
      %ge3A = arith.constant 704 : i32
      %ge3A_333 = vector.broadcast %ge3A : i32 to vector<16xi32>
      %ge3A_334 = arith.cmpi sge, %get3A_326, %ge3A_333 : vector<16xi32>
      %lt3A = arith.constant 768 : i32
      %lt3A_335 = vector.broadcast %lt3A : i32 to vector<16xi32>
      %lt3A_336 = arith.cmpi slt, %get3A_326, %lt3A_335 : vector<16xi32>
      %and3A = arith.andi %ge3A_334, %lt3A_336 : vector<16xi1>
      tpu.vector_store_idx %arg7[%sub3A_328, %add3A_332], %broadcast_in_dim3A_5 masked %and3A : memref<64x512xf32, #tpu.memory_space<vmem>>[vector<16xi32>, vector<16xi32>], vector<16xf32>, vector<16xi1>
    }
    %scan3A_226 = arith.constant 32 : i32
    %dma_start3A_227 = arith.constant 704 : i32
    %dma_start3A_228 = tpu.memref_slice %arg3[%dma_start3A_227, %mul3A_2] : memref<1000x16384xf32, #tpu.memory_space<hbm>> -> memref<64x512xf32, #tpu.memory_space<hbm>>
    %dma_start3A_229 = arith.constant 704 : i32
    %dma_start3A_230 = tpu.memref_slice %arg3[%dma_start3A_229, %mul3A_2] : memref<1000x16384xf32, #tpu.memory_space<hbm>> -> memref<64x512xf32, #tpu.memory_space<hbm>>
    tpu.enqueue_dma source(%arg7 : memref<64x512xf32, #tpu.memory_space<vmem>>) target(%dma_start3A_230 : memref<64x512xf32, #tpu.memory_space<hbm>>) target_semaphore(%arg11 : memref<!tpu.dma_semaphore, #tpu.memory_space<semaphore_mem>>)
    %dma_wait3A_231 = arith.constant 576 : i32
    %dma_wait3A_232 = tpu.memref_slice %arg3[%dma_wait3A_231, %mul3A_2] : memref<1000x16384xf32, #tpu.memory_space<hbm>> -> memref<64x512xf32, #tpu.memory_space<hbm>>
    %dma_wait3A_233 = arith.constant 576 : i32
    %dma_wait3A_234 = tpu.memref_slice %arg3[%dma_wait3A_233, %mul3A_2] : memref<1000x16384xf32, #tpu.memory_space<hbm>> -> memref<64x512xf32, #tpu.memory_space<hbm>>
    tpu.wait_dma2 semaphore(%arg9 : memref<!tpu.dma_semaphore, #tpu.memory_space<semaphore_mem>>) src(%arg5 : memref<64x512xf32, #tpu.memory_space<vmem>>) dst(%dma_wait3A_234 : memref<64x512xf32, #tpu.memory_space<hbm>>)
    %scan3A_235 = arith.constant 0 : i32
    %scan3A_236 = arith.constant 0 : i32
    %scan3A_237 = arith.constant 32 : i32
    %scan3A_238 = arith.addi %scan3A_236, %scan3A_237 : i32
    %scan3A_239 = arith.constant 1 : i32
    scf.for %scan3A_323 = %scan3A_236 to %scan3A_238 step %scan3A_239  : i32 {
      %mul3A_324 = arith.constant 16 : i32
      %mul3A_325 = arith.muli %scan3A_323, %mul3A_324 : i32
      %get3A = arith.index_cast %mul3A_325 : i32 to index
      %get3A_326 = tpu.vector_load %arg4[%get3A] {strides = array<i32>} : memref<512xi32, #tpu.memory_space<vmem>>, vector<16xi32>,
      %sub3A = arith.constant 576 : i32
      %sub3A_327 = vector.broadcast %sub3A : i32 to vector<16xi32>
      %sub3A_328 = arith.subi %get3A_326, %sub3A_327 : vector<16xi32>
      %mul3A_329 = arith.constant 16 : i32
      %mul3A_330 = arith.muli %scan3A_323, %mul3A_329 : i32
      %add3A_331 = vector.broadcast %mul3A_330 : i32 to vector<16xi32>
      %add3A_332 = arith.addi %iota3A, %add3A_331 : vector<16xi32>
      %ge3A = arith.constant 576 : i32
      %ge3A_333 = vector.broadcast %ge3A : i32 to vector<16xi32>
      %ge3A_334 = arith.cmpi sge, %get3A_326, %ge3A_333 : vector<16xi32>
      %lt3A = arith.constant 640 : i32
      %lt3A_335 = vector.broadcast %lt3A : i32 to vector<16xi32>
      %lt3A_336 = arith.cmpi slt, %get3A_326, %lt3A_335 : vector<16xi32>
      %and3A = arith.andi %ge3A_334, %lt3A_336 : vector<16xi1>
      tpu.vector_store_idx %arg5[%sub3A_328, %add3A_332], %broadcast_in_dim3A_3 masked %and3A : memref<64x512xf32, #tpu.memory_space<vmem>>[vector<16xi32>, vector<16xi32>], vector<16xf32>, vector<16xi1>
    }
    %scan3A_240 = arith.constant 32 : i32
    %scan3A_241 = arith.constant 0 : i32
    %scan3A_242 = arith.constant 0 : i32
    %scan3A_243 = arith.constant 32 : i32
    %scan3A_244 = arith.addi %scan3A_242, %scan3A_243 : i32
    %scan3A_245 = arith.constant 1 : i32
    scf.for %scan3A_323 = %scan3A_242 to %scan3A_244 step %scan3A_245  : i32 {
      %mul3A_324 = arith.constant 16 : i32
      %mul3A_325 = arith.muli %scan3A_323, %mul3A_324 : i32
      %get3A = arith.index_cast %mul3A_325 : i32 to index
      %get3A_326 = tpu.vector_load %arg4[%get3A] {strides = array<i32>} : memref<512xi32, #tpu.memory_space<vmem>>, vector<16xi32>,
      %sub3A = arith.constant 768 : i32
      %sub3A_327 = vector.broadcast %sub3A : i32 to vector<16xi32>
      %sub3A_328 = arith.subi %get3A_326, %sub3A_327 : vector<16xi32>
      %mul3A_329 = arith.constant 16 : i32
      %mul3A_330 = arith.muli %scan3A_323, %mul3A_329 : i32
      %add3A_331 = vector.broadcast %mul3A_330 : i32 to vector<16xi32>
      %add3A_332 = arith.addi %iota3A, %add3A_331 : vector<16xi32>
      %ge3A = arith.constant 768 : i32
      %ge3A_333 = vector.broadcast %ge3A : i32 to vector<16xi32>
      %ge3A_334 = arith.cmpi sge, %get3A_326, %ge3A_333 : vector<16xi32>
      %lt3A = arith.constant 832 : i32
      %lt3A_335 = vector.broadcast %lt3A : i32 to vector<16xi32>
      %lt3A_336 = arith.cmpi slt, %get3A_326, %lt3A_335 : vector<16xi32>
      %and3A = arith.andi %ge3A_334, %lt3A_336 : vector<16xi1>
      tpu.vector_store_idx %arg5[%sub3A_328, %add3A_332], %broadcast_in_dim3A_5 masked %and3A : memref<64x512xf32, #tpu.memory_space<vmem>>[vector<16xi32>, vector<16xi32>], vector<16xf32>, vector<16xi1>
    }
    %scan3A_246 = arith.constant 32 : i32
    %dma_start3A_247 = arith.constant 768 : i32
    %dma_start3A_248 = tpu.memref_slice %arg3[%dma_start3A_247, %mul3A_2] : memref<1000x16384xf32, #tpu.memory_space<hbm>> -> memref<64x512xf32, #tpu.memory_space<hbm>>
    %dma_start3A_249 = arith.constant 768 : i32
    %dma_start3A_250 = tpu.memref_slice %arg3[%dma_start3A_249, %mul3A_2] : memref<1000x16384xf32, #tpu.memory_space<hbm>> -> memref<64x512xf32, #tpu.memory_space<hbm>>
    tpu.enqueue_dma source(%arg5 : memref<64x512xf32, #tpu.memory_space<vmem>>) target(%dma_start3A_250 : memref<64x512xf32, #tpu.memory_space<hbm>>) target_semaphore(%arg9 : memref<!tpu.dma_semaphore, #tpu.memory_space<semaphore_mem>>)
    %dma_wait3A_251 = arith.constant 640 : i32
    %dma_wait3A_252 = tpu.memref_slice %arg3[%dma_wait3A_251, %mul3A_2] : memref<1000x16384xf32, #tpu.memory_space<hbm>> -> memref<64x512xf32, #tpu.memory_space<hbm>>
    %dma_wait3A_253 = arith.constant 640 : i32
    %dma_wait3A_254 = tpu.memref_slice %arg3[%dma_wait3A_253, %mul3A_2] : memref<1000x16384xf32, #tpu.memory_space<hbm>> -> memref<64x512xf32, #tpu.memory_space<hbm>>
    tpu.wait_dma2 semaphore(%arg10 : memref<!tpu.dma_semaphore, #tpu.memory_space<semaphore_mem>>) src(%arg6 : memref<64x512xf32, #tpu.memory_space<vmem>>) dst(%dma_wait3A_254 : memref<64x512xf32, #tpu.memory_space<hbm>>)
    %scan3A_255 = arith.constant 0 : i32
    %scan3A_256 = arith.constant 0 : i32
    %scan3A_257 = arith.constant 32 : i32
    %scan3A_258 = arith.addi %scan3A_256, %scan3A_257 : i32
    %scan3A_259 = arith.constant 1 : i32
    scf.for %scan3A_323 = %scan3A_256 to %scan3A_258 step %scan3A_259  : i32 {
      %mul3A_324 = arith.constant 16 : i32
      %mul3A_325 = arith.muli %scan3A_323, %mul3A_324 : i32
      %get3A = arith.index_cast %mul3A_325 : i32 to index
      %get3A_326 = tpu.vector_load %arg4[%get3A] {strides = array<i32>} : memref<512xi32, #tpu.memory_space<vmem>>, vector<16xi32>,
      %sub3A = arith.constant 640 : i32
      %sub3A_327 = vector.broadcast %sub3A : i32 to vector<16xi32>
      %sub3A_328 = arith.subi %get3A_326, %sub3A_327 : vector<16xi32>
      %mul3A_329 = arith.constant 16 : i32
      %mul3A_330 = arith.muli %scan3A_323, %mul3A_329 : i32
      %add3A_331 = vector.broadcast %mul3A_330 : i32 to vector<16xi32>
      %add3A_332 = arith.addi %iota3A, %add3A_331 : vector<16xi32>
      %ge3A = arith.constant 640 : i32
      %ge3A_333 = vector.broadcast %ge3A : i32 to vector<16xi32>
      %ge3A_334 = arith.cmpi sge, %get3A_326, %ge3A_333 : vector<16xi32>
      %lt3A = arith.constant 704 : i32
      %lt3A_335 = vector.broadcast %lt3A : i32 to vector<16xi32>
      %lt3A_336 = arith.cmpi slt, %get3A_326, %lt3A_335 : vector<16xi32>
      %and3A = arith.andi %ge3A_334, %lt3A_336 : vector<16xi1>
      tpu.vector_store_idx %arg6[%sub3A_328, %add3A_332], %broadcast_in_dim3A_3 masked %and3A : memref<64x512xf32, #tpu.memory_space<vmem>>[vector<16xi32>, vector<16xi32>], vector<16xf32>, vector<16xi1>
    }
    %scan3A_260 = arith.constant 32 : i32
    %scan3A_261 = arith.constant 0 : i32
    %scan3A_262 = arith.constant 0 : i32
    %scan3A_263 = arith.constant 32 : i32
    %scan3A_264 = arith.addi %scan3A_262, %scan3A_263 : i32
    %scan3A_265 = arith.constant 1 : i32
    scf.for %scan3A_323 = %scan3A_262 to %scan3A_264 step %scan3A_265  : i32 {
      %mul3A_324 = arith.constant 16 : i32
      %mul3A_325 = arith.muli %scan3A_323, %mul3A_324 : i32
      %get3A = arith.index_cast %mul3A_325 : i32 to index
      %get3A_326 = tpu.vector_load %arg4[%get3A] {strides = array<i32>} : memref<512xi32, #tpu.memory_space<vmem>>, vector<16xi32>,
      %sub3A = arith.constant 832 : i32
      %sub3A_327 = vector.broadcast %sub3A : i32 to vector<16xi32>
      %sub3A_328 = arith.subi %get3A_326, %sub3A_327 : vector<16xi32>
      %mul3A_329 = arith.constant 16 : i32
      %mul3A_330 = arith.muli %scan3A_323, %mul3A_329 : i32
      %add3A_331 = vector.broadcast %mul3A_330 : i32 to vector<16xi32>
      %add3A_332 = arith.addi %iota3A, %add3A_331 : vector<16xi32>
      %ge3A = arith.constant 832 : i32
      %ge3A_333 = vector.broadcast %ge3A : i32 to vector<16xi32>
      %ge3A_334 = arith.cmpi sge, %get3A_326, %ge3A_333 : vector<16xi32>
      %lt3A = arith.constant 896 : i32
      %lt3A_335 = vector.broadcast %lt3A : i32 to vector<16xi32>
      %lt3A_336 = arith.cmpi slt, %get3A_326, %lt3A_335 : vector<16xi32>
      %and3A = arith.andi %ge3A_334, %lt3A_336 : vector<16xi1>
      tpu.vector_store_idx %arg6[%sub3A_328, %add3A_332], %broadcast_in_dim3A_5 masked %and3A : memref<64x512xf32, #tpu.memory_space<vmem>>[vector<16xi32>, vector<16xi32>], vector<16xf32>, vector<16xi1>
    }
    %scan3A_266 = arith.constant 32 : i32
    %dma_start3A_267 = arith.constant 832 : i32
    %dma_start3A_268 = tpu.memref_slice %arg3[%dma_start3A_267, %mul3A_2] : memref<1000x16384xf32, #tpu.memory_space<hbm>> -> memref<64x512xf32, #tpu.memory_space<hbm>>
    %dma_start3A_269 = arith.constant 832 : i32
    %dma_start3A_270 = tpu.memref_slice %arg3[%dma_start3A_269, %mul3A_2] : memref<1000x16384xf32, #tpu.memory_space<hbm>> -> memref<64x512xf32, #tpu.memory_space<hbm>>
    tpu.enqueue_dma source(%arg6 : memref<64x512xf32, #tpu.memory_space<vmem>>) target(%dma_start3A_270 : memref<64x512xf32, #tpu.memory_space<hbm>>) target_semaphore(%arg10 : memref<!tpu.dma_semaphore, #tpu.memory_space<semaphore_mem>>)
    %dma_wait3A_271 = arith.constant 704 : i32
    %dma_wait3A_272 = tpu.memref_slice %arg3[%dma_wait3A_271, %mul3A_2] : memref<1000x16384xf32, #tpu.memory_space<hbm>> -> memref<64x512xf32, #tpu.memory_space<hbm>>
    %dma_wait3A_273 = arith.constant 704 : i32
    %dma_wait3A_274 = tpu.memref_slice %arg3[%dma_wait3A_273, %mul3A_2] : memref<1000x16384xf32, #tpu.memory_space<hbm>> -> memref<64x512xf32, #tpu.memory_space<hbm>>
    tpu.wait_dma2 semaphore(%arg11 : memref<!tpu.dma_semaphore, #tpu.memory_space<semaphore_mem>>) src(%arg7 : memref<64x512xf32, #tpu.memory_space<vmem>>) dst(%dma_wait3A_274 : memref<64x512xf32, #tpu.memory_space<hbm>>)
    %scan3A_275 = arith.constant 0 : i32
    %scan3A_276 = arith.constant 0 : i32
    %scan3A_277 = arith.constant 32 : i32
    %scan3A_278 = arith.addi %scan3A_276, %scan3A_277 : i32
    %scan3A_279 = arith.constant 1 : i32
    scf.for %scan3A_323 = %scan3A_276 to %scan3A_278 step %scan3A_279  : i32 {
      %mul3A_324 = arith.constant 16 : i32
      %mul3A_325 = arith.muli %scan3A_323, %mul3A_324 : i32
      %get3A = arith.index_cast %mul3A_325 : i32 to index
      %get3A_326 = tpu.vector_load %arg4[%get3A] {strides = array<i32>} : memref<512xi32, #tpu.memory_space<vmem>>, vector<16xi32>,
      %sub3A = arith.constant 704 : i32
      %sub3A_327 = vector.broadcast %sub3A : i32 to vector<16xi32>
      %sub3A_328 = arith.subi %get3A_326, %sub3A_327 : vector<16xi32>
      %mul3A_329 = arith.constant 16 : i32
      %mul3A_330 = arith.muli %scan3A_323, %mul3A_329 : i32
      %add3A_331 = vector.broadcast %mul3A_330 : i32 to vector<16xi32>
      %add3A_332 = arith.addi %iota3A, %add3A_331 : vector<16xi32>
      %ge3A = arith.constant 704 : i32
      %ge3A_333 = vector.broadcast %ge3A : i32 to vector<16xi32>
      %ge3A_334 = arith.cmpi sge, %get3A_326, %ge3A_333 : vector<16xi32>
      %lt3A = arith.constant 768 : i32
      %lt3A_335 = vector.broadcast %lt3A : i32 to vector<16xi32>
      %lt3A_336 = arith.cmpi slt, %get3A_326, %lt3A_335 : vector<16xi32>
      %and3A = arith.andi %ge3A_334, %lt3A_336 : vector<16xi1>
      tpu.vector_store_idx %arg7[%sub3A_328, %add3A_332], %broadcast_in_dim3A_3 masked %and3A : memref<64x512xf32, #tpu.memory_space<vmem>>[vector<16xi32>, vector<16xi32>], vector<16xf32>, vector<16xi1>
    }
    %scan3A_280 = arith.constant 32 : i32
    %scan3A_281 = arith.constant 0 : i32
    %scan3A_282 = arith.constant 0 : i32
    %scan3A_283 = arith.constant 32 : i32
    %scan3A_284 = arith.addi %scan3A_282, %scan3A_283 : i32
    %scan3A_285 = arith.constant 1 : i32
    scf.for %scan3A_323 = %scan3A_282 to %scan3A_284 step %scan3A_285  : i32 {
      %mul3A_324 = arith.constant 16 : i32
      %mul3A_325 = arith.muli %scan3A_323, %mul3A_324 : i32
      %get3A = arith.index_cast %mul3A_325 : i32 to index
      %get3A_326 = tpu.vector_load %arg4[%get3A] {strides = array<i32>} : memref<512xi32, #tpu.memory_space<vmem>>, vector<16xi32>,
      %sub3A = arith.constant 896 : i32
      %sub3A_327 = vector.broadcast %sub3A : i32 to vector<16xi32>
      %sub3A_328 = arith.subi %get3A_326, %sub3A_327 : vector<16xi32>
      %mul3A_329 = arith.constant 16 : i32
      %mul3A_330 = arith.muli %scan3A_323, %mul3A_329 : i32
      %add3A_331 = vector.broadcast %mul3A_330 : i32 to vector<16xi32>
      %add3A_332 = arith.addi %iota3A, %add3A_331 : vector<16xi32>
      %ge3A = arith.constant 896 : i32
      %ge3A_333 = vector.broadcast %ge3A : i32 to vector<16xi32>
      %ge3A_334 = arith.cmpi sge, %get3A_326, %ge3A_333 : vector<16xi32>
      %lt3A = arith.constant 960 : i32
      %lt3A_335 = vector.broadcast %lt3A : i32 to vector<16xi32>
      %lt3A_336 = arith.cmpi slt, %get3A_326, %lt3A_335 : vector<16xi32>
      %and3A = arith.andi %ge3A_334, %lt3A_336 : vector<16xi1>
      tpu.vector_store_idx %arg7[%sub3A_328, %add3A_332], %broadcast_in_dim3A_5 masked %and3A : memref<64x512xf32, #tpu.memory_space<vmem>>[vector<16xi32>, vector<16xi32>], vector<16xf32>, vector<16xi1>
    }
    %scan3A_286 = arith.constant 32 : i32
    %dma_start3A_287 = arith.constant 896 : i32
    %dma_start3A_288 = tpu.memref_slice %arg3[%dma_start3A_287, %mul3A_2] : memref<1000x16384xf32, #tpu.memory_space<hbm>> -> memref<64x512xf32, #tpu.memory_space<hbm>>
    %dma_start3A_289 = arith.constant 896 : i32
    %dma_start3A_290 = tpu.memref_slice %arg3[%dma_start3A_289, %mul3A_2] : memref<1000x16384xf32, #tpu.memory_space<hbm>> -> memref<64x512xf32, #tpu.memory_space<hbm>>
    tpu.enqueue_dma source(%arg7 : memref<64x512xf32, #tpu.memory_space<vmem>>) target(%dma_start3A_290 : memref<64x512xf32, #tpu.memory_space<hbm>>) target_semaphore(%arg11 : memref<!tpu.dma_semaphore, #tpu.memory_space<semaphore_mem>>)
    %scan3A_291 = arith.constant 0 : i32
    %scan3A_292 = arith.constant 0 : i32
    %scan3A_293 = arith.constant 32 : i32
    %scan3A_294 = arith.addi %scan3A_292, %scan3A_293 : i32
    %scan3A_295 = arith.constant 1 : i32
    scf.for %scan3A_323 = %scan3A_292 to %scan3A_294 step %scan3A_295  : i32 {
      %mul3A_324 = arith.constant 16 : i32
      %mul3A_325 = arith.muli %scan3A_323, %mul3A_324 : i32
      %swap3A = arith.constant 0 : i32
      %swap3A_326 = arith.index_cast %swap3A : i32 to index
      %swap3A_327 = arith.index_cast %mul3A_325 : i32 to index
      %swap3A_328 = tpu.vector_load %arg8[%swap3A_326, %swap3A_327] {strides = array<i32>} : memref<40x512xf32, #tpu.memory_space<vmem>>, vector<16xf32>,
      tpu.vector_store %arg8[%swap3A_326, %swap3A_327], %broadcast_in_dim3A_3 {strides = array<i32>} : memref<40x512xf32, #tpu.memory_space<vmem>>, vector<16xf32>,
      %mul3A_329 = arith.constant 16 : i32
      %mul3A_330 = arith.muli %scan3A_323, %mul3A_329 : i32
      %swap3A_331 = arith.constant 1 : i32
      %swap3A_332 = arith.index_cast %swap3A_331 : i32 to index
      %swap3A_333 = arith.index_cast %mul3A_330 : i32 to index
      %swap3A_334 = tpu.vector_load %arg8[%swap3A_332, %swap3A_333] {strides = array<i32>} : memref<40x512xf32, #tpu.memory_space<vmem>>, vector<16xf32>,
      tpu.vector_store %arg8[%swap3A_332, %swap3A_333], %broadcast_in_dim3A_3 {strides = array<i32>} : memref<40x512xf32, #tpu.memory_space<vmem>>, vector<16xf32>,
      %mul3A_335 = arith.constant 16 : i32
      %mul3A_336 = arith.muli %scan3A_323, %mul3A_335 : i32
      %swap3A_337 = arith.constant 2 : i32
      %swap3A_338 = arith.index_cast %swap3A_337 : i32 to index
      %swap3A_339 = arith.index_cast %mul3A_336 : i32 to index
      %swap3A_340 = tpu.vector_load %arg8[%swap3A_338, %swap3A_339] {strides = array<i32>} : memref<40x512xf32, #tpu.memory_space<vmem>>, vector<16xf32>,
      tpu.vector_store %arg8[%swap3A_338, %swap3A_339], %broadcast_in_dim3A_3 {strides = array<i32>} : memref<40x512xf32, #tpu.memory_space<vmem>>, vector<16xf32>,
      %mul3A_341 = arith.constant 16 : i32
      %mul3A_342 = arith.muli %scan3A_323, %mul3A_341 : i32
      %swap3A_343 = arith.constant 3 : i32
      %swap3A_344 = arith.index_cast %swap3A_343 : i32 to index
      %swap3A_345 = arith.index_cast %mul3A_342 : i32 to index
      %swap3A_346 = tpu.vector_load %arg8[%swap3A_344, %swap3A_345] {strides = array<i32>} : memref<40x512xf32, #tpu.memory_space<vmem>>, vector<16xf32>,
      tpu.vector_store %arg8[%swap3A_344, %swap3A_345], %broadcast_in_dim3A_3 {strides = array<i32>} : memref<40x512xf32, #tpu.memory_space<vmem>>, vector<16xf32>,
      %mul3A_347 = arith.constant 16 : i32
      %mul3A_348 = arith.muli %scan3A_323, %mul3A_347 : i32
      %swap3A_349 = arith.constant 4 : i32
      %swap3A_350 = arith.index_cast %swap3A_349 : i32 to index
      %swap3A_351 = arith.index_cast %mul3A_348 : i32 to index
      %swap3A_352 = tpu.vector_load %arg8[%swap3A_350, %swap3A_351] {strides = array<i32>} : memref<40x512xf32, #tpu.memory_space<vmem>>, vector<16xf32>,
      tpu.vector_store %arg8[%swap3A_350, %swap3A_351], %broadcast_in_dim3A_3 {strides = array<i32>} : memref<40x512xf32, #tpu.memory_space<vmem>>, vector<16xf32>,
      %mul3A_353 = arith.constant 16 : i32
      %mul3A_354 = arith.muli %scan3A_323, %mul3A_353 : i32
      %swap3A_355 = arith.constant 5 : i32
      %swap3A_356 = arith.index_cast %swap3A_355 : i32 to index
      %swap3A_357 = arith.index_cast %mul3A_354 : i32 to index
      %swap3A_358 = tpu.vector_load %arg8[%swap3A_356, %swap3A_357] {strides = array<i32>} : memref<40x512xf32, #tpu.memory_space<vmem>>, vector<16xf32>,
      tpu.vector_store %arg8[%swap3A_356, %swap3A_357], %broadcast_in_dim3A_3 {strides = array<i32>} : memref<40x512xf32, #tpu.memory_space<vmem>>, vector<16xf32>,
      %mul3A_359 = arith.constant 16 : i32
      %mul3A_360 = arith.muli %scan3A_323, %mul3A_359 : i32
      %swap3A_361 = arith.constant 6 : i32
      %swap3A_362 = arith.index_cast %swap3A_361 : i32 to index
      %swap3A_363 = arith.index_cast %mul3A_360 : i32 to index
      %swap3A_364 = tpu.vector_load %arg8[%swap3A_362, %swap3A_363] {strides = array<i32>} : memref<40x512xf32, #tpu.memory_space<vmem>>, vector<16xf32>,
      tpu.vector_store %arg8[%swap3A_362, %swap3A_363], %broadcast_in_dim3A_3 {strides = array<i32>} : memref<40x512xf32, #tpu.memory_space<vmem>>, vector<16xf32>,
      %mul3A_365 = arith.constant 16 : i32
      %mul3A_366 = arith.muli %scan3A_323, %mul3A_365 : i32
      %swap3A_367 = arith.constant 7 : i32
      %swap3A_368 = arith.index_cast %swap3A_367 : i32 to index
      %swap3A_369 = arith.index_cast %mul3A_366 : i32 to index
      %swap3A_370 = tpu.vector_load %arg8[%swap3A_368, %swap3A_369] {strides = array<i32>} : memref<40x512xf32, #tpu.memory_space<vmem>>, vector<16xf32>,
      tpu.vector_store %arg8[%swap3A_368, %swap3A_369], %broadcast_in_dim3A_3 {strides = array<i32>} : memref<40x512xf32, #tpu.memory_space<vmem>>, vector<16xf32>,
      %mul3A_371 = arith.constant 16 : i32
      %mul3A_372 = arith.muli %scan3A_323, %mul3A_371 : i32
      %swap3A_373 = arith.constant 8 : i32
      %swap3A_374 = arith.index_cast %swap3A_373 : i32 to index
      %swap3A_375 = arith.index_cast %mul3A_372 : i32 to index
      %swap3A_376 = tpu.vector_load %arg8[%swap3A_374, %swap3A_375] {strides = array<i32>} : memref<40x512xf32, #tpu.memory_space<vmem>>, vector<16xf32>,
      tpu.vector_store %arg8[%swap3A_374, %swap3A_375], %broadcast_in_dim3A_3 {strides = array<i32>} : memref<40x512xf32, #tpu.memory_space<vmem>>, vector<16xf32>,
      %mul3A_377 = arith.constant 16 : i32
      %mul3A_378 = arith.muli %scan3A_323, %mul3A_377 : i32
      %swap3A_379 = arith.constant 9 : i32
      %swap3A_380 = arith.index_cast %swap3A_379 : i32 to index
      %swap3A_381 = arith.index_cast %mul3A_378 : i32 to index
      %swap3A_382 = tpu.vector_load %arg8[%swap3A_380, %swap3A_381] {strides = array<i32>} : memref<40x512xf32, #tpu.memory_space<vmem>>, vector<16xf32>,
      tpu.vector_store %arg8[%swap3A_380, %swap3A_381], %broadcast_in_dim3A_3 {strides = array<i32>} : memref<40x512xf32, #tpu.memory_space<vmem>>, vector<16xf32>,
      %mul3A_383 = arith.constant 16 : i32
      %mul3A_384 = arith.muli %scan3A_323, %mul3A_383 : i32
      %swap3A_385 = arith.constant 10 : i32
      %swap3A_386 = arith.index_cast %swap3A_385 : i32 to index
      %swap3A_387 = arith.index_cast %mul3A_384 : i32 to index
      %swap3A_388 = tpu.vector_load %arg8[%swap3A_386, %swap3A_387] {strides = array<i32>} : memref<40x512xf32, #tpu.memory_space<vmem>>, vector<16xf32>,
      tpu.vector_store %arg8[%swap3A_386, %swap3A_387], %broadcast_in_dim3A_3 {strides = array<i32>} : memref<40x512xf32, #tpu.memory_space<vmem>>, vector<16xf32>,
      %mul3A_389 = arith.constant 16 : i32
      %mul3A_390 = arith.muli %scan3A_323, %mul3A_389 : i32
      %swap3A_391 = arith.constant 11 : i32
      %swap3A_392 = arith.index_cast %swap3A_391 : i32 to index
      %swap3A_393 = arith.index_cast %mul3A_390 : i32 to index
      %swap3A_394 = tpu.vector_load %arg8[%swap3A_392, %swap3A_393] {strides = array<i32>} : memref<40x512xf32, #tpu.memory_space<vmem>>, vector<16xf32>,
      tpu.vector_store %arg8[%swap3A_392, %swap3A_393], %broadcast_in_dim3A_3 {strides = array<i32>} : memref<40x512xf32, #tpu.memory_space<vmem>>, vector<16xf32>,
      %mul3A_395 = arith.constant 16 : i32
      %mul3A_396 = arith.muli %scan3A_323, %mul3A_395 : i32
      %swap3A_397 = arith.constant 12 : i32
      %swap3A_398 = arith.index_cast %swap3A_397 : i32 to index
      %swap3A_399 = arith.index_cast %mul3A_396 : i32 to index
      %swap3A_400 = tpu.vector_load %arg8[%swap3A_398, %swap3A_399] {strides = array<i32>} : memref<40x512xf32, #tpu.memory_space<vmem>>, vector<16xf32>,
      tpu.vector_store %arg8[%swap3A_398, %swap3A_399], %broadcast_in_dim3A_3 {strides = array<i32>} : memref<40x512xf32, #tpu.memory_space<vmem>>, vector<16xf32>,
      %mul3A_401 = arith.constant 16 : i32
      %mul3A_402 = arith.muli %scan3A_323, %mul3A_401 : i32
      %swap3A_403 = arith.constant 13 : i32
      %swap3A_404 = arith.index_cast %swap3A_403 : i32 to index
      %swap3A_405 = arith.index_cast %mul3A_402 : i32 to index
      %swap3A_406 = tpu.vector_load %arg8[%swap3A_404, %swap3A_405] {strides = array<i32>} : memref<40x512xf32, #tpu.memory_space<vmem>>, vector<16xf32>,
      tpu.vector_store %arg8[%swap3A_404, %swap3A_405], %broadcast_in_dim3A_3 {strides = array<i32>} : memref<40x512xf32, #tpu.memory_space<vmem>>, vector<16xf32>,
      %mul3A_407 = arith.constant 16 : i32
      %mul3A_408 = arith.muli %scan3A_323, %mul3A_407 : i32
      %swap3A_409 = arith.constant 14 : i32
      %swap3A_410 = arith.index_cast %swap3A_409 : i32 to index
      %swap3A_411 = arith.index_cast %mul3A_408 : i32 to index
      %swap3A_412 = tpu.vector_load %arg8[%swap3A_410, %swap3A_411] {strides = array<i32>} : memref<40x512xf32, #tpu.memory_space<vmem>>, vector<16xf32>,
      tpu.vector_store %arg8[%swap3A_410, %swap3A_411], %broadcast_in_dim3A_3 {strides = array<i32>} : memref<40x512xf32, #tpu.memory_space<vmem>>, vector<16xf32>,
      %mul3A_413 = arith.constant 16 : i32
      %mul3A_414 = arith.muli %scan3A_323, %mul3A_413 : i32
      %swap3A_415 = arith.constant 15 : i32
      %swap3A_416 = arith.index_cast %swap3A_415 : i32 to index
      %swap3A_417 = arith.index_cast %mul3A_414 : i32 to index
      %swap3A_418 = tpu.vector_load %arg8[%swap3A_416, %swap3A_417] {strides = array<i32>} : memref<40x512xf32, #tpu.memory_space<vmem>>, vector<16xf32>,
      tpu.vector_store %arg8[%swap3A_416, %swap3A_417], %broadcast_in_dim3A_3 {strides = array<i32>} : memref<40x512xf32, #tpu.memory_space<vmem>>, vector<16xf32>,
      %mul3A_419 = arith.constant 16 : i32
      %mul3A_420 = arith.muli %scan3A_323, %mul3A_419 : i32
      %swap3A_421 = arith.constant 16 : i32
      %swap3A_422 = arith.index_cast %swap3A_421 : i32 to index
      %swap3A_423 = arith.index_cast %mul3A_420 : i32 to index
      %swap3A_424 = tpu.vector_load %arg8[%swap3A_422, %swap3A_423] {strides = array<i32>} : memref<40x512xf32, #tpu.memory_space<vmem>>, vector<16xf32>,
      tpu.vector_store %arg8[%swap3A_422, %swap3A_423], %broadcast_in_dim3A_3 {strides = array<i32>} : memref<40x512xf32, #tpu.memory_space<vmem>>, vector<16xf32>,
      %mul3A_425 = arith.constant 16 : i32
      %mul3A_426 = arith.muli %scan3A_323, %mul3A_425 : i32
      %swap3A_427 = arith.constant 17 : i32
      %swap3A_428 = arith.index_cast %swap3A_427 : i32 to index
      %swap3A_429 = arith.index_cast %mul3A_426 : i32 to index
      %swap3A_430 = tpu.vector_load %arg8[%swap3A_428, %swap3A_429] {strides = array<i32>} : memref<40x512xf32, #tpu.memory_space<vmem>>, vector<16xf32>,
      tpu.vector_store %arg8[%swap3A_428, %swap3A_429], %broadcast_in_dim3A_3 {strides = array<i32>} : memref<40x512xf32, #tpu.memory_space<vmem>>, vector<16xf32>,
      %mul3A_431 = arith.constant 16 : i32
      %mul3A_432 = arith.muli %scan3A_323, %mul3A_431 : i32
      %swap3A_433 = arith.constant 18 : i32
      %swap3A_434 = arith.index_cast %swap3A_433 : i32 to index
      %swap3A_435 = arith.index_cast %mul3A_432 : i32 to index
      %swap3A_436 = tpu.vector_load %arg8[%swap3A_434, %swap3A_435] {strides = array<i32>} : memref<40x512xf32, #tpu.memory_space<vmem>>, vector<16xf32>,
      tpu.vector_store %arg8[%swap3A_434, %swap3A_435], %broadcast_in_dim3A_3 {strides = array<i32>} : memref<40x512xf32, #tpu.memory_space<vmem>>, vector<16xf32>,
      %mul3A_437 = arith.constant 16 : i32
      %mul3A_438 = arith.muli %scan3A_323, %mul3A_437 : i32
      %swap3A_439 = arith.constant 19 : i32
      %swap3A_440 = arith.index_cast %swap3A_439 : i32 to index
      %swap3A_441 = arith.index_cast %mul3A_438 : i32 to index
      %swap3A_442 = tpu.vector_load %arg8[%swap3A_440, %swap3A_441] {strides = array<i32>} : memref<40x512xf32, #tpu.memory_space<vmem>>, vector<16xf32>,
      tpu.vector_store %arg8[%swap3A_440, %swap3A_441], %broadcast_in_dim3A_3 {strides = array<i32>} : memref<40x512xf32, #tpu.memory_space<vmem>>, vector<16xf32>,
      %mul3A_443 = arith.constant 16 : i32
      %mul3A_444 = arith.muli %scan3A_323, %mul3A_443 : i32
      %swap3A_445 = arith.constant 20 : i32
      %swap3A_446 = arith.index_cast %swap3A_445 : i32 to index
      %swap3A_447 = arith.index_cast %mul3A_444 : i32 to index
      %swap3A_448 = tpu.vector_load %arg8[%swap3A_446, %swap3A_447] {strides = array<i32>} : memref<40x512xf32, #tpu.memory_space<vmem>>, vector<16xf32>,
      tpu.vector_store %arg8[%swap3A_446, %swap3A_447], %broadcast_in_dim3A_3 {strides = array<i32>} : memref<40x512xf32, #tpu.memory_space<vmem>>, vector<16xf32>,
      %mul3A_449 = arith.constant 16 : i32
      %mul3A_450 = arith.muli %scan3A_323, %mul3A_449 : i32
      %swap3A_451 = arith.constant 21 : i32
      %swap3A_452 = arith.index_cast %swap3A_451 : i32 to index
      %swap3A_453 = arith.index_cast %mul3A_450 : i32 to index
      %swap3A_454 = tpu.vector_load %arg8[%swap3A_452, %swap3A_453] {strides = array<i32>} : memref<40x512xf32, #tpu.memory_space<vmem>>, vector<16xf32>,
      tpu.vector_store %arg8[%swap3A_452, %swap3A_453], %broadcast_in_dim3A_3 {strides = array<i32>} : memref<40x512xf32, #tpu.memory_space<vmem>>, vector<16xf32>,
      %mul3A_455 = arith.constant 16 : i32
      %mul3A_456 = arith.muli %scan3A_323, %mul3A_455 : i32
      %swap3A_457 = arith.constant 22 : i32
      %swap3A_458 = arith.index_cast %swap3A_457 : i32 to index
      %swap3A_459 = arith.index_cast %mul3A_456 : i32 to index
      %swap3A_460 = tpu.vector_load %arg8[%swap3A_458, %swap3A_459] {strides = array<i32>} : memref<40x512xf32, #tpu.memory_space<vmem>>, vector<16xf32>,
      tpu.vector_store %arg8[%swap3A_458, %swap3A_459], %broadcast_in_dim3A_3 {strides = array<i32>} : memref<40x512xf32, #tpu.memory_space<vmem>>, vector<16xf32>,
      %mul3A_461 = arith.constant 16 : i32
      %mul3A_462 = arith.muli %scan3A_323, %mul3A_461 : i32
      %swap3A_463 = arith.constant 23 : i32
      %swap3A_464 = arith.index_cast %swap3A_463 : i32 to index
      %swap3A_465 = arith.index_cast %mul3A_462 : i32 to index
      %swap3A_466 = tpu.vector_load %arg8[%swap3A_464, %swap3A_465] {strides = array<i32>} : memref<40x512xf32, #tpu.memory_space<vmem>>, vector<16xf32>,
      tpu.vector_store %arg8[%swap3A_464, %swap3A_465], %broadcast_in_dim3A_3 {strides = array<i32>} : memref<40x512xf32, #tpu.memory_space<vmem>>, vector<16xf32>,
      %mul3A_467 = arith.constant 16 : i32
      %mul3A_468 = arith.muli %scan3A_323, %mul3A_467 : i32
      %swap3A_469 = arith.constant 24 : i32
      %swap3A_470 = arith.index_cast %swap3A_469 : i32 to index
      %swap3A_471 = arith.index_cast %mul3A_468 : i32 to index
      %swap3A_472 = tpu.vector_load %arg8[%swap3A_470, %swap3A_471] {strides = array<i32>} : memref<40x512xf32, #tpu.memory_space<vmem>>, vector<16xf32>,
      tpu.vector_store %arg8[%swap3A_470, %swap3A_471], %broadcast_in_dim3A_3 {strides = array<i32>} : memref<40x512xf32, #tpu.memory_space<vmem>>, vector<16xf32>,
      %mul3A_473 = arith.constant 16 : i32
      %mul3A_474 = arith.muli %scan3A_323, %mul3A_473 : i32
      %swap3A_475 = arith.constant 25 : i32
      %swap3A_476 = arith.index_cast %swap3A_475 : i32 to index
      %swap3A_477 = arith.index_cast %mul3A_474 : i32 to index
      %swap3A_478 = tpu.vector_load %arg8[%swap3A_476, %swap3A_477] {strides = array<i32>} : memref<40x512xf32, #tpu.memory_space<vmem>>, vector<16xf32>,
      tpu.vector_store %arg8[%swap3A_476, %swap3A_477], %broadcast_in_dim3A_3 {strides = array<i32>} : memref<40x512xf32, #tpu.memory_space<vmem>>, vector<16xf32>,
      %mul3A_479 = arith.constant 16 : i32
      %mul3A_480 = arith.muli %scan3A_323, %mul3A_479 : i32
      %swap3A_481 = arith.constant 26 : i32
      %swap3A_482 = arith.index_cast %swap3A_481 : i32 to index
      %swap3A_483 = arith.index_cast %mul3A_480 : i32 to index
      %swap3A_484 = tpu.vector_load %arg8[%swap3A_482, %swap3A_483] {strides = array<i32>} : memref<40x512xf32, #tpu.memory_space<vmem>>, vector<16xf32>,
      tpu.vector_store %arg8[%swap3A_482, %swap3A_483], %broadcast_in_dim3A_3 {strides = array<i32>} : memref<40x512xf32, #tpu.memory_space<vmem>>, vector<16xf32>,
      %mul3A_485 = arith.constant 16 : i32
      %mul3A_486 = arith.muli %scan3A_323, %mul3A_485 : i32
      %swap3A_487 = arith.constant 27 : i32
      %swap3A_488 = arith.index_cast %swap3A_487 : i32 to index
      %swap3A_489 = arith.index_cast %mul3A_486 : i32 to index
      %swap3A_490 = tpu.vector_load %arg8[%swap3A_488, %swap3A_489] {strides = array<i32>} : memref<40x512xf32, #tpu.memory_space<vmem>>, vector<16xf32>,
      tpu.vector_store %arg8[%swap3A_488, %swap3A_489], %broadcast_in_dim3A_3 {strides = array<i32>} : memref<40x512xf32, #tpu.memory_space<vmem>>, vector<16xf32>,
      %mul3A_491 = arith.constant 16 : i32
      %mul3A_492 = arith.muli %scan3A_323, %mul3A_491 : i32
      %swap3A_493 = arith.constant 28 : i32
      %swap3A_494 = arith.index_cast %swap3A_493 : i32 to index
      %swap3A_495 = arith.index_cast %mul3A_492 : i32 to index
      %swap3A_496 = tpu.vector_load %arg8[%swap3A_494, %swap3A_495] {strides = array<i32>} : memref<40x512xf32, #tpu.memory_space<vmem>>, vector<16xf32>,
      tpu.vector_store %arg8[%swap3A_494, %swap3A_495], %broadcast_in_dim3A_3 {strides = array<i32>} : memref<40x512xf32, #tpu.memory_space<vmem>>, vector<16xf32>,
      %mul3A_497 = arith.constant 16 : i32
      %mul3A_498 = arith.muli %scan3A_323, %mul3A_497 : i32
      %swap3A_499 = arith.constant 29 : i32
      %swap3A_500 = arith.index_cast %swap3A_499 : i32 to index
      %swap3A_501 = arith.index_cast %mul3A_498 : i32 to index
      %swap3A_502 = tpu.vector_load %arg8[%swap3A_500, %swap3A_501] {strides = array<i32>} : memref<40x512xf32, #tpu.memory_space<vmem>>, vector<16xf32>,
      tpu.vector_store %arg8[%swap3A_500, %swap3A_501], %broadcast_in_dim3A_3 {strides = array<i32>} : memref<40x512xf32, #tpu.memory_space<vmem>>, vector<16xf32>,
      %mul3A_503 = arith.constant 16 : i32
      %mul3A_504 = arith.muli %scan3A_323, %mul3A_503 : i32
      %swap3A_505 = arith.constant 30 : i32
      %swap3A_506 = arith.index_cast %swap3A_505 : i32 to index
      %swap3A_507 = arith.index_cast %mul3A_504 : i32 to index
      %swap3A_508 = tpu.vector_load %arg8[%swap3A_506, %swap3A_507] {strides = array<i32>} : memref<40x512xf32, #tpu.memory_space<vmem>>, vector<16xf32>,
      tpu.vector_store %arg8[%swap3A_506, %swap3A_507], %broadcast_in_dim3A_3 {strides = array<i32>} : memref<40x512xf32, #tpu.memory_space<vmem>>, vector<16xf32>,
      %mul3A_509 = arith.constant 16 : i32
      %mul3A_510 = arith.muli %scan3A_323, %mul3A_509 : i32
      %swap3A_511 = arith.constant 31 : i32
      %swap3A_512 = arith.index_cast %swap3A_511 : i32 to index
      %swap3A_513 = arith.index_cast %mul3A_510 : i32 to index
      %swap3A_514 = tpu.vector_load %arg8[%swap3A_512, %swap3A_513] {strides = array<i32>} : memref<40x512xf32, #tpu.memory_space<vmem>>, vector<16xf32>,
      tpu.vector_store %arg8[%swap3A_512, %swap3A_513], %broadcast_in_dim3A_3 {strides = array<i32>} : memref<40x512xf32, #tpu.memory_space<vmem>>, vector<16xf32>,
      %mul3A_515 = arith.constant 16 : i32
      %mul3A_516 = arith.muli %scan3A_323, %mul3A_515 : i32
      %swap3A_517 = arith.constant 32 : i32
      %swap3A_518 = arith.index_cast %swap3A_517 : i32 to index
      %swap3A_519 = arith.index_cast %mul3A_516 : i32 to index
      %swap3A_520 = tpu.vector_load %arg8[%swap3A_518, %swap3A_519] {strides = array<i32>} : memref<40x512xf32, #tpu.memory_space<vmem>>, vector<16xf32>,
      tpu.vector_store %arg8[%swap3A_518, %swap3A_519], %broadcast_in_dim3A_3 {strides = array<i32>} : memref<40x512xf32, #tpu.memory_space<vmem>>, vector<16xf32>,
      %mul3A_521 = arith.constant 16 : i32
      %mul3A_522 = arith.muli %scan3A_323, %mul3A_521 : i32
      %swap3A_523 = arith.constant 33 : i32
      %swap3A_524 = arith.index_cast %swap3A_523 : i32 to index
      %swap3A_525 = arith.index_cast %mul3A_522 : i32 to index
      %swap3A_526 = tpu.vector_load %arg8[%swap3A_524, %swap3A_525] {strides = array<i32>} : memref<40x512xf32, #tpu.memory_space<vmem>>, vector<16xf32>,
      tpu.vector_store %arg8[%swap3A_524, %swap3A_525], %broadcast_in_dim3A_3 {strides = array<i32>} : memref<40x512xf32, #tpu.memory_space<vmem>>, vector<16xf32>,
      %mul3A_527 = arith.constant 16 : i32
      %mul3A_528 = arith.muli %scan3A_323, %mul3A_527 : i32
      %swap3A_529 = arith.constant 34 : i32
      %swap3A_530 = arith.index_cast %swap3A_529 : i32 to index
      %swap3A_531 = arith.index_cast %mul3A_528 : i32 to index
      %swap3A_532 = tpu.vector_load %arg8[%swap3A_530, %swap3A_531] {strides = array<i32>} : memref<40x512xf32, #tpu.memory_space<vmem>>, vector<16xf32>,
      tpu.vector_store %arg8[%swap3A_530, %swap3A_531], %broadcast_in_dim3A_3 {strides = array<i32>} : memref<40x512xf32, #tpu.memory_space<vmem>>, vector<16xf32>,
      %mul3A_533 = arith.constant 16 : i32
      %mul3A_534 = arith.muli %scan3A_323, %mul3A_533 : i32
      %swap3A_535 = arith.constant 35 : i32
      %swap3A_536 = arith.index_cast %swap3A_535 : i32 to index
      %swap3A_537 = arith.index_cast %mul3A_534 : i32 to index
      %swap3A_538 = tpu.vector_load %arg8[%swap3A_536, %swap3A_537] {strides = array<i32>} : memref<40x512xf32, #tpu.memory_space<vmem>>, vector<16xf32>,
      tpu.vector_store %arg8[%swap3A_536, %swap3A_537], %broadcast_in_dim3A_3 {strides = array<i32>} : memref<40x512xf32, #tpu.memory_space<vmem>>, vector<16xf32>,
      %mul3A_539 = arith.constant 16 : i32
      %mul3A_540 = arith.muli %scan3A_323, %mul3A_539 : i32
      %swap3A_541 = arith.constant 36 : i32
      %swap3A_542 = arith.index_cast %swap3A_541 : i32 to index
      %swap3A_543 = arith.index_cast %mul3A_540 : i32 to index
      %swap3A_544 = tpu.vector_load %arg8[%swap3A_542, %swap3A_543] {strides = array<i32>} : memref<40x512xf32, #tpu.memory_space<vmem>>, vector<16xf32>,
      tpu.vector_store %arg8[%swap3A_542, %swap3A_543], %broadcast_in_dim3A_3 {strides = array<i32>} : memref<40x512xf32, #tpu.memory_space<vmem>>, vector<16xf32>,
      %mul3A_545 = arith.constant 16 : i32
      %mul3A_546 = arith.muli %scan3A_323, %mul3A_545 : i32
      %swap3A_547 = arith.constant 37 : i32
      %swap3A_548 = arith.index_cast %swap3A_547 : i32 to index
      %swap3A_549 = arith.index_cast %mul3A_546 : i32 to index
      %swap3A_550 = tpu.vector_load %arg8[%swap3A_548, %swap3A_549] {strides = array<i32>} : memref<40x512xf32, #tpu.memory_space<vmem>>, vector<16xf32>,
      tpu.vector_store %arg8[%swap3A_548, %swap3A_549], %broadcast_in_dim3A_3 {strides = array<i32>} : memref<40x512xf32, #tpu.memory_space<vmem>>, vector<16xf32>,
      %mul3A_551 = arith.constant 16 : i32
      %mul3A_552 = arith.muli %scan3A_323, %mul3A_551 : i32
      %swap3A_553 = arith.constant 38 : i32
      %swap3A_554 = arith.index_cast %swap3A_553 : i32 to index
      %swap3A_555 = arith.index_cast %mul3A_552 : i32 to index
      %swap3A_556 = tpu.vector_load %arg8[%swap3A_554, %swap3A_555] {strides = array<i32>} : memref<40x512xf32, #tpu.memory_space<vmem>>, vector<16xf32>,
      tpu.vector_store %arg8[%swap3A_554, %swap3A_555], %broadcast_in_dim3A_3 {strides = array<i32>} : memref<40x512xf32, #tpu.memory_space<vmem>>, vector<16xf32>,
      %mul3A_557 = arith.constant 16 : i32
      %mul3A_558 = arith.muli %scan3A_323, %mul3A_557 : i32
      %swap3A_559 = arith.constant 39 : i32
      %swap3A_560 = arith.index_cast %swap3A_559 : i32 to index
      %swap3A_561 = arith.index_cast %mul3A_558 : i32 to index
      %swap3A_562 = tpu.vector_load %arg8[%swap3A_560, %swap3A_561] {strides = array<i32>} : memref<40x512xf32, #tpu.memory_space<vmem>>, vector<16xf32>,
      tpu.vector_store %arg8[%swap3A_560, %swap3A_561], %broadcast_in_dim3A_3 {strides = array<i32>} : memref<40x512xf32, #tpu.memory_space<vmem>>, vector<16xf32>,
    }
    %scan3A_296 = arith.constant 32 : i32
    %scan3A_297 = arith.constant 0 : i32
    %scan3A_298 = arith.constant 0 : i32
    %scan3A_299 = arith.constant 32 : i32
    %scan3A_300 = arith.addi %scan3A_298, %scan3A_299 : i32
    %scan3A_301 = arith.constant 1 : i32
    scf.for %scan3A_323 = %scan3A_298 to %scan3A_300 step %scan3A_301  : i32 {
      %mul3A_324 = arith.constant 16 : i32
      %mul3A_325 = arith.muli %scan3A_323, %mul3A_324 : i32
      %get3A = arith.index_cast %mul3A_325 : i32 to index
      %get3A_326 = tpu.vector_load %arg4[%get3A] {strides = array<i32>} : memref<512xi32, #tpu.memory_space<vmem>>, vector<16xi32>,
      %sub3A = arith.constant 960 : i32
      %sub3A_327 = vector.broadcast %sub3A : i32 to vector<16xi32>
      %sub3A_328 = arith.subi %get3A_326, %sub3A_327 : vector<16xi32>
      %mul3A_329 = arith.constant 16 : i32
      %mul3A_330 = arith.muli %scan3A_323, %mul3A_329 : i32
      %add3A_331 = vector.broadcast %mul3A_330 : i32 to vector<16xi32>
      %add3A_332 = arith.addi %iota3A, %add3A_331 : vector<16xi32>
      %ge3A = arith.constant 960 : i32
      %ge3A_333 = vector.broadcast %ge3A : i32 to vector<16xi32>
      %ge3A_334 = arith.cmpi sge, %get3A_326, %ge3A_333 : vector<16xi32>
      %lt3A = arith.constant 1000 : i32
      %lt3A_335 = vector.broadcast %lt3A : i32 to vector<16xi32>
      %lt3A_336 = arith.cmpi slt, %get3A_326, %lt3A_335 : vector<16xi32>
      %and3A = arith.andi %ge3A_334, %lt3A_336 : vector<16xi1>
      tpu.vector_store_idx %arg8[%sub3A_328, %add3A_332], %broadcast_in_dim3A_5 masked %and3A : memref<40x512xf32, #tpu.memory_space<vmem>>[vector<16xi32>, vector<16xi32>], vector<16xf32>, vector<16xi1>
    }
    %scan3A_302 = arith.constant 32 : i32
    %dma_start3A_303 = arith.constant 960 : i32
    %dma_start3A_304 = tpu.memref_slice %arg3[%dma_start3A_303, %mul3A_2] : memref<1000x16384xf32, #tpu.memory_space<hbm>> -> memref<40x512xf32, #tpu.memory_space<hbm>>
    %dma_start3A_305 = arith.constant 960 : i32
    %dma_start3A_306 = tpu.memref_slice %arg3[%dma_start3A_305, %mul3A_2] : memref<1000x16384xf32, #tpu.memory_space<hbm>> -> memref<40x512xf32, #tpu.memory_space<hbm>>
    tpu.enqueue_dma source(%arg8 : memref<40x512xf32, #tpu.memory_space<vmem>>) target(%dma_start3A_306 : memref<40x512xf32, #tpu.memory_space<hbm>>) target_semaphore(%arg12 : memref<!tpu.dma_semaphore, #tpu.memory_space<semaphore_mem>>)
    %dma_wait3A_307 = arith.constant 768 : i32
    %dma_wait3A_308 = tpu.memref_slice %arg3[%dma_wait3A_307, %mul3A_2] : memref<1000x16384xf32, #tpu.memory_space<hbm>> -> memref<64x512xf32, #tpu.memory_space<hbm>>
    %dma_wait3A_309 = arith.constant 768 : i32
    %dma_wait3A_310 = tpu.memref_slice %arg3[%dma_wait3A_309, %mul3A_2] : memref<1000x16384xf32, #tpu.memory_space<hbm>> -> memref<64x512xf32, #tpu.memory_space<hbm>>
    tpu.wait_dma2 semaphore(%arg9 : memref<!tpu.dma_semaphore, #tpu.memory_space<semaphore_mem>>) src(%arg5 : memref<64x512xf32, #tpu.memory_space<vmem>>) dst(%dma_wait3A_310 : memref<64x512xf32, #tpu.memory_space<hbm>>)
    %dma_wait3A_311 = arith.constant 832 : i32
    %dma_wait3A_312 = tpu.memref_slice %arg3[%dma_wait3A_311, %mul3A_2] : memref<1000x16384xf32, #tpu.memory_space<hbm>> -> memref<64x512xf32, #tpu.memory_space<hbm>>
    %dma_wait3A_313 = arith.constant 832 : i32
    %dma_wait3A_314 = tpu.memref_slice %arg3[%dma_wait3A_313, %mul3A_2] : memref<1000x16384xf32, #tpu.memory_space<hbm>> -> memref<64x512xf32, #tpu.memory_space<hbm>>
    tpu.wait_dma2 semaphore(%arg10 : memref<!tpu.dma_semaphore, #tpu.memory_space<semaphore_mem>>) src(%arg6 : memref<64x512xf32, #tpu.memory_space<vmem>>) dst(%dma_wait3A_314 : memref<64x512xf32, #tpu.memory_space<hbm>>)
    %dma_wait3A_315 = arith.constant 896 : i32
    %dma_wait3A_316 = tpu.memref_slice %arg3[%dma_wait3A_315, %mul3A_2] : memref<1000x16384xf32, #tpu.memory_space<hbm>> -> memref<64x512xf32, #tpu.memory_space<hbm>>
    %dma_wait3A_317 = arith.constant 896 : i32
    %dma_wait3A_318 = tpu.memref_slice %arg3[%dma_wait3A_317, %mul3A_2] : memref<1000x16384xf32, #tpu.memory_space<hbm>> -> memref<64x512xf32, #tpu.memory_space<hbm>>
    tpu.wait_dma2 semaphore(%arg11 : memref<!tpu.dma_semaphore, #tpu.memory_space<semaphore_mem>>) src(%arg7 : memref<64x512xf32, #tpu.memory_space<vmem>>) dst(%dma_wait3A_318 : memref<64x512xf32, #tpu.memory_space<hbm>>)
    %dma_wait3A_319 = arith.constant 960 : i32
    %dma_wait3A_320 = tpu.memref_slice %arg3[%dma_wait3A_319, %mul3A_2] : memref<1000x16384xf32, #tpu.memory_space<hbm>> -> memref<40x512xf32, #tpu.memory_space<hbm>>
    %dma_wait3A_321 = arith.constant 960 : i32
    %dma_wait3A_322 = tpu.memref_slice %arg3[%dma_wait3A_321, %mul3A_2] : memref<1000x16384xf32, #tpu.memory_space<hbm>> -> memref<40x512xf32, #tpu.memory_space<hbm>>
    tpu.wait_dma2 semaphore(%arg12 : memref<!tpu.dma_semaphore, #tpu.memory_space<semaphore_mem>>) src(%arg8 : memref<40x512xf32, #tpu.memory_space<vmem>>) dst(%dma_wait3A_322 : memref<40x512xf32, #tpu.memory_space<hbm>>)
    return
  }
}

</mosaic_0001>

<sc_bundles>
// kernel: kernel.3.cloned.1.call-start
scs
__scs_entry_jumppad:
0x0: {  	(pc) =	sbr.rel $0x88, $3  }
0x1: {  	(tag) =	ssettag $0x0;
	lr =	simm.s32 $0x1  }
0x2: {  	[smem:$0x3FA0] =	sst lr;
	_ =	strace $0xD0000000  }
0x3: {  	_ = 	snop  }
0x4: {  	_ = 	snop  }
0x5: {  	_ = 	snop  }
0x6: {  	_ = 	snop  }
0x7: {  	_ = 	snop  }
__scs_overlays_trampoline_lowered:
0x8: {  	[smem:$0x3FAF] =	sst s0  }
0x9: {  	[smem:$0x3FB0] =	sst s1  }
0xa: {  	[smem:$0x3FB1] =	sst s2  }
0xb: {  	[smem:$0x3FB2] =	sst s3  }
0xc: {  	[smem:$0x3FB3] =	sst s4  }
0xd: {  	[smem:$0x3FB4] =	sst s5  }
0xe: {  	[smem:$0x3FB5] =	sst s6  }
0xf: {  	[smem:$0x3FB6] =	sst s7  }
0x10: {  	[smem:$0x3FB7] =	sst s8  }
0x11: {  	[smem:$0x3FB8] =	sst s9;
	s0 =	simm.s32 @!p0 $0x0  }
0x12: {  	s1 =	sld [smem:$0x3F9E];
	s0 =	simm.s32 @p0 $0x1  }
0x13: {  	[smem:$0x3FB9] =	sst s0;
	s0 =	simm.s32 @!p1 $0x0  }
0x14: {  	s2 =	sld [smem:$0x3F9D];
	s0 =	simm.s32 @p1 $0x1  }
0x15: {  	[smem:$0x3FBA] =	sst s0;
	s0 =	simm.s32 @!p2 $0x0  }
0x16: {  	s3 =	sld [smem:$0x3FDB];
	s0 =	simm.s32 @p2 $0x1  }
0x17: {  	s4 =	simm.s32 $0x1BF5;
	[smem:$0x3FBC] =	sst s0  }
0x18: {  	s0 =	sld [smem:$0x3F9F];
	_ =	swait.ge [sflag:s4], $0x0  }
0x19: {  	s7 =	sld [smem:$0x3FA0]  }
0x1a: {  	s8 =	sadd.s32 $0xFFFFE003, lr  }
0x1b: {  	s9 =	sadd.s32 $0xFFFFFEF7, lr;
	s5 =	simm.s32 $0xFFFFFFFF;
	p2 =	slt.u32 s8, $0xFFFFF086  }
0x1c: {  	p1 =	slt.u32 s9, $0xF7A;
	s5 =	simm.s32 @!p2 $0x0  }
0x1d: {  	s5 =	simm.s32 @p1 $0x1;
	p0 =	seq.s32 s7, s2  }
0x1e: {  	s7 =	smul.u32 @!p0 $0xF7A, s2;
	p2 =	seq.s32 @!p0 s5, $0x0  }
0x1f: {  	s9 =	smul.u32 $0xF7A, s1;
	s8 =	simm.s32 @!p0 $0x1BF5;
	p2 =	por !p2, p0  }
0x20: {  	[sflag:s8] =	ssyncset.s32 @!p0 $0xFFFFF086;
	s6 =	sadd.s32 @!p0 s3, s7;
	s7 =	simm.s32 @!p0 $0x108  }
0x21: {  	s3 =	sadd.s32 s3, s9;
	s6 =	sadd.s32 @!p0 $0x88, s6;
	s7 =	simm.s32 @p2 $0x1082  }
0x22: {  	[simem:s7], [sflag:s8] =	dma.local @!p0 [hbm:s6], $0xF7A  }
0x23: {  	s9 =	sor.u32 $0xD0000000, s2;
	s6 =	simm.s32 $0x108;
	_ =	swait.ge @!p0 [sflag:s8], $0x0  }
0x24: {  	s3 =	sadd.s32 $0x88, s3;
	s6 =	simm.s32 @!p1 $0x1082;
	[sflag:s4] =	ssyncset.s32 $0xFFFFF086  }
0x25: {  	[simem:s6], [sflag:s4] =	dma.local [hbm:s3], $0xF7A  }
0x26: {  	[smem:$0x3FA0] =	sst s1;
	(tag) =	ssettag s2;
	_ =	strace s9  }
0x27: {  	s1 =	sld [smem:$0x3FB0]  }
0x28: {  	s2 =	sld [smem:$0x3FB1]  }
0x29: {  	s4 =	sld [smem:$0x3FB3]  }
0x2a: {  	p0 =	seq.s32 s5, $0x0;
	s5 =	sld [smem:$0x3FB4]  }
0x2b: {  	s6 =	sld [smem:$0x3FB5]  }
0x2c: {  	s7 =	sld [smem:$0x3FB6]  }
0x2d: {  	s3 =	simm.s32 $0x108;
	s8 =	sld [smem:$0x3FB7]  }
0x2e: {  	s3 =	simm.s32 @!p0 $0x1082;
	s9 =	sld [smem:$0x3FB8]  }
0x2f: {  	lr =	sadd.s32 s0, s3;
	s0 =	sld [smem:$0x3FAF]  }
0x30: {  	s3 =	sld [smem:$0x3FB2]  }
0x31: {  	[smem:$0x3FBB] =	sst s10  }
0x32: {  	s10 =	sld [smem:$0x3FB9];
	_ =	sdelay $0x3  }
0x33: {  	p0 =	seq.s32 s10, $0x1;
	s10 =	sld [smem:$0x3FBB];
	_ =	sdelay $0x3  }
0x34: {  	[smem:$0x3FBB] =	sst s10  }
0x35: {  	s10 =	sld [smem:$0x3FBA];
	_ =	sdelay $0x3  }
0x36: {  	p1 =	seq.s32 s10, $0x1;
	s10 =	sld [smem:$0x3FBB];
	_ =	sdelay $0x3  }
0x37: {  	[smem:$0x3FBB] =	sst s10  }
0x38: {  	s10 =	sld [smem:$0x3FBC]  }
0x39: {  	_ = 	snop;
	(pc) =	sbr.ind lr, $3  }
0x3a: {  	_ = 	snop  }
0x3b: {  	_ = 	snop  }
0x3c: {  	p2 =	seq.s32 s10, $0x1;
	s10 =	sld [smem:$0x3FBB]  }
0x3d: {  	_ =	shalt  }
0x3e: {  	_ =	shalt  }
0x3f: {  	_ =	shalt  }
0x40: {  	_ =	shalt  }
0x41: {  	_ =	shalt  }
0x42: {  	_ =	shalt  }
0x43: {  	_ =	shalt  }
0x44: {  	_ =	shalt  }
0x45: {  	_ =	shalt  }
0x46: {  	_ =	shalt  }
0x47: {  	_ =	shalt  }
0x48: {  	_ =	shalt  }
0x49: {  	_ =	shalt  }
0x4a: {  	_ =	shalt  }
0x4b: {  	_ =	shalt  }
0x4c: {  	_ =	shalt  }
0x4d: {  	_ =	shalt  }
0x4e: {  	_ =	shalt  }
0x4f: {  	_ =	shalt  }
0x50: {  	_ =	shalt  }
0x51: {  	_ =	shalt  }
0x52: {  	_ =	shalt  }
0x53: {  	_ =	shalt  }
0x54: {  	_ =	shalt  }
0x55: {  	_ =	shalt  }
0x56: {  	_ =	shalt  }
0x57: {  	_ =	shalt  }
0x58: {  	_ =	shalt  }
0x59: {  	_ =	shalt  }
0x5a: {  	_ =	shalt  }
0x5b: {  	_ =	shalt  }
0x5c: {  	_ =	shalt  }
0x5d: {  	_ =	shalt  }
0x5e: {  	_ =	shalt  }
0x5f: {  	_ =	shalt  }
0x60: {  	_ =	shalt  }
0x61: {  	_ =	shalt  }
0x62: {  	_ =	shalt  }
0x63: {  	_ =	shalt  }
0x64: {  	_ =	shalt  }
0x65: {  	_ =	shalt  }
0x66: {  	_ =	shalt  }
0x67: {  	_ =	shalt  }
0x68: {  	_ =	shalt  }
0x69: {  	_ =	shalt  }
0x6a: {  	_ =	shalt  }
0x6b: {  	_ =	shalt  }
0x6c: {  	_ =	shalt  }
0x6d: {  	_ =	shalt  }
0x6e: {  	_ =	shalt  }
0x6f: {  	_ =	shalt  }
0x70: {  	_ =	shalt  }
0x71: {  	_ =	shalt  }
0x72: {  	_ =	shalt  }
0x73: {  	_ =	shalt  }
0x74: {  	_ =	shalt  }
0x75: {  	_ =	shalt  }
0x76: {  	_ =	shalt  }
0x77: {  	_ =	shalt  }
0x78: {  	_ =	shalt  }
0x79: {  	_ =	shalt  }
0x7a: {  	_ =	shalt  }
0x7b: {  	_ =	shalt  }
0x7c: {  	_ =	shalt  }
0x7d: {  	_ =	shalt  }
0x7e: {  	_ =	shalt  }
0x7f: {  	_ =	shalt  }
0x80: {  	_ =	shalt  }
0x81: {  	_ =	shalt  }
0x82: {  	_ =	shalt  }
0x83: {  	_ =	shalt  }
0x84: {  	_ =	shalt  }
0x85: {  	_ =	shalt  }
0x86: {  	_ =	shalt  }
0x87: {  	_ =	shalt  }
.Lfunc_end0:
.L_simem_size_0:
called_computation_lowered:
.L_overlay_start_0:
0x88: {  	s2 =	sld [smem:$0x3FD9]  }
0x89: {  	s3 =	sld [smem:$0x3FFE];
	_ =	sdelay $0x1  }
0x8a: {  	s1 =	srdreg.scid  }
0x8b: {  	s0 =	sand.u32 $0x1, s1  }
0x8c: {  	s18 =	sshll.u32 s0, $0xA;
	s2 =	sadd.s32 s3, s2  }
0x8d: {  	s2 =	sadd.s32 s2, s18  }
0x8e: {  	[smem:$0x3FC7] =	sst s2  }
0x8f: {  	_ = 	snop  }
0x90: {  	s2 =	sld [smem:$0x3FC9]  }
0x91: {  	s19 =	sld [smem:$0x3FD0];
	(tm) =	ssettm $0x1  }
0x92: {  	s4 =	sld [smem:$0x3FFB];
	_ =	sdelay $0x3  }
0x93: {  	_ =	strace s4  }
0x94: {  	s4 =	sld [smem:$0x3FFC];
	_ =	sdelay $0x3  }
0x95: {  	_ =	strace s4  }
0x96: {  	s4 =	sld [smem:$0x3FFD];
	_ =	sdelay $0x3  }
0x97: {  	_ =	strace s4  }
0x98: {  	_ =	strace $0x8FFFFFFF  }
0x99: {  	s20 =	sld [smem:$0x3FDB];
	_ =	sdelay $0x1  }
0x9a: {  	s5 =	simm.s32 $_scs_section_size  }
0x9b: {  	s6 =	simm.s32 $_size__tile_overlayer_lowered;
	s7 =	simm.s32 $_tile_overlayer_lowered  }
0x9c: {  	s23 =	simm.s32 $0x1BFF;
	s22 =	sshll.u32 s7, $0x1;
	s4 =	sadd.s32 s5, s20  }
0x9d: {  	s8 =	simm.s32 $0x0;
	s21 =	sshll.u32 s6, $0x1;
	s6 =	sadd.s32 s22, s4  }
0x9e: {  	[timem:s8], [sflag:s23] =	dma.local [hbm:s6], s21  }
0x9f: {  	_ =	swait.ge [sflag:s23], s21  }
0xa0: {  	s5 =	ssub.s32 $0x0, s21;
	[sflag:s23] =	ssyncset.done $0x0  }
0xa1: {  	[sflag:s23] =	ssyncadd.s32 s5;
	_ =	sdelay $0x1  }
0xa2: {  	s24 =	simm.s32 $0x1B8B  }
0xa3: {  	_ =	swait.ge [sflag:s24], $0x1  }
0xa4: {  	[sflag:s24] =	ssyncset.done $0x0  }
0xa5: {  	s25 =	simm.s32 $0x1B8E;
	[sflag:s24] =	ssyncadd.s32 $0xFFFFFFFF  }
0xa6: {  	s26 =	simm.s32 $execute0_lowered;
	[smem:$0x3FD2] =	sst s25  }
0xa7: {  	s5 =	sshll.u32 s26, $0x1;
	_ =	strace $0x80000046;
	[dreg:$0x1] =	wrdreg $0xFFFFFFFF  }
0xa8: {  	s28 =	simm.s32 $_size_execute0_lowered;
	s4 =	sadd.s32 s4, s5;
	[dreg:$0x0] =	wrdreg $0x0  }
0xa9: {  	s5 =	sshll.u32 s28, $0x1;
	[dreg:$0x2] =	wrdreg s4  }
0xaa: {  	[dreg:$0x3] =	wrdreg s5  }
0xab: {  	[dreg:$0x4] =	wrdreg $0xC0  }
0xac: {  	_ =	task [dreg:s8], $0x5FFFF  }
0xad: {  	[dreg:$0x1] =	wrdreg $0xFFFFFFFF  }
0xae: {  	[dreg:$0x0] =	wrdreg $0x60  }
0xaf: {  	[dreg:$0x2] =	wrdreg s2  }
0xb0: {  	[dreg:$0x3] =	wrdreg s19  }
0xb1: {  	[dreg:$0x4] =	wrdreg $0x9  }
0xb2: {  	_ =	task.clear_ibuf [dreg:s8], $0x5FFFF;
	_ =	strace $0x90000046  }
0xb3: {  	s29 =	simm.s32 $0x9;
	_ =	strace $0x80000048  }
0xb4: {  	_ =	swait.ge [sflag:s29], $0x1  }
0xb5: {  	[sflag:s29] =	ssyncadd.s32 $0xFFFFFFFF  }
0xb6: {  	_ =	strace $0x90000048  }
0xb7: {  	_ =	sfence  }
0xb8: {  	s30 =	sld [smem:$0x0];
	_ =	sdelay $0x2  }
0xb9: {  	s31 =	sshll.u32 s1, $0xD;
	s1 =	sshrl.u32 s1, $0x2  }
0xba: {  	s3 =	sand.u32 $0x4000, s31;
	s1 =	sadd.s32 s1, s30  }
0xbb: {  	s0 =	sor.u32 s3, s0;
	s1 =	sshll.u32 s1, $0x11  }
0xbc: {  	s0 =	sor.u32 s1, s0  }
0xbd: {  	s0 =	sadd.s32 $0x8F2B, s0  }
0xbe: {  	[sflag:s0] =	ssyncadd.remote.s32 $0x1  }
0xbf: {  	_ =	sfence.sel $0xFFFF  }
0xc0: {  	[dreg:$0x0] =	wrdreg $0xFFFFFFFF;
	(pc) =	sbr.abs _section_cstart, $3  }
0xc1: {  	[dreg:$0x1] =	wrdreg $0xFFFFFFFF  }
0xc2: {  	_ =	task.clear_ibuf [dreg:s8], $0x2FFFF;
	_ =	strace $0x9FFFFFFF  }
0xc3: {  	(tm) =	ssettm $0x7FFFFFFF  }
tec
execute0_lowered:
.L_overlay_start_1:
0x0: {  	(tag) =	ssettag $0x1  }
0x1: {  	s0 =	rddreg [dreg:$0x0]  }
0x2: {  	s1 =	rddreg [dreg:$0x1];
	s3 =	srdreg.scid  }
0x3: {  	s2 =	simm.s32 $0x0;
	s4 =	stileid.u32;
	s28 =	simm.s32 $0x1  }
0x4: {  	s29 =	simm.s32 $0x2;
	s30 =	simm.s32 $0x3;
	s3 =	sand.u32 $0x1, s3  }
0x5: {  	s31 =	simm.s32 $0x18200;
	s4 =	sshll.u32 s4, $0xA;
	s5 =	sshll.u32 s3, $0x9  }
0x6: {  	[smem:$0x7FF] =	sst s2;
	s6 =	ssub.s32 $0x2, s3;
	s19 =	sor.u32 s5, s4  }
0x7: {  	_ =	strace $0x80000047;
	s20 =	sshrl.u32 s6, $0x1;
	s5 =	sshrl.u32 s19, $0x3  }
0x8: {  	s3 =	sadd.s32 s1, s19;
	s21 =	ssub.s32 s6, s20;
	s1 =	simm.s32 $0x0  }
0x9: {  	s0 =	sadd.s32 s0, s5;
	s22 =	sadd.s32 $0x20000, s3;
	s23 =	sadd.s32 $0x40000, s3  }
0xa: {  	s24 =	sadd.s32 $0x60000, s3;
	s25 =	sadd.s32 $0x80000, s3;
	s26 =	sadd.s32 $0xA0000, s3  }
0xb: {  	s10 =	sadd.s32 $0xC0000, s3;
	s11 =	sadd.s32 $0xE0000, s3;
	[dreg:$0x3] =	wrdreg s0  }
0xc: {  	s12 =	sadd.s32 $0x100000, s3;
	s13 =	sadd.s32 $0x120000, s3;
	[dreg:$0x4] =	wrdreg s22  }
0xd: {  	s14 =	sadd.s32 $0x140000, s3;
	s15 =	sadd.s32 $0x160000, s3;
	[dreg:$0x5] =	wrdreg s23  }
0xe: {  	s16 =	sadd.s32 $0x180000, s3;
	s17 =	sadd.s32 $0x1A0000, s3;
	[dreg:$0x6] =	wrdreg s24  }
0xf: {  	s18 =	sadd.s32 $0x1C0000, s3;
	s19 =	sadd.s32 $0x1E0000, s3;
	[dreg:$0x7] =	wrdreg s25  }
0x10: {  	s20 =	smax.u32 s21, $0x1;
	s21 =	simm.s32 $0x5;
	[dreg:$0x8] =	wrdreg s26  }
0x11: {  	s22 =	simm.s32 $0x200;
	s23 =	simm.s32 $0x1000;
	s24 =	simm.s32 $0x20000  }
0x12: {  	v0 =	vimm.f32 $0.0e+00;
	v1 =	vlaneseq.u32;
	v2 =	vimm.f32 $1.000000000e+00;
	s25 =	simm.s32 $0x8200;
	s26 =	simm.s32 $0x10200;
	s0 =	simm.s32 $0x4  }
.LBB2_1:
0x13: {  	s4 =	rddreg [dreg:$0x3]  }
0x14: {  	[tilespmem:s2], [sflag:$0x5] =	stream.linear.gather [hbm4b:s4+s2], $0x200, $0x38;
	[tilespmem:$0x1D200] =	vst v63  }
0x15: {  	_ =	swait.ge [sflag:s21], $0x200  }
0x16: {  	s9 =	sand.u32 $0x70, s2;
	s5 =	sand.u32 $0xC00, s2;
	[sflag:s21] =	ssyncset.done $0x0  }
0x17: {  	s4 =	sor.u32 s9, s5;
	[sflag:s21] =	ssyncadd.s32 $0xFFFFFE00  }
0x18: {  	[tilespmem:s4+$0x280] =	vst v0  }
0x19: {  	[tilespmem:s4+$0x300] =	vst v0  }
0x1a: {  	[tilespmem:s4+$0x380] =	vst v0  }
0x1b: {  	[tilespmem:s4+$0x400] =	vst v0  }
0x1c: {  	[tilespmem:s4+$0x480] =	vst v0  }
0x1d: {  	s7 =	sor.u32 s2, s2;
	s6 =	simm.s32 $0x0;
	s5 =	simm.s32 $0x10;
	[tilespmem:s4+$0x500] =	vst v0  }
.LBB2_2:
0x1e: {  	p0 =	sne.s32 s5, $0x1F0;
	[tilespmem:s4+$0x200] =	vst v0;
	s7 =	sor.u32 $0x380, s7  }
0x1f: {  	[tilespmem:s7+$0x200] =	vst v0  }
0x20: {  	[tilespmem:s4+$0x1200] =	vst v0  }
0x21: {  	[tilespmem:s4+$0x1280] =	vst v0  }
0x22: {  	[tilespmem:s4+$0x1300] =	vst v0  }
0x23: {  	[tilespmem:s4+$0x1380] =	vst v0  }
0x24: {  	[tilespmem:s4+$0x1400] =	vst v0  }
0x25: {  	[tilespmem:s4+$0x1480] =	vst v0  }
0x26: {  	[tilespmem:s4+$0x1500] =	vst v0  }
0x27: {  	[tilespmem:s4+$0x1580] =	vst v0  }
0x28: {  	[tilespmem:s4+$0x2200] =	vst v0  }
0x29: {  	[tilespmem:s4+$0x2280] =	vst v0  }
0x2a: {  	[tilespmem:s4+$0x2300] =	vst v0  }
0x2b: {  	[tilespmem:s4+$0x2380] =	vst v0  }
0x2c: {  	[tilespmem:s4+$0x2400] =	vst v0  }
0x2d: {  	[tilespmem:s4+$0x2480] =	vst v0  }
0x2e: {  	[tilespmem:s4+$0x2500] =	vst v0  }
0x2f: {  	[tilespmem:s4+$0x2580] =	vst v0  }
0x30: {  	[tilespmem:s4+$0x3200] =	vst v0  }
0x31: {  	[tilespmem:s4+$0x3280] =	vst v0  }
0x32: {  	[tilespmem:s4+$0x3300] =	vst v0  }
0x33: {  	[tilespmem:s4+$0x3380] =	vst v0  }
0x34: {  	[tilespmem:s4+$0x3400] =	vst v0  }
0x35: {  	[tilespmem:s4+$0x3480] =	vst v0  }
0x36: {  	[tilespmem:s4+$0x3500] =	vst v0  }
0x37: {  	[tilespmem:s4+$0x3580] =	vst v0  }
0x38: {  	[tilespmem:s4+$0x4200] =	vst v0  }
0x39: {  	[tilespmem:s4+$0x4280] =	vst v0  }
0x3a: {  	[tilespmem:s4+$0x4300] =	vst v0  }
0x3b: {  	[tilespmem:s4+$0x4380] =	vst v0  }
0x3c: {  	[tilespmem:s4+$0x4400] =	vst v0  }
0x3d: {  	[tilespmem:s4+$0x4480] =	vst v0  }
0x3e: {  	[tilespmem:s4+$0x4500] =	vst v0  }
0x3f: {  	[tilespmem:s4+$0x4580] =	vst v0  }
0x40: {  	[tilespmem:s4+$0x5200] =	vst v0  }
0x41: {  	[tilespmem:s4+$0x5280] =	vst v0  }
0x42: {  	[tilespmem:s4+$0x5300] =	vst v0  }
0x43: {  	[tilespmem:s4+$0x5380] =	vst v0  }
0x44: {  	[tilespmem:s4+$0x5400] =	vst v0  }
0x45: {  	[tilespmem:s4+$0x5480] =	vst v0  }
0x46: {  	[tilespmem:s4+$0x5500] =	vst v0  }
0x47: {  	[tilespmem:s4+$0x5580] =	vst v0  }
0x48: {  	[tilespmem:s4+$0x6200] =	vst v0  }
0x49: {  	[tilespmem:s4+$0x6280] =	vst v0  }
0x4a: {  	[tilespmem:s4+$0x6300] =	vst v0  }
0x4b: {  	[tilespmem:s4+$0x6380] =	vst v0  }
0x4c: {  	[tilespmem:s4+$0x6400] =	vst v0  }
0x4d: {  	[tilespmem:s4+$0x6480] =	vst v0  }
0x4e: {  	[tilespmem:s4+$0x6500] =	vst v0  }
0x4f: {  	[tilespmem:s4+$0x6580] =	vst v0  }
0x50: {  	[tilespmem:s4+$0x7200] =	vst v0  }
0x51: {  	[tilespmem:s4+$0x7280] =	vst v0  }
0x52: {  	[tilespmem:s4+$0x7300] =	vst v0  }
0x53: {  	[tilespmem:s4+$0x7380] =	vst v0  }
0x54: {  	[tilespmem:s4+$0x7400] =	vst v0  }
0x55: {  	s6 =	sadd.s32 $0x80, s6;
	[tilespmem:s4+$0x7480] =	vst v0  }
0x56: {  	s7 =	sand.u32 $0x70, s5;
	s8 =	sand.u32 $0xC00, s6;
	[tilespmem:s4+$0x7500] =	vst v0  }
0x57: {  	[tilespmem:s4+$0x7580] =	vst v0;
	s4 =	sor.u32 s7, s8  }
0x58: {  	[tilespmem:s4+$0x280] =	vst v0  }
.Ltmp0:
0x59: {  	[tilespmem:s4+$0x300] =	vst v0;
	(pc) =	sbr.rel @p0 .LBB2_2-.Ltmp0, $4  }
0x5a: {  	[tilespmem:s4+$0x380] =	vst v0  }
0x5b: {  	[tilespmem:s4+$0x400] =	vst v0  }
0x5c: {  	[tilespmem:s4+$0x480] =	vst v0  }
0x5d: {  	s7 =	sor.u32 s6, s5;
	s5 =	sadd.s32 $0x10, s5;
	[tilespmem:s4+$0x500] =	vst v0  }
0x5e: {  	[tilespmem:s4+$0x200] =	vst v0;
	s5 =	sor.u32 $0x380, s7  }
0x5f: {  	[tilespmem:s5+$0x200] =	vst v0  }
0x60: {  	[tilespmem:s4+$0x1200] =	vst v0  }
0x61: {  	[tilespmem:s4+$0x1280] =	vst v0  }
0x62: {  	[tilespmem:s4+$0x1300] =	vst v0  }
0x63: {  	[tilespmem:s4+$0x1380] =	vst v0  }
0x64: {  	[tilespmem:s4+$0x1400] =	vst v0  }
0x65: {  	[tilespmem:s4+$0x1480] =	vst v0  }
0x66: {  	[tilespmem:s4+$0x1500] =	vst v0  }
0x67: {  	[tilespmem:s4+$0x1580] =	vst v0  }
0x68: {  	[tilespmem:s4+$0x2200] =	vst v0  }
0x69: {  	[tilespmem:s4+$0x2280] =	vst v0  }
0x6a: {  	[tilespmem:s4+$0x2300] =	vst v0  }
0x6b: {  	[tilespmem:s4+$0x2380] =	vst v0  }
0x6c: {  	[tilespmem:s4+$0x2400] =	vst v0  }
0x6d: {  	[tilespmem:s4+$0x2480] =	vst v0  }
0x6e: {  	[tilespmem:s4+$0x2500] =	vst v0  }
0x6f: {  	[tilespmem:s4+$0x2580] =	vst v0  }
0x70: {  	[tilespmem:s4+$0x3200] =	vst v0  }
0x71: {  	[tilespmem:s4+$0x3280] =	vst v0  }
0x72: {  	[tilespmem:s4+$0x3300] =	vst v0  }
0x73: {  	[tilespmem:s4+$0x3380] =	vst v0  }
0x74: {  	[tilespmem:s4+$0x3400] =	vst v0  }
0x75: {  	[tilespmem:s4+$0x3480] =	vst v0  }
0x76: {  	[tilespmem:s4+$0x3500] =	vst v0  }
0x77: {  	[tilespmem:s4+$0x3580] =	vst v0  }
0x78: {  	[tilespmem:s4+$0x4200] =	vst v0  }
0x79: {  	[tilespmem:s4+$0x4280] =	vst v0  }
0x7a: {  	[tilespmem:s4+$0x4300] =	vst v0  }
0x7b: {  	[tilespmem:s4+$0x4380] =	vst v0  }
0x7c: {  	[tilespmem:s4+$0x4400] =	vst v0  }
0x7d: {  	[tilespmem:s4+$0x4480] =	vst v0  }
0x7e: {  	[tilespmem:s4+$0x4500] =	vst v0  }
0x7f: {  	[tilespmem:s4+$0x4580] =	vst v0  }
0x80: {  	[tilespmem:s4+$0x5200] =	vst v0  }
0x81: {  	[tilespmem:s4+$0x5280] =	vst v0  }
0x82: {  	[tilespmem:s4+$0x5300] =	vst v0  }
0x83: {  	[tilespmem:s4+$0x5380] =	vst v0  }
0x84: {  	[tilespmem:s4+$0x5400] =	vst v0  }
0x85: {  	[tilespmem:s4+$0x5480] =	vst v0  }
0x86: {  	[tilespmem:s4+$0x5500] =	vst v0  }
0x87: {  	[tilespmem:s4+$0x5580] =	vst v0  }
0x88: {  	[tilespmem:s4+$0x6200] =	vst v0  }
0x89: {  	[tilespmem:s4+$0x6280] =	vst v0  }
0x8a: {  	[tilespmem:s4+$0x6300] =	vst v0  }
0x8b: {  	[tilespmem:s4+$0x6380] =	vst v0  }
0x8c: {  	[tilespmem:s4+$0x6400] =	vst v0  }
0x8d: {  	[tilespmem:s4+$0x6480] =	vst v0  }
0x8e: {  	[tilespmem:s4+$0x6500] =	vst v0  }
0x8f: {  	[tilespmem:s4+$0x6580] =	vst v0  }
0x90: {  	[tilespmem:s4+$0x7200] =	vst v0  }
0x91: {  	[tilespmem:s4+$0x7280] =	vst v0  }
0x92: {  	[tilespmem:s4+$0x7300] =	vst v0  }
0x93: {  	[tilespmem:s4+$0x7380] =	vst v0  }
0x94: {  	[tilespmem:s4+$0x7400] =	vst v0  }
0x95: {  	[tilespmem:s4+$0x7480] =	vst v0  }
0x96: {  	[tilespmem:s4+$0x7500] =	vst v0  }
0x97: {  	[tilespmem:s4+$0x7580] =	vst v0;
	s4 =	simm.s32 $0x0  }
0x98: {  	s6 =	simm.s32 $0x0;
	s5 =	simm.s32 $0x10;
	v3 =	vld [tilespmem:s4+$0x0]  }
.LBB2_4:
0x99: {  	p0 =	sne.s32 s5, $0x1F0;
	_ =	sdelay $0x1  }
0x9a: {  	v4 =	vmov s4  }
0x9b: {  	v5 =	vor.u32 s4, v1;
	s4 =	smov.u32 s5;
	v4 =	vshll.u32 v4, $0x3  }
0x9c: {  	v5 =	vand.u32 $0x7F, v5;
	v4 =	vand.u32 $0xC00, v4;
	v6 =	vshll.u32 v3, $0x9  }
0x9d: {  	v4 =	vor.u32 v4, v5;
	v7 =	vshll.u32 v3, $0x7;
	v6 =	vand.u32 $0xFFFFF000, v6  }
0x9e: {  	vm0 =	vlt.u32 v3, $0x40;
	v3 =	vand.u32 $0x380, v7;
	v4 =	vor.u32 v6, v4  }
0x9f: {  	v3 =	vor.u32 v3, v4;
	_ =	sdelay $0x1  }
.Ltmp1:
0xa0: {  	(pc) =	sbr.rel @p0 .LBB2_4-.Ltmp1, $3  }
0xa1: {  	_ =	sdelay $0x1  }
0xa2: {  	s6 =	sadd.s32 $0x10, s6;
	[tilespmem:v3+s22+$0x0] =	vst.idx.msk vm0, v2  }
0xa3: {  	s5 =	sadd.s32 $0x10, s5;
	v3 =	vld [tilespmem:s6+$0x0]  }
0xa4: {  	_ =	sdelay $0x1  }
0xa5: {  	v4 =	vmov s4  }
0xa6: {  	v5 =	vor.u32 s4, v1;
	v4 =	vshll.u32 v4, $0x3  }
0xa7: {  	v5 =	vand.u32 $0x7F, v5;
	v4 =	vand.u32 $0xC00, v4;
	v6 =	vshll.u32 v3, $0x9  }
0xa8: {  	v4 =	vor.u32 v4, v5;
	v7 =	vshll.u32 v3, $0x7;
	v6 =	vand.u32 $0xFFFFF000, v6  }
0xa9: {  	vm0 =	vlt.u32 v3, $0x40;
	v3 =	vand.u32 $0x380, v7;
	v4 =	vor.u32 v6, v4  }
0xaa: {  	v3 =	vor.u32 v3, v4;
	_ =	sdelay $0x2  }
0xab: {  	s4 =	simm.s32 $0x0  }
0xac: {  	s5 =	sand.u32 $0x70, s4;
	s6 =	sand.u32 $0xC00, s4  }
0xad: {  	s5 =	sor.u32 s5, s6;
	[tilespmem:v3+s22+$0x0] =	vst.idx.msk vm0, v2  }
0xae: {  	[hbm4b:s3+s23] =	stream.strided.scatter [tilespmem:s22], [sflag:$0x1], $0x8000, s24, s23, $0x38;
	[tilespmem:$0x1D200] =	vst v63  }
0xaf: {  	[tilespmem:s5+$0x8280] =	vst v0  }
0xb0: {  	[tilespmem:s5+$0x8300] =	vst v0  }
0xb1: {  	[tilespmem:s5+$0x8380] =	vst v0  }
0xb2: {  	[tilespmem:s5+$0x8400] =	vst v0  }
0xb3: {  	[tilespmem:s5+$0x8480] =	vst v0  }
0xb4: {  	s7 =	simm.s32 $0x0;
	s8 =	sor.u32 s4, s4;
	s6 =	simm.s32 $0x10;
	[tilespmem:s5+$0x8500] =	vst v0  }
.LBB2_6:
0xb5: {  	p0 =	sne.s32 s6, $0x1F0;
	[tilespmem:s5+$0x8200] =	vst v0;
	s8 =	sor.u32 $0x380, s8  }
0xb6: {  	[tilespmem:s8+$0x8200] =	vst v0  }
0xb7: {  	[tilespmem:s5+$0x9200] =	vst v0  }
0xb8: {  	[tilespmem:s5+$0x9280] =	vst v0  }
0xb9: {  	[tilespmem:s5+$0x9300] =	vst v0  }
0xba: {  	[tilespmem:s5+$0x9380] =	vst v0  }
0xbb: {  	[tilespmem:s5+$0x9400] =	vst v0  }
0xbc: {  	[tilespmem:s5+$0x9480] =	vst v0  }
0xbd: {  	[tilespmem:s5+$0x9500] =	vst v0  }
0xbe: {  	[tilespmem:s5+$0x9580] =	vst v0  }
0xbf: {  	[tilespmem:s5+$0xA200] =	vst v0  }
0xc0: {  	[tilespmem:s5+$0xA280] =	vst v0  }
0xc1: {  	[tilespmem:s5+$0xA300] =	vst v0  }
0xc2: {  	[tilespmem:s5+$0xA380] =	vst v0  }
0xc3: {  	[tilespmem:s5+$0xA400] =	vst v0  }
0xc4: {  	[tilespmem:s5+$0xA480] =	vst v0  }
0xc5: {  	[tilespmem:s5+$0xA500] =	vst v0  }
0xc6: {  	[tilespmem:s5+$0xA580] =	vst v0  }
0xc7: {  	[tilespmem:s5+$0xB200] =	vst v0  }
0xc8: {  	[tilespmem:s5+$0xB280] =	vst v0  }
0xc9: {  	[tilespmem:s5+$0xB300] =	vst v0  }
0xca: {  	[tilespmem:s5+$0xB380] =	vst v0  }
0xcb: {  	[tilespmem:s5+$0xB400] =	vst v0  }
0xcc: {  	[tilespmem:s5+$0xB480] =	vst v0  }
0xcd: {  	[tilespmem:s5+$0xB500] =	vst v0  }
0xce: {  	[tilespmem:s5+$0xB580] =	vst v0  }
0xcf: {  	[tilespmem:s5+$0xC200] =	vst v0  }
0xd0: {  	[tilespmem:s5+$0xC280] =	vst v0  }
0xd1: {  	[tilespmem:s5+$0xC300] =	vst v0  }
0xd2: {  	[tilespmem:s5+$0xC380] =	vst v0  }
0xd3: {  	[tilespmem:s5+$0xC400] =	vst v0  }
0xd4: {  	[tilespmem:s5+$0xC480] =	vst v0  }
0xd5: {  	[tilespmem:s5+$0xC500] =	vst v0  }
0xd6: {  	[tilespmem:s5+$0xC580] =	vst v0  }
0xd7: {  	[tilespmem:s5+$0xD200] =	vst v0  }
0xd8: {  	[tilespmem:s5+$0xD280] =	vst v0  }
0xd9: {  	[tilespmem:s5+$0xD300] =	vst v0  }
0xda: {  	[tilespmem:s5+$0xD380] =	vst v0  }
0xdb: {  	[tilespmem:s5+$0xD400] =	vst v0  }
0xdc: {  	[tilespmem:s5+$0xD480] =	vst v0  }
0xdd: {  	[tilespmem:s5+$0xD500] =	vst v0  }
0xde: {  	[tilespmem:s5+$0xD580] =	vst v0  }
0xdf: {  	[tilespmem:s5+$0xE200] =	vst v0  }
0xe0: {  	[tilespmem:s5+$0xE280] =	vst v0  }
0xe1: {  	[tilespmem:s5+$0xE300] =	vst v0  }
0xe2: {  	[tilespmem:s5+$0xE380] =	vst v0  }
0xe3: {  	[tilespmem:s5+$0xE400] =	vst v0  }
0xe4: {  	[tilespmem:s5+$0xE480] =	vst v0  }
0xe5: {  	[tilespmem:s5+$0xE500] =	vst v0  }
0xe6: {  	[tilespmem:s5+$0xE580] =	vst v0  }
0xe7: {  	[tilespmem:s5+$0xF200] =	vst v0  }
0xe8: {  	[tilespmem:s5+$0xF280] =	vst v0  }
0xe9: {  	[tilespmem:s5+$0xF300] =	vst v0  }
0xea: {  	[tilespmem:s5+$0xF380] =	vst v0  }
0xeb: {  	[tilespmem:s5+$0xF400] =	vst v0  }
0xec: {  	s7 =	sadd.s32 $0x80, s7;
	[tilespmem:s5+$0xF480] =	vst v0  }
0xed: {  	s8 =	sand.u32 $0x70, s6;
	s9 =	sand.u32 $0xC00, s7;
	[tilespmem:s5+$0xF500] =	vst v0  }
0xee: {  	[tilespmem:s5+$0xF580] =	vst v0;
	s5 =	sor.u32 s8, s9  }
0xef: {  	[tilespmem:s5+$0x8280] =	vst v0  }
.Ltmp2:
0xf0: {  	[tilespmem:s5+$0x8300] =	vst v0;
	(pc) =	sbr.rel @p0 .LBB2_6-.Ltmp2, $4  }
0xf1: {  	[tilespmem:s5+$0x8380] =	vst v0  }
0xf2: {  	[tilespmem:s5+$0x8400] =	vst v0  }
0xf3: {  	[tilespmem:s5+$0x8480] =	vst v0  }
0xf4: {  	s8 =	sor.u32 s7, s6;
	s6 =	sadd.s32 $0x10, s6;
	[tilespmem:s5+$0x8500] =	vst v0  }
0xf5: {  	[tilespmem:s5+$0x8200] =	vst v0;
	s6 =	sor.u32 $0x380, s8  }
0xf6: {  	[tilespmem:s6+$0x8200] =	vst v0  }
0xf7: {  	[tilespmem:s5+$0x9200] =	vst v0  }
0xf8: {  	[tilespmem:s5+$0x9280] =	vst v0  }
0xf9: {  	[tilespmem:s5+$0x9300] =	vst v0  }
0xfa: {  	[tilespmem:s5+$0x9380] =	vst v0  }
0xfb: {  	[tilespmem:s5+$0x9400] =	vst v0  }
0xfc: {  	[tilespmem:s5+$0x9480] =	vst v0  }
0xfd: {  	[tilespmem:s5+$0x9500] =	vst v0  }
0xfe: {  	[tilespmem:s5+$0x9580] =	vst v0  }
0xff: {  	[tilespmem:s5+$0xA200] =	vst v0  }
0x100: {  	[tilespmem:s5+$0xA280] =	vst v0  }
0x101: {  	[tilespmem:s5+$0xA300] =	vst v0  }
0x102: {  	[tilespmem:s5+$0xA380] =	vst v0  }
0x103: {  	[tilespmem:s5+$0xA400] =	vst v0  }
0x104: {  	[tilespmem:s5+$0xA480] =	vst v0  }
0x105: {  	[tilespmem:s5+$0xA500] =	vst v0  }
0x106: {  	[tilespmem:s5+$0xA580] =	vst v0  }
0x107: {  	[tilespmem:s5+$0xB200] =	vst v0  }
0x108: {  	[tilespmem:s5+$0xB280] =	vst v0  }
0x109: {  	[tilespmem:s5+$0xB300] =	vst v0  }
0x10a: {  	[tilespmem:s5+$0xB380] =	vst v0  }
0x10b: {  	[tilespmem:s5+$0xB400] =	vst v0  }
0x10c: {  	[tilespmem:s5+$0xB480] =	vst v0  }
0x10d: {  	[tilespmem:s5+$0xB500] =	vst v0  }
0x10e: {  	[tilespmem:s5+$0xB580] =	vst v0  }
0x10f: {  	[tilespmem:s5+$0xC200] =	vst v0  }
0x110: {  	[tilespmem:s5+$0xC280] =	vst v0  }
0x111: {  	[tilespmem:s5+$0xC300] =	vst v0  }
0x112: {  	[tilespmem:s5+$0xC380] =	vst v0  }
0x113: {  	[tilespmem:s5+$0xC400] =	vst v0  }
0x114: {  	[tilespmem:s5+$0xC480] =	vst v0  }
0x115: {  	[tilespmem:s5+$0xC500] =	vst v0  }
0x116: {  	[tilespmem:s5+$0xC580] =	vst v0  }
0x117: {  	[tilespmem:s5+$0xD200] =	vst v0  }
0x118: {  	[tilespmem:s5+$0xD280] =	vst v0  }
0x119: {  	[tilespmem:s5+$0xD300] =	vst v0  }
0x11a: {  	[tilespmem:s5+$0xD380] =	vst v0  }
0x11b: {  	[tilespmem:s5+$0xD400] =	vst v0  }
0x11c: {  	[tilespmem:s5+$0xD480] =	vst v0  }
0x11d: {  	[tilespmem:s5+$0xD500] =	vst v0  }
0x11e: {  	[tilespmem:s5+$0xD580] =	vst v0  }
0x11f: {  	[tilespmem:s5+$0xE200] =	vst v0  }
0x120: {  	[tilespmem:s5+$0xE280] =	vst v0  }
0x121: {  	[tilespmem:s5+$0xE300] =	vst v0  }
0x122: {  	[tilespmem:s5+$0xE380] =	vst v0  }
0x123: {  	[tilespmem:s5+$0xE400] =	vst v0  }
0x124: {  	[tilespmem:s5+$0xE480] =	vst v0  }
0x125: {  	[tilespmem:s5+$0xE500] =	vst v0  }
0x126: {  	[tilespmem:s5+$0xE580] =	vst v0  }
0x127: {  	[tilespmem:s5+$0xF200] =	vst v0  }
0x128: {  	[tilespmem:s5+$0xF280] =	vst v0  }
0x129: {  	[tilespmem:s5+$0xF300] =	vst v0  }
0x12a: {  	[tilespmem:s5+$0xF380] =	vst v0  }
0x12b: {  	[tilespmem:s5+$0xF400] =	vst v0  }
0x12c: {  	[tilespmem:s5+$0xF480] =	vst v0  }
0x12d: {  	[tilespmem:s5+$0xF500] =	vst v0  }
0x12e: {  	[tilespmem:s5+$0xF580] =	vst v0  }
0x12f: {  	s6 =	simm.s32 $0x0;
	s5 =	simm.s32 $0x10;
	v3 =	vld [tilespmem:s4+$0x0]  }
.LBB2_8:
0x130: {  	p0 =	sne.s32 s5, $0x1F0;
	_ =	sdelay $0x2  }
0x131: {  	v4 =	vmov s4  }
0x132: {  	v4 =	vshll.u32 v4, $0x3;
	v5 =	vshll.u32 v3, $0x9  }
0x133: {  	v4 =	vand.u32 $0xC00, v4;
	v6 =	vshll.u32 v3, $0x7;
	v5 =	vand.u32 $0xFFFFF000, v5  }
0x134: {  	v7 =	vor.u32 s4, v1;
	s4 =	smov.u32 s5;
	v4 =	vor.u32 v4, v5;
	v5 =	vand.u32 $0x380, v6  }
0x135: {  	v3 =	vand.u32 $0xFFFFFFC0, v3;
	v6 =	vand.u32 $0x7F, v7;
	v4 =	vor.u32 v5, v4  }
0x136: {  	vm0 =	veq.s32 v3, $0x40;
	v3 =	vor.u32 v6, v4  }
0x137: {  	v3 =	vadd.s32 $0xFFFF8000, v3;
	_ =	sdelay $0x1  }
.Ltmp3:
0x138: {  	(pc) =	sbr.rel @p0 .LBB2_8-.Ltmp3, $3  }
0x139: {  	_ =	sdelay $0x1  }
0x13a: {  	s6 =	sadd.s32 $0x10, s6;
	[tilespmem:v3+s25+$0x0] =	vst.idx.msk vm0, v2  }
0x13b: {  	s5 =	sadd.s32 $0x10, s5;
	v3 =	vld [tilespmem:s6+$0x0]  }
0x13c: {  	_ =	sdelay $0x2  }
0x13d: {  	v4 =	vmov s4  }
0x13e: {  	v4 =	vshll.u32 v4, $0x3;
	v5 =	vshll.u32 v3, $0x9  }
0x13f: {  	v4 =	vand.u32 $0xC00, v4;
	v6 =	vshll.u32 v3, $0x7;
	v5 =	vand.u32 $0xFFFFF000, v5  }
0x140: {  	v7 =	vor.u32 s4, v1;
	v62 =	vand.u32 $0x380, v6;
	v4 =	vor.u32 v4, v5  }
0x141: {  	v63 =	vand.u32 $0x7F, v7;
	v3 =	vand.u32 $0xFFFFFFC0, v3;
	v4 =	vor.u32 v62, v4  }
0x142: {  	vm0 =	veq.s32 v3, $0x40;
	v3 =	vor.u32 v63, v4  }
0x143: {  	v3 =	vadd.s32 $0xFFFF8000, v3;
	_ =	sdelay $0x2  }
0x144: {  	s4 =	simm.s32 $0x0  }
0x145: {  	s5 =	sand.u32 $0x70, s4;
	s6 =	sand.u32 $0xC00, s4  }
0x146: {  	s9 =	rddreg [dreg:$0x4];
	s5 =	sor.u32 s5, s6;
	[tilespmem:v3+s25+$0x0] =	vst.idx.msk vm0, v2  }
0x147: {  	[hbm4b:s9+s23] =	stream.strided.scatter [tilespmem:s25], [sflag:$0x2], $0x8000, s24, s23, $0x38;
	[tilespmem:$0x1D200] =	vst v63  }
0x148: {  	[tilespmem:s5+$0x10280] =	vst v0  }
0x149: {  	[tilespmem:s5+$0x10300] =	vst v0  }
0x14a: {  	[tilespmem:s5+$0x10380] =	vst v0  }
0x14b: {  	[tilespmem:s5+$0x10400] =	vst v0  }
0x14c: {  	[tilespmem:s5+$0x10480] =	vst v0  }
0x14d: {  	s7 =	simm.s32 $0x0;
	s8 =	sor.u32 s4, s4;
	s6 =	simm.s32 $0x10;
	[tilespmem:s5+$0x10500] =	vst v0  }
.LBB2_10:
0x14e: {  	p0 =	sne.s32 s6, $0x1F0;
	[tilespmem:s5+$0x10200] =	vst v0;
	s8 =	sor.u32 $0x380, s8  }
0x14f: {  	[tilespmem:s8+$0x10200] =	vst v0  }
0x150: {  	[tilespmem:s5+$0x11200] =	vst v0  }
0x151: {  	[tilespmem:s5+$0x11280] =	vst v0  }
0x152: {  	[tilespmem:s5+$0x11300] =	vst v0  }
0x153: {  	[tilespmem:s5+$0x11380] =	vst v0  }
0x154: {  	[tilespmem:s5+$0x11400] =	vst v0  }
0x155: {  	[tilespmem:s5+$0x11480] =	vst v0  }
0x156: {  	[tilespmem:s5+$0x11500] =	vst v0  }
0x157: {  	[tilespmem:s5+$0x11580] =	vst v0  }
0x158: {  	[tilespmem:s5+$0x12200] =	vst v0  }
0x159: {  	[tilespmem:s5+$0x12280] =	vst v0  }
0x15a: {  	[tilespmem:s5+$0x12300] =	vst v0  }
0x15b: {  	[tilespmem:s5+$0x12380] =	vst v0  }
0x15c: {  	[tilespmem:s5+$0x12400] =	vst v0  }
0x15d: {  	[tilespmem:s5+$0x12480] =	vst v0  }
0x15e: {  	[tilespmem:s5+$0x12500] =	vst v0  }
0x15f: {  	[tilespmem:s5+$0x12580] =	vst v0  }
0x160: {  	[tilespmem:s5+$0x13200] =	vst v0  }
0x161: {  	[tilespmem:s5+$0x13280] =	vst v0  }
0x162: {  	[tilespmem:s5+$0x13300] =	vst v0  }
0x163: {  	[tilespmem:s5+$0x13380] =	vst v0  }
0x164: {  	[tilespmem:s5+$0x13400] =	vst v0  }
0x165: {  	[tilespmem:s5+$0x13480] =	vst v0  }
0x166: {  	[tilespmem:s5+$0x13500] =	vst v0  }
0x167: {  	[tilespmem:s5+$0x13580] =	vst v0  }
0x168: {  	[tilespmem:s5+$0x14200] =	vst v0  }
0x169: {  	[tilespmem:s5+$0x14280] =	vst v0  }
0x16a: {  	[tilespmem:s5+$0x14300] =	vst v0  }
0x16b: {  	[tilespmem:s5+$0x14380] =	vst v0  }
0x16c: {  	[tilespmem:s5+$0x14400] =	vst v0  }
0x16d: {  	[tilespmem:s5+$0x14480] =	vst v0  }
0x16e: {  	[tilespmem:s5+$0x14500] =	vst v0  }
0x16f: {  	[tilespmem:s5+$0x14580] =	vst v0  }
0x170: {  	[tilespmem:s5+$0x15200] =	vst v0  }
0x171: {  	[tilespmem:s5+$0x15280] =	vst v0  }
0x172: {  	[tilespmem:s5+$0x15300] =	vst v0  }
0x173: {  	[tilespmem:s5+$0x15380] =	vst v0  }
0x174: {  	[tilespmem:s5+$0x15400] =	vst v0  }
0x175: {  	[tilespmem:s5+$0x15480] =	vst v0  }
0x176: {  	[tilespmem:s5+$0x15500] =	vst v0  }
0x177: {  	[tilespmem:s5+$0x15580] =	vst v0  }
0x178: {  	[tilespmem:s5+$0x16200] =	vst v0  }
0x179: {  	[tilespmem:s5+$0x16280] =	vst v0  }
0x17a: {  	[tilespmem:s5+$0x16300] =	vst v0  }
0x17b: {  	[tilespmem:s5+$0x16380] =	vst v0  }
0x17c: {  	[tilespmem:s5+$0x16400] =	vst v0  }
0x17d: {  	[tilespmem:s5+$0x16480] =	vst v0  }
0x17e: {  	[tilespmem:s5+$0x16500] =	vst v0  }
0x17f: {  	[tilespmem:s5+$0x16580] =	vst v0  }
0x180: {  	[tilespmem:s5+$0x17200] =	vst v0  }
0x181: {  	[tilespmem:s5+$0x17280] =	vst v0  }
0x182: {  	[tilespmem:s5+$0x17300] =	vst v0  }
0x183: {  	[tilespmem:s5+$0x17380] =	vst v0  }
0x184: {  	[tilespmem:s5+$0x17400] =	vst v0  }
0x185: {  	s7 =	sadd.s32 $0x80, s7;
	[tilespmem:s5+$0x17480] =	vst v0  }
0x186: {  	s8 =	sand.u32 $0x70, s6;
	s9 =	sand.u32 $0xC00, s7;
	[tilespmem:s5+$0x17500] =	vst v0  }
0x187: {  	[tilespmem:s5+$0x17580] =	vst v0;
	s5 =	sor.u32 s8, s9  }
0x188: {  	[tilespmem:s5+$0x10280] =	vst v0  }
.Ltmp4:
0x189: {  	[tilespmem:s5+$0x10300] =	vst v0;
	(pc) =	sbr.rel @p0 .LBB2_10-.Ltmp4, $4  }
0x18a: {  	[tilespmem:s5+$0x10380] =	vst v0  }
0x18b: {  	[tilespmem:s5+$0x10400] =	vst v0  }
0x18c: {  	[tilespmem:s5+$0x10480] =	vst v0  }
0x18d: {  	s8 =	sor.u32 s7, s6;
	s6 =	sadd.s32 $0x10, s6;
	[tilespmem:s5+$0x10500] =	vst v0  }
0x18e: {  	[tilespmem:s5+$0x10200] =	vst v0;
	s6 =	sor.u32 $0x380, s8  }
0x18f: {  	[tilespmem:s6+$0x10200] =	vst v0  }
0x190: {  	[tilespmem:s5+$0x11200] =	vst v0  }
0x191: {  	[tilespmem:s5+$0x11280] =	vst v0  }
0x192: {  	[tilespmem:s5+$0x11300] =	vst v0  }
0x193: {  	[tilespmem:s5+$0x11380] =	vst v0  }
0x194: {  	[tilespmem:s5+$0x11400] =	vst v0  }
0x195: {  	[tilespmem:s5+$0x11480] =	vst v0  }
0x196: {  	[tilespmem:s5+$0x11500] =	vst v0  }
0x197: {  	[tilespmem:s5+$0x11580] =	vst v0  }
0x198: {  	[tilespmem:s5+$0x12200] =	vst v0  }
0x199: {  	[tilespmem:s5+$0x12280] =	vst v0  }
0x19a: {  	[tilespmem:s5+$0x12300] =	vst v0  }
0x19b: {  	[tilespmem:s5+$0x12380] =	vst v0  }
0x19c: {  	[tilespmem:s5+$0x12400] =	vst v0  }
0x19d: {  	[tilespmem:s5+$0x12480] =	vst v0  }
0x19e: {  	[tilespmem:s5+$0x12500] =	vst v0  }
0x19f: {  	[tilespmem:s5+$0x12580] =	vst v0  }
0x1a0: {  	[tilespmem:s5+$0x13200] =	vst v0  }
0x1a1: {  	[tilespmem:s5+$0x13280] =	vst v0  }
0x1a2: {  	[tilespmem:s5+$0x13300] =	vst v0  }
0x1a3: {  	[tilespmem:s5+$0x13380] =	vst v0  }
0x1a4: {  	[tilespmem:s5+$0x13400] =	vst v0  }
0x1a5: {  	[tilespmem:s5+$0x13480] =	vst v0  }
0x1a6: {  	[tilespmem:s5+$0x13500] =	vst v0  }
0x1a7: {  	[tilespmem:s5+$0x13580] =	vst v0  }
0x1a8: {  	[tilespmem:s5+$0x14200] =	vst v0  }
0x1a9: {  	[tilespmem:s5+$0x14280] =	vst v0  }
0x1aa: {  	[tilespmem:s5+$0x14300] =	vst v0  }
0x1ab: {  	[tilespmem:s5+$0x14380] =	vst v0  }
0x1ac: {  	[tilespmem:s5+$0x14400] =	vst v0  }
0x1ad: {  	[tilespmem:s5+$0x14480] =	vst v0  }
0x1ae: {  	[tilespmem:s5+$0x14500] =	vst v0  }
0x1af: {  	[tilespmem:s5+$0x14580] =	vst v0  }
0x1b0: {  	[tilespmem:s5+$0x15200] =	vst v0  }
0x1b1: {  	[tilespmem:s5+$0x15280] =	vst v0  }
0x1b2: {  	[tilespmem:s5+$0x15300] =	vst v0  }
0x1b3: {  	[tilespmem:s5+$0x15380] =	vst v0  }
0x1b4: {  	[tilespmem:s5+$0x15400] =	vst v0  }
0x1b5: {  	[tilespmem:s5+$0x15480] =	vst v0  }
0x1b6: {  	[tilespmem:s5+$0x15500] =	vst v0  }
0x1b7: {  	[tilespmem:s5+$0x15580] =	vst v0  }
0x1b8: {  	[tilespmem:s5+$0x16200] =	vst v0  }
0x1b9: {  	[tilespmem:s5+$0x16280] =	vst v0  }
0x1ba: {  	[tilespmem:s5+$0x16300] =	vst v0  }
0x1bb: {  	[tilespmem:s5+$0x16380] =	vst v0  }
0x1bc: {  	[tilespmem:s5+$0x16400] =	vst v0  }
0x1bd: {  	[tilespmem:s5+$0x16480] =	vst v0  }
0x1be: {  	[tilespmem:s5+$0x16500] =	vst v0  }
0x1bf: {  	[tilespmem:s5+$0x16580] =	vst v0  }
0x1c0: {  	[tilespmem:s5+$0x17200] =	vst v0  }
0x1c1: {  	[tilespmem:s5+$0x17280] =	vst v0  }
0x1c2: {  	[tilespmem:s5+$0x17300] =	vst v0  }
0x1c3: {  	[tilespmem:s5+$0x17380] =	vst v0  }
0x1c4: {  	[tilespmem:s5+$0x17400] =	vst v0  }
0x1c5: {  	[tilespmem:s5+$0x17480] =	vst v0  }
0x1c6: {  	[tilespmem:s5+$0x17500] =	vst v0  }
0x1c7: {  	[tilespmem:s5+$0x17580] =	vst v0  }
0x1c8: {  	s6 =	simm.s32 $0x0;
	s5 =	simm.s32 $0x10;
	v3 =	vld [tilespmem:s4+$0x0]  }
.LBB2_12:
0x1c9: {  	p0 =	sne.s32 s5, $0x1F0;
	_ =	sdelay $0x2  }
0x1ca: {  	v4 =	vmov s4  }
0x1cb: {  	v4 =	vshll.u32 v4, $0x3;
	v5 =	vshll.u32 v3, $0x9  }
0x1cc: {  	v4 =	vand.u32 $0xC00, v4;
	v6 =	vshll.u32 v3, $0x7;
	v5 =	vand.u32 $0xFFFFF000, v5  }
0x1cd: {  	v7 =	vor.u32 s4, v1;
	s4 =	smov.u32 s5;
	v4 =	vor.u32 v4, v5;
	v5 =	vand.u32 $0x380, v6  }
0x1ce: {  	v3 =	vand.u32 $0xFFFFFFC0, v3;
	v6 =	vand.u32 $0x7F, v7;
	v4 =	vor.u32 v5, v4  }
0x1cf: {  	vm0 =	veq.s32 v3, $0x80;
	v3 =	vor.u32 v6, v4  }
0x1d0: {  	v3 =	vadd.s32 $0xFFFF0000, v3;
	_ =	sdelay $0x1  }
.Ltmp5:
0x1d1: {  	(pc) =	sbr.rel @p0 .LBB2_12-.Ltmp5, $3  }
0x1d2: {  	_ =	sdelay $0x1  }
0x1d3: {  	s6 =	sadd.s32 $0x10, s6;
	[tilespmem:v3+s26+$0x0] =	vst.idx.msk vm0, v2  }
0x1d4: {  	s5 =	sadd.s32 $0x10, s5;
	v3 =	vld [tilespmem:s6+$0x0]  }
0x1d5: {  	_ =	sdelay $0x2  }
0x1d6: {  	v4 =	vmov s4  }
0x1d7: {  	v4 =	vshll.u32 v4, $0x3;
	v5 =	vshll.u32 v3, $0x9  }
0x1d8: {  	v4 =	vand.u32 $0xC00, v4;
	v6 =	vshll.u32 v3, $0x7;
	v5 =	vand.u32 $0xFFFFF000, v5  }
0x1d9: {  	v7 =	vor.u32 s4, v1;
	v4 =	vor.u32 v4, v5;
	v5 =	vand.u32 $0x380, v6  }
0x1da: {  	v63 =	vand.u32 $0x7F, v7;
	v3 =	vand.u32 $0xFFFFFFC0, v3;
	v4 =	vor.u32 v5, v4  }
0x1db: {  	vm0 =	veq.s32 v3, $0x80;
	v3 =	vor.u32 v63, v4  }
0x1dc: {  	v3 =	vadd.s32 $0xFFFF0000, v3;
	_ =	sdelay $0x4  }
0x1dd: {  	s9 =	rddreg [dreg:$0x5];
	[tilespmem:v3+s26+$0x0] =	vst.idx.msk vm0, v2  }
0x1de: {  	[hbm4b:s9+s23] =	stream.strided.scatter [tilespmem:s26], [sflag:$0x3], $0x8000, s24, s23, $0x38;
	[tilespmem:$0x1D200] =	vst v63  }
0x1df: {  	_ =	swait.ge [sflag:s28], $0x8000  }
0x1e0: {  	[sflag:s28] =	ssyncset.done $0x0  }
0x1e1: {  	s4 =	simm.s32 $0x0;
	[sflag:s28] =	ssyncadd.s32 $0xFFFF8000  }
0x1e2: {  	s5 =	simm.s32 $0x10;
	s6 =	simm.s32 $0x0;
	s7 =	simm.s32 $0x0;
	v3 =	vld [tilespmem:s4+$0x0]  }
.LBB2_14:
0x1e3: {  	p0 =	sne.s32 s5, $0x1F0;
	_ =	sdelay $0x1  }
0x1e4: {  	v4 =	vmov s6  }
0x1e5: {  	v5 =	vor.u32 s6, v1;
	s6 =	smov.u32 s5;
	v4 =	vshll.u32 v4, $0x3  }
0x1e6: {  	v5 =	vand.u32 $0x7F, v5;
	v4 =	vand.u32 $0xC00, v4;
	v6 =	vshll.u32 v3, $0x9  }
0x1e7: {  	v4 =	vor.u32 v4, v5;
	v7 =	vshll.u32 v3, $0x7;
	v6 =	vand.u32 $0xFFFFF000, v6  }
0x1e8: {  	vm0 =	vlt.u32 v3, $0x40;
	v3 =	vand.u32 $0x380, v7;
	v4 =	vor.u32 v6, v4  }
0x1e9: {  	v3 =	vor.u32 v3, v4;
	_ =	sdelay $0x1  }
.Ltmp6:
0x1ea: {  	(pc) =	sbr.rel @p0 .LBB2_14-.Ltmp6, $3  }
0x1eb: {  	_ =	sdelay $0x1  }
0x1ec: {  	s7 =	sadd.s32 $0x10, s7;
	[tilespmem:v3+s22+$0x0] =	vst.idx.msk vm0, v0  }
0x1ed: {  	s5 =	sadd.s32 $0x10, s5;
	v3 =	vld [tilespmem:s7+$0x0]  }
0x1ee: {  	_ =	sdelay $0x1  }
0x1ef: {  	v4 =	vmov s6  }
0x1f0: {  	v5 =	vor.u32 s6, v1;
	v4 =	vshll.u32 v4, $0x3  }
0x1f1: {  	v5 =	vand.u32 $0x7F, v5;
	v4 =	vand.u32 $0xC00, v4;
	v6 =	vshll.u32 v3, $0x9  }
0x1f2: {  	v4 =	vor.u32 v4, v5;
	v7 =	vshll.u32 v3, $0x7;
	v6 =	vand.u32 $0xFFFFF000, v6  }
0x1f3: {  	vm0 =	vlt.u32 v3, $0x40;
	v3 =	vand.u32 $0x380, v7;
	v4 =	vor.u32 v6, v4  }
0x1f4: {  	v3 =	vor.u32 v3, v4;
	_ =	sdelay $0x4  }
0x1f5: {  	[tilespmem:v3+s22+$0x0] =	vst.idx.msk vm0, v0  }
0x1f6: {  	s5 =	simm.s32 $0x10;
	s6 =	simm.s32 $0x0;
	v3 =	vld [tilespmem:s4+$0x0]  }
.LBB2_16:
0x1f7: {  	p0 =	sne.s32 s5, $0x1F0;
	_ =	sdelay $0x2  }
0x1f8: {  	v4 =	vmov s4  }
0x1f9: {  	v4 =	vshll.u32 v4, $0x3;
	v5 =	vshll.u32 v3, $0x9  }
0x1fa: {  	v4 =	vand.u32 $0xC00, v4;
	v6 =	vshll.u32 v3, $0x7;
	v5 =	vand.u32 $0xFFFFF000, v5  }
0x1fb: {  	v7 =	vor.u32 s4, v1;
	s4 =	smov.u32 s5;
	v4 =	vor.u32 v4, v5;
	v5 =	vand.u32 $0x380, v6  }
0x1fc: {  	v3 =	vand.u32 $0xFFFFFFC0, v3;
	v6 =	vand.u32 $0x7F, v7;
	v4 =	vor.u32 v5, v4  }
0x1fd: {  	vm0 =	veq.s32 v3, $0xC0;
	v3 =	vor.u32 v6, v4  }
0x1fe: {  	v3 =	vadd.s32 $0xFFFE8000, v3;
	_ =	sdelay $0x1  }
.Ltmp7:
0x1ff: {  	(pc) =	sbr.rel @p0 .LBB2_16-.Ltmp7, $3  }
0x200: {  	_ =	sdelay $0x1  }
0x201: {  	s6 =	sadd.s32 $0x10, s6;
	[tilespmem:v3+s22+$0x0] =	vst.idx.msk vm0, v2  }
0x202: {  	s5 =	sadd.s32 $0x10, s5;
	v3 =	vld [tilespmem:s6+$0x0]  }
0x203: {  	_ =	sdelay $0x2  }
0x204: {  	v4 =	vmov s4  }
0x205: {  	v4 =	vshll.u32 v4, $0x3;
	v5 =	vshll.u32 v3, $0x9  }
0x206: {  	v4 =	vand.u32 $0xC00, v4;
	v6 =	vshll.u32 v3, $0x7;
	v5 =	vand.u32 $0xFFFFF000, v5  }
0x207: {  	v7 =	vor.u32 s4, v1;
	v4 =	vor.u32 v4, v5;
	v5 =	vand.u32 $0x380, v6  }
0x208: {  	v63 =	vand.u32 $0x7F, v7;
	v3 =	vand.u32 $0xFFFFFFC0, v3;
	v4 =	vor.u32 v5, v4  }
0x209: {  	vm0 =	veq.s32 v3, $0xC0;
	v3 =	vor.u32 v63, v4  }
0x20a: {  	v3 =	vadd.s32 $0xFFFE8000, v3;
	_ =	sdelay $0x4  }
0x20b: {  	s9 =	rddreg [dreg:$0x6];
	[tilespmem:v3+s22+$0x0] =	vst.idx.msk vm0, v2  }
0x20c: {  	[hbm4b:s9+s23] =	stream.strided.scatter [tilespmem:s22], [sflag:$0x1], $0x8000, s24, s23, $0x38;
	[tilespmem:$0x1D200] =	vst v63  }
0x20d: {  	_ =	swait.ge [sflag:s29], $0x8000  }
0x20e: {  	[sflag:s29] =	ssyncset.done $0x0  }
0x20f: {  	s4 =	simm.s32 $0x0;
	[sflag:s29] =	ssyncadd.s32 $0xFFFF8000  }
0x210: {  	s6 =	simm.s32 $0x10;
	s5 =	simm.s32 $0x0;
	s7 =	simm.s32 $0x0;
	v3 =	vld [tilespmem:s4+$0x0]  }
.LBB2_18:
0x211: {  	p0 =	sne.s32 s6, $0x1F0;
	_ =	sdelay $0x2  }
0x212: {  	v4 =	vmov s5  }
0x213: {  	v4 =	vshll.u32 v4, $0x3;
	v5 =	vshll.u32 v3, $0x9  }
0x214: {  	v4 =	vand.u32 $0xC00, v4;
	v6 =	vshll.u32 v3, $0x7;
	v5 =	vand.u32 $0xFFFFF000, v5  }
0x215: {  	v7 =	vor.u32 s5, v1;
	s5 =	smov.u32 s6;
	v4 =	vor.u32 v4, v5;
	v5 =	vand.u32 $0x380, v6  }
0x216: {  	v3 =	vand.u32 $0xFFFFFFC0, v3;
	v6 =	vand.u32 $0x7F, v7;
	v4 =	vor.u32 v5, v4  }
0x217: {  	vm0 =	veq.s32 v3, $0x40;
	v3 =	vor.u32 v6, v4  }
0x218: {  	v3 =	vadd.s32 $0xFFFF8000, v3;
	_ =	sdelay $0x1  }
.Ltmp8:
0x219: {  	(pc) =	sbr.rel @p0 .LBB2_18-.Ltmp8, $3  }
0x21a: {  	_ =	sdelay $0x1  }
0x21b: {  	s7 =	sadd.s32 $0x10, s7;
	[tilespmem:v3+s25+$0x0] =	vst.idx.msk vm0, v0  }
0x21c: {  	s6 =	sadd.s32 $0x10, s6;
	v3 =	vld [tilespmem:s7+$0x0]  }
0x21d: {  	_ =	sdelay $0x2  }
0x21e: {  	v4 =	vmov s5  }
0x21f: {  	v4 =	vshll.u32 v4, $0x3;
	v5 =	vshll.u32 v3, $0x9  }
0x220: {  	v4 =	vand.u32 $0xC00, v4;
	v6 =	vshll.u32 v3, $0x7;
	v5 =	vand.u32 $0xFFFFF000, v5  }
0x221: {  	v7 =	vor.u32 s5, v1;
	v4 =	vor.u32 v4, v5;
	v5 =	vand.u32 $0x380, v6  }
0x222: {  	v63 =	vand.u32 $0x7F, v7;
	v3 =	vand.u32 $0xFFFFFFC0, v3;
	v4 =	vor.u32 v5, v4  }
0x223: {  	vm0 =	veq.s32 v3, $0x40;
	v3 =	vor.u32 v63, v4  }
0x224: {  	v3 =	vadd.s32 $0xFFFF8000, v3;
	_ =	sdelay $0x4  }
0x225: {  	[tilespmem:v3+s25+$0x0] =	vst.idx.msk vm0, v0  }
0x226: {  	s5 =	simm.s32 $0x10;
	s6 =	simm.s32 $0x0;
	v3 =	vld [tilespmem:s4+$0x0]  }
.LBB2_20:
0x227: {  	p0 =	sne.s32 s5, $0x1F0;
	_ =	sdelay $0x2  }
0x228: {  	v4 =	vmov s4  }
0x229: {  	v4 =	vshll.u32 v4, $0x3;
	v5 =	vshll.u32 v3, $0x9  }
0x22a: {  	v4 =	vand.u32 $0xC00, v4;
	v6 =	vshll.u32 v3, $0x7;
	v5 =	vand.u32 $0xFFFFF000, v5  }
0x22b: {  	v7 =	vor.u32 s4, v1;
	s4 =	smov.u32 s5;
	v4 =	vor.u32 v4, v5;
	v5 =	vand.u32 $0x380, v6  }
0x22c: {  	v3 =	vand.u32 $0xFFFFFFC0, v3;
	v6 =	vand.u32 $0x7F, v7;
	v4 =	vor.u32 v5, v4  }
0x22d: {  	vm0 =	veq.s32 v3, $0x100;
	v3 =	vor.u32 v6, v4  }
0x22e: {  	v3 =	vadd.s32 $0xFFFE0000, v3;
	_ =	sdelay $0x1  }
.Ltmp9:
0x22f: {  	(pc) =	sbr.rel @p0 .LBB2_20-.Ltmp9, $3  }
0x230: {  	_ =	sdelay $0x1  }
0x231: {  	s6 =	sadd.s32 $0x10, s6;
	[tilespmem:v3+s25+$0x0] =	vst.idx.msk vm0, v2  }
0x232: {  	s5 =	sadd.s32 $0x10, s5;
	v3 =	vld [tilespmem:s6+$0x0]  }
0x233: {  	_ =	sdelay $0x2  }
0x234: {  	v4 =	vmov s4  }
0x235: {  	v4 =	vshll.u32 v4, $0x3;
	v5 =	vshll.u32 v3, $0x9  }
0x236: {  	v4 =	vand.u32 $0xC00, v4;
	v6 =	vshll.u32 v3, $0x7;
	v5 =	vand.u32 $0xFFFFF000, v5  }
0x237: {  	v7 =	vor.u32 s4, v1;
	v4 =	vor.u32 v4, v5;
	v5 =	vand.u32 $0x380, v6  }
0x238: {  	v63 =	vand.u32 $0x7F, v7;
	v3 =	vand.u32 $0xFFFFFFC0, v3;
	v4 =	vor.u32 v5, v4  }
0x239: {  	vm0 =	veq.s32 v3, $0x100;
	v3 =	vor.u32 v63, v4  }
0x23a: {  	v3 =	vadd.s32 $0xFFFE0000, v3;
	_ =	sdelay $0x4  }
0x23b: {  	s9 =	rddreg [dreg:$0x7];
	[tilespmem:v3+s25+$0x0] =	vst.idx.msk vm0, v2  }
0x23c: {  	[hbm4b:s9+s23] =	stream.strided.scatter [tilespmem:s25], [sflag:$0x2], $0x8000, s24, s23, $0x38;
	[tilespmem:$0x1D200] =	vst v63  }
0x23d: {  	_ =	swait.ge [sflag:s30], $0x8000  }
0x23e: {  	[sflag:s30] =	ssyncset.done $0x0  }
0x23f: {  	s4 =	simm.s32 $0x0;
	[sflag:s30] =	ssyncadd.s32 $0xFFFF8000  }
0x240: {  	s6 =	simm.s32 $0x10;
	s5 =	simm.s32 $0x0;
	s7 =	simm.s32 $0x0;
	v3 =	vld [tilespmem:s4+$0x0]  }
.LBB2_22:
0x241: {  	p0 =	sne.s32 s6, $0x1F0;
	_ =	sdelay $0x2  }
0x242: {  	v4 =	vmov s5  }
0x243: {  	v4 =	vshll.u32 v4, $0x3;
	v5 =	vshll.u32 v3, $0x9  }
0x244: {  	v4 =	vand.u32 $0xC00, v4;
	v6 =	vshll.u32 v3, $0x7;
	v5 =	vand.u32 $0xFFFFF000, v5  }
0x245: {  	v7 =	vor.u32 s5, v1;
	s5 =	smov.u32 s6;
	v4 =	vor.u32 v4, v5;
	v5 =	vand.u32 $0x380, v6  }
0x246: {  	v3 =	vand.u32 $0xFFFFFFC0, v3;
	v6 =	vand.u32 $0x7F, v7;
	v4 =	vor.u32 v5, v4  }
0x247: {  	vm0 =	veq.s32 v3, $0x80;
	v3 =	vor.u32 v6, v4  }
0x248: {  	v3 =	vadd.s32 $0xFFFF0000, v3;
	_ =	sdelay $0x1  }
.Ltmp10:
0x249: {  	(pc) =	sbr.rel @p0 .LBB2_22-.Ltmp10, $3  }
0x24a: {  	_ =	sdelay $0x1  }
0x24b: {  	s7 =	sadd.s32 $0x10, s7;
	[tilespmem:v3+s26+$0x0] =	vst.idx.msk vm0, v0  }
0x24c: {  	s6 =	sadd.s32 $0x10, s6;
	v3 =	vld [tilespmem:s7+$0x0]  }
0x24d: {  	_ =	sdelay $0x2  }
0x24e: {  	v4 =	vmov s5  }
0x24f: {  	v4 =	vshll.u32 v4, $0x3;
	v5 =	vshll.u32 v3, $0x9  }
0x250: {  	v4 =	vand.u32 $0xC00, v4;
	v6 =	vshll.u32 v3, $0x7;
	v5 =	vand.u32 $0xFFFFF000, v5  }
0x251: {  	v7 =	vor.u32 s5, v1;
	v4 =	vor.u32 v4, v5;
	v5 =	vand.u32 $0x380, v6  }
0x252: {  	v63 =	vand.u32 $0x7F, v7;
	v3 =	vand.u32 $0xFFFFFFC0, v3;
	v4 =	vor.u32 v5, v4  }
0x253: {  	vm0 =	veq.s32 v3, $0x80;
	v3 =	vor.u32 v63, v4  }
0x254: {  	v3 =	vadd.s32 $0xFFFF0000, v3;
	_ =	sdelay $0x4  }
0x255: {  	[tilespmem:v3+s26+$0x0] =	vst.idx.msk vm0, v0  }
0x256: {  	s5 =	simm.s32 $0x10;
	s6 =	simm.s32 $0x0;
	v3 =	vld [tilespmem:s4+$0x0]  }
.LBB2_24:
0x257: {  	p0 =	sne.s32 s5, $0x1F0;
	_ =	sdelay $0x2  }
0x258: {  	v4 =	vmov s4  }
0x259: {  	v4 =	vshll.u32 v4, $0x3;
	v5 =	vshll.u32 v3, $0x9  }
0x25a: {  	v4 =	vand.u32 $0xC00, v4;
	v6 =	vshll.u32 v3, $0x7;
	v5 =	vand.u32 $0xFFFFF000, v5  }
0x25b: {  	v7 =	vor.u32 s4, v1;
	s4 =	smov.u32 s5;
	v4 =	vor.u32 v4, v5;
	v5 =	vand.u32 $0x380, v6  }
0x25c: {  	v3 =	vand.u32 $0xFFFFFFC0, v3;
	v6 =	vand.u32 $0x7F, v7;
	v4 =	vor.u32 v5, v4  }
0x25d: {  	vm0 =	veq.s32 v3, $0x140;
	v3 =	vor.u32 v6, v4  }
0x25e: {  	v3 =	vadd.s32 $0xFFFD8000, v3;
	_ =	sdelay $0x1  }
.Ltmp11:
0x25f: {  	(pc) =	sbr.rel @p0 .LBB2_24-.Ltmp11, $3  }
0x260: {  	_ =	sdelay $0x1  }
0x261: {  	s6 =	sadd.s32 $0x10, s6;
	[tilespmem:v3+s26+$0x0] =	vst.idx.msk vm0, v2  }
0x262: {  	s5 =	sadd.s32 $0x10, s5;
	v3 =	vld [tilespmem:s6+$0x0]  }
0x263: {  	_ =	sdelay $0x2  }
0x264: {  	v4 =	vmov s4  }
0x265: {  	v4 =	vshll.u32 v4, $0x3;
	v5 =	vshll.u32 v3, $0x9  }
0x266: {  	v4 =	vand.u32 $0xC00, v4;
	v6 =	vshll.u32 v3, $0x7;
	v5 =	vand.u32 $0xFFFFF000, v5  }
0x267: {  	v7 =	vor.u32 s4, v1;
	v4 =	vor.u32 v4, v5;
	v5 =	vand.u32 $0x380, v6  }
0x268: {  	v63 =	vand.u32 $0x7F, v7;
	v3 =	vand.u32 $0xFFFFFFC0, v3;
	v4 =	vor.u32 v5, v4  }
0x269: {  	vm0 =	veq.s32 v3, $0x140;
	v3 =	vor.u32 v63, v4  }
0x26a: {  	v3 =	vadd.s32 $0xFFFD8000, v3;
	_ =	sdelay $0x4  }
0x26b: {  	s9 =	rddreg [dreg:$0x8];
	[tilespmem:v3+s26+$0x0] =	vst.idx.msk vm0, v2  }
0x26c: {  	[hbm4b:s9+s23] =	stream.strided.scatter [tilespmem:s26], [sflag:$0x3], $0x8000, s24, s23, $0x38;
	[tilespmem:$0x1D200] =	vst v63  }
0x26d: {  	_ =	swait.ge [sflag:s28], $0x8000  }
0x26e: {  	[sflag:s28] =	ssyncset.done $0x0  }
0x26f: {  	s4 =	simm.s32 $0x0;
	[sflag:s28] =	ssyncadd.s32 $0xFFFF8000  }
0x270: {  	s6 =	simm.s32 $0x10;
	s5 =	simm.s32 $0x0;
	s7 =	simm.s32 $0x0;
	v3 =	vld [tilespmem:s4+$0x0]  }
.LBB2_26:
0x271: {  	p0 =	sne.s32 s6, $0x1F0;
	_ =	sdelay $0x2  }
0x272: {  	v4 =	vmov s5  }
0x273: {  	v4 =	vshll.u32 v4, $0x3;
	v5 =	vshll.u32 v3, $0x9  }
0x274: {  	v4 =	vand.u32 $0xC00, v4;
	v6 =	vshll.u32 v3, $0x7;
	v5 =	vand.u32 $0xFFFFF000, v5  }
0x275: {  	v7 =	vor.u32 s5, v1;
	s5 =	smov.u32 s6;
	v4 =	vor.u32 v4, v5;
	v5 =	vand.u32 $0x380, v6  }
0x276: {  	v3 =	vand.u32 $0xFFFFFFC0, v3;
	v6 =	vand.u32 $0x7F, v7;
	v4 =	vor.u32 v5, v4  }
0x277: {  	vm0 =	veq.s32 v3, $0xC0;
	v3 =	vor.u32 v6, v4  }
0x278: {  	v3 =	vadd.s32 $0xFFFE8000, v3;
	_ =	sdelay $0x1  }
.Ltmp12:
0x279: {  	(pc) =	sbr.rel @p0 .LBB2_26-.Ltmp12, $3  }
0x27a: {  	_ =	sdelay $0x1  }
0x27b: {  	s7 =	sadd.s32 $0x10, s7;
	[tilespmem:v3+s22+$0x0] =	vst.idx.msk vm0, v0  }
0x27c: {  	s6 =	sadd.s32 $0x10, s6;
	v3 =	vld [tilespmem:s7+$0x0]  }
0x27d: {  	_ =	sdelay $0x2  }
0x27e: {  	v4 =	vmov s5  }
0x27f: {  	v4 =	vshll.u32 v4, $0x3;
	v5 =	vshll.u32 v3, $0x9  }
0x280: {  	v4 =	vand.u32 $0xC00, v4;
	v6 =	vshll.u32 v3, $0x7;
	v5 =	vand.u32 $0xFFFFF000, v5  }
0x281: {  	v7 =	vor.u32 s5, v1;
	v4 =	vor.u32 v4, v5;
	v5 =	vand.u32 $0x380, v6  }
0x282: {  	v63 =	vand.u32 $0x7F, v7;
	v3 =	vand.u32 $0xFFFFFFC0, v3;
	v4 =	vor.u32 v5, v4  }
0x283: {  	vm0 =	veq.s32 v3, $0xC0;
	v3 =	vor.u32 v63, v4  }
0x284: {  	v3 =	vadd.s32 $0xFFFE8000, v3;
	_ =	sdelay $0x4  }
0x285: {  	[tilespmem:v3+s22+$0x0] =	vst.idx.msk vm0, v0  }
0x286: {  	s5 =	simm.s32 $0x10;
	s6 =	simm.s32 $0x0;
	v3 =	vld [tilespmem:s4+$0x0]  }
.LBB2_28:
0x287: {  	p0 =	sne.s32 s5, $0x1F0;
	_ =	sdelay $0x2  }
0x288: {  	v4 =	vmov s4  }
0x289: {  	v4 =	vshll.u32 v4, $0x3;
	v5 =	vshll.u32 v3, $0x9  }
0x28a: {  	v4 =	vand.u32 $0xC00, v4;
	v6 =	vshll.u32 v3, $0x7;
	v5 =	vand.u32 $0xFFFFF000, v5  }
0x28b: {  	v7 =	vor.u32 s4, v1;
	s4 =	smov.u32 s5;
	v4 =	vor.u32 v4, v5;
	v5 =	vand.u32 $0x380, v6  }
0x28c: {  	v3 =	vand.u32 $0xFFFFFFC0, v3;
	v6 =	vand.u32 $0x7F, v7;
	v4 =	vor.u32 v5, v4  }
0x28d: {  	vm0 =	veq.s32 v3, $0x180;
	v3 =	vor.u32 v6, v4  }
0x28e: {  	v3 =	vadd.s32 $0xFFFD0000, v3;
	_ =	sdelay $0x1  }
.Ltmp13:
0x28f: {  	(pc) =	sbr.rel @p0 .LBB2_28-.Ltmp13, $3  }
0x290: {  	_ =	sdelay $0x1  }
0x291: {  	s6 =	sadd.s32 $0x10, s6;
	[tilespmem:v3+s22+$0x0] =	vst.idx.msk vm0, v2  }
0x292: {  	s5 =	sadd.s32 $0x10, s5;
	v3 =	vld [tilespmem:s6+$0x0]  }
0x293: {  	_ =	sdelay $0x2  }
0x294: {  	v4 =	vmov s4  }
0x295: {  	v4 =	vshll.u32 v4, $0x3;
	v5 =	vshll.u32 v3, $0x9  }
0x296: {  	v4 =	vand.u32 $0xC00, v4;
	v6 =	vshll.u32 v3, $0x7;
	v5 =	vand.u32 $0xFFFFF000, v5  }
0x297: {  	v7 =	vor.u32 s4, v1;
	v4 =	vor.u32 v4, v5;
	v5 =	vand.u32 $0x380, v6  }
0x298: {  	v63 =	vand.u32 $0x7F, v7;
	v3 =	vand.u32 $0xFFFFFFC0, v3;
	v4 =	vor.u32 v5, v4  }
0x299: {  	vm0 =	veq.s32 v3, $0x180;
	v3 =	vor.u32 v63, v4  }
0x29a: {  	v3 =	vadd.s32 $0xFFFD0000, v3;
	_ =	sdelay $0x4  }
0x29b: {  	[tilespmem:v3+s22+$0x0] =	vst.idx.msk vm0, v2  }
0x29c: {  	[hbm4b:s10+s23] =	stream.strided.scatter [tilespmem:s22], [sflag:$0x1], $0x8000, s24, s23, $0x38;
	[tilespmem:$0x1D200] =	vst v63  }
0x29d: {  	_ =	swait.ge [sflag:s29], $0x8000  }
0x29e: {  	[sflag:s29] =	ssyncset.done $0x0  }
0x29f: {  	s4 =	simm.s32 $0x0;
	[sflag:s29] =	ssyncadd.s32 $0xFFFF8000  }
0x2a0: {  	s6 =	simm.s32 $0x10;
	s5 =	simm.s32 $0x0;
	s7 =	simm.s32 $0x0;
	v3 =	vld [tilespmem:s4+$0x0]  }
.LBB2_30:
0x2a1: {  	p0 =	sne.s32 s6, $0x1F0;
	_ =	sdelay $0x2  }
0x2a2: {  	v4 =	vmov s5  }
0x2a3: {  	v4 =	vshll.u32 v4, $0x3;
	v5 =	vshll.u32 v3, $0x9  }
0x2a4: {  	v4 =	vand.u32 $0xC00, v4;
	v6 =	vshll.u32 v3, $0x7;
	v5 =	vand.u32 $0xFFFFF000, v5  }
0x2a5: {  	v7 =	vor.u32 s5, v1;
	s5 =	smov.u32 s6;
	v4 =	vor.u32 v4, v5;
	v5 =	vand.u32 $0x380, v6  }
0x2a6: {  	v3 =	vand.u32 $0xFFFFFFC0, v3;
	v6 =	vand.u32 $0x7F, v7;
	v4 =	vor.u32 v5, v4  }
0x2a7: {  	vm0 =	veq.s32 v3, $0x100;
	v3 =	vor.u32 v6, v4  }
0x2a8: {  	v3 =	vadd.s32 $0xFFFE0000, v3;
	_ =	sdelay $0x1  }
.Ltmp14:
0x2a9: {  	(pc) =	sbr.rel @p0 .LBB2_30-.Ltmp14, $3  }
0x2aa: {  	_ =	sdelay $0x1  }
0x2ab: {  	s7 =	sadd.s32 $0x10, s7;
	[tilespmem:v3+s25+$0x0] =	vst.idx.msk vm0, v0  }
0x2ac: {  	s6 =	sadd.s32 $0x10, s6;
	v3 =	vld [tilespmem:s7+$0x0]  }
0x2ad: {  	_ =	sdelay $0x2  }
0x2ae: {  	v4 =	vmov s5  }
0x2af: {  	v4 =	vshll.u32 v4, $0x3;
	v5 =	vshll.u32 v3, $0x9  }
0x2b0: {  	v4 =	vand.u32 $0xC00, v4;
	v6 =	vshll.u32 v3, $0x7;
	v5 =	vand.u32 $0xFFFFF000, v5  }
0x2b1: {  	v7 =	vor.u32 s5, v1;
	v4 =	vor.u32 v4, v5;
	v5 =	vand.u32 $0x380, v6  }
0x2b2: {  	v63 =	vand.u32 $0x7F, v7;
	v3 =	vand.u32 $0xFFFFFFC0, v3;
	v4 =	vor.u32 v5, v4  }
0x2b3: {  	vm0 =	veq.s32 v3, $0x100;
	v3 =	vor.u32 v63, v4  }
0x2b4: {  	v3 =	vadd.s32 $0xFFFE0000, v3;
	_ =	sdelay $0x4  }
0x2b5: {  	[tilespmem:v3+s25+$0x0] =	vst.idx.msk vm0, v0  }
0x2b6: {  	s5 =	simm.s32 $0x10;
	s6 =	simm.s32 $0x0;
	v3 =	vld [tilespmem:s4+$0x0]  }
.LBB2_32:
0x2b7: {  	p0 =	sne.s32 s5, $0x1F0;
	_ =	sdelay $0x2  }
0x2b8: {  	v4 =	vmov s4  }
0x2b9: {  	v4 =	vshll.u32 v4, $0x3;
	v5 =	vshll.u32 v3, $0x9  }
0x2ba: {  	v4 =	vand.u32 $0xC00, v4;
	v6 =	vshll.u32 v3, $0x7;
	v5 =	vand.u32 $0xFFFFF000, v5  }
0x2bb: {  	v7 =	vor.u32 s4, v1;
	s4 =	smov.u32 s5;
	v4 =	vor.u32 v4, v5;
	v5 =	vand.u32 $0x380, v6  }
0x2bc: {  	v3 =	vand.u32 $0xFFFFFFC0, v3;
	v6 =	vand.u32 $0x7F, v7;
	v4 =	vor.u32 v5, v4  }
0x2bd: {  	vm0 =	veq.s32 v3, $0x1C0;
	v3 =	vor.u32 v6, v4  }
0x2be: {  	v3 =	vadd.s32 $0xFFFC8000, v3;
	_ =	sdelay $0x1  }
.Ltmp15:
0x2bf: {  	(pc) =	sbr.rel @p0 .LBB2_32-.Ltmp15, $3  }
0x2c0: {  	_ =	sdelay $0x1  }
0x2c1: {  	s6 =	sadd.s32 $0x10, s6;
	[tilespmem:v3+s25+$0x0] =	vst.idx.msk vm0, v2  }
0x2c2: {  	s5 =	sadd.s32 $0x10, s5;
	v3 =	vld [tilespmem:s6+$0x0]  }
0x2c3: {  	_ =	sdelay $0x2  }
0x2c4: {  	v4 =	vmov s4  }
0x2c5: {  	v4 =	vshll.u32 v4, $0x3;
	v5 =	vshll.u32 v3, $0x9  }
0x2c6: {  	v4 =	vand.u32 $0xC00, v4;
	v6 =	vshll.u32 v3, $0x7;
	v5 =	vand.u32 $0xFFFFF000, v5  }
0x2c7: {  	v7 =	vor.u32 s4, v1;
	v4 =	vor.u32 v4, v5;
	v5 =	vand.u32 $0x380, v6  }
0x2c8: {  	v63 =	vand.u32 $0x7F, v7;
	v3 =	vand.u32 $0xFFFFFFC0, v3;
	v4 =	vor.u32 v5, v4  }
0x2c9: {  	vm0 =	veq.s32 v3, $0x1C0;
	v3 =	vor.u32 v63, v4  }
0x2ca: {  	v3 =	vadd.s32 $0xFFFC8000, v3;
	_ =	sdelay $0x4  }
0x2cb: {  	[tilespmem:v3+s25+$0x0] =	vst.idx.msk vm0, v2  }
0x2cc: {  	[hbm4b:s11+s23] =	stream.strided.scatter [tilespmem:s25], [sflag:$0x2], $0x8000, s24, s23, $0x38;
	[tilespmem:$0x1D200] =	vst v63  }
0x2cd: {  	_ =	swait.ge [sflag:s30], $0x8000  }
0x2ce: {  	[sflag:s30] =	ssyncset.done $0x0  }
0x2cf: {  	s4 =	simm.s32 $0x0;
	[sflag:s30] =	ssyncadd.s32 $0xFFFF8000  }
0x2d0: {  	s6 =	simm.s32 $0x10;
	s5 =	simm.s32 $0x0;
	s7 =	simm.s32 $0x0;
	v3 =	vld [tilespmem:s4+$0x0]  }
.LBB2_34:
0x2d1: {  	p0 =	sne.s32 s6, $0x1F0;
	_ =	sdelay $0x2  }
0x2d2: {  	v4 =	vmov s5  }
0x2d3: {  	v4 =	vshll.u32 v4, $0x3;
	v5 =	vshll.u32 v3, $0x9  }
0x2d4: {  	v4 =	vand.u32 $0xC00, v4;
	v6 =	vshll.u32 v3, $0x7;
	v5 =	vand.u32 $0xFFFFF000, v5  }
0x2d5: {  	v7 =	vor.u32 s5, v1;
	s5 =	smov.u32 s6;
	v4 =	vor.u32 v4, v5;
	v5 =	vand.u32 $0x380, v6  }
0x2d6: {  	v3 =	vand.u32 $0xFFFFFFC0, v3;
	v6 =	vand.u32 $0x7F, v7;
	v4 =	vor.u32 v5, v4  }
0x2d7: {  	vm0 =	veq.s32 v3, $0x140;
	v3 =	vor.u32 v6, v4  }
0x2d8: {  	v3 =	vadd.s32 $0xFFFD8000, v3;
	_ =	sdelay $0x1  }
.Ltmp16:
0x2d9: {  	(pc) =	sbr.rel @p0 .LBB2_34-.Ltmp16, $3  }
0x2da: {  	_ =	sdelay $0x1  }
0x2db: {  	s7 =	sadd.s32 $0x10, s7;
	[tilespmem:v3+s26+$0x0] =	vst.idx.msk vm0, v0  }
0x2dc: {  	s6 =	sadd.s32 $0x10, s6;
	v3 =	vld [tilespmem:s7+$0x0]  }
0x2dd: {  	_ =	sdelay $0x2  }
0x2de: {  	v4 =	vmov s5  }
0x2df: {  	v4 =	vshll.u32 v4, $0x3;
	v5 =	vshll.u32 v3, $0x9  }
0x2e0: {  	v4 =	vand.u32 $0xC00, v4;
	v6 =	vshll.u32 v3, $0x7;
	v5 =	vand.u32 $0xFFFFF000, v5  }
0x2e1: {  	v7 =	vor.u32 s5, v1;
	v4 =	vor.u32 v4, v5;
	v5 =	vand.u32 $0x380, v6  }
0x2e2: {  	v63 =	vand.u32 $0x7F, v7;
	v3 =	vand.u32 $0xFFFFFFC0, v3;
	v4 =	vor.u32 v5, v4  }
0x2e3: {  	vm0 =	veq.s32 v3, $0x140;
	v3 =	vor.u32 v63, v4  }
0x2e4: {  	v3 =	vadd.s32 $0xFFFD8000, v3;
	_ =	sdelay $0x4  }
0x2e5: {  	[tilespmem:v3+s26+$0x0] =	vst.idx.msk vm0, v0  }
0x2e6: {  	s5 =	simm.s32 $0x10;
	s6 =	simm.s32 $0x0;
	v3 =	vld [tilespmem:s4+$0x0]  }
.LBB2_36:
0x2e7: {  	p0 =	sne.s32 s5, $0x1F0;
	_ =	sdelay $0x2  }
0x2e8: {  	v4 =	vmov s4  }
0x2e9: {  	v4 =	vshll.u32 v4, $0x3;
	v5 =	vshll.u32 v3, $0x9  }
0x2ea: {  	v4 =	vand.u32 $0xC00, v4;
	v6 =	vshll.u32 v3, $0x7;
	v5 =	vand.u32 $0xFFFFF000, v5  }
0x2eb: {  	v7 =	vor.u32 s4, v1;
	s4 =	smov.u32 s5;
	v4 =	vor.u32 v4, v5;
	v5 =	vand.u32 $0x380, v6  }
0x2ec: {  	v3 =	vand.u32 $0xFFFFFFC0, v3;
	v6 =	vand.u32 $0x7F, v7;
	v4 =	vor.u32 v5, v4  }
0x2ed: {  	vm0 =	veq.s32 v3, $0x200;
	v3 =	vor.u32 v6, v4  }
0x2ee: {  	v3 =	vadd.s32 $0xFFFC0000, v3;
	_ =	sdelay $0x1  }
.Ltmp17:
0x2ef: {  	(pc) =	sbr.rel @p0 .LBB2_36-.Ltmp17, $3  }
0x2f0: {  	_ =	sdelay $0x1  }
0x2f1: {  	s6 =	sadd.s32 $0x10, s6;
	[tilespmem:v3+s26+$0x0] =	vst.idx.msk vm0, v2  }
0x2f2: {  	s5 =	sadd.s32 $0x10, s5;
	v3 =	vld [tilespmem:s6+$0x0]  }
0x2f3: {  	_ =	sdelay $0x2  }
0x2f4: {  	v4 =	vmov s4  }
0x2f5: {  	v4 =	vshll.u32 v4, $0x3;
	v5 =	vshll.u32 v3, $0x9  }
0x2f6: {  	v4 =	vand.u32 $0xC00, v4;
	v6 =	vshll.u32 v3, $0x7;
	v5 =	vand.u32 $0xFFFFF000, v5  }
0x2f7: {  	v7 =	vor.u32 s4, v1;
	v4 =	vor.u32 v4, v5;
	v5 =	vand.u32 $0x380, v6  }
0x2f8: {  	v63 =	vand.u32 $0x7F, v7;
	v3 =	vand.u32 $0xFFFFFFC0, v3;
	v4 =	vor.u32 v5, v4  }
0x2f9: {  	vm0 =	veq.s32 v3, $0x200;
	v3 =	vor.u32 v63, v4  }
0x2fa: {  	v3 =	vadd.s32 $0xFFFC0000, v3;
	_ =	sdelay $0x4  }
0x2fb: {  	[tilespmem:v3+s26+$0x0] =	vst.idx.msk vm0, v2  }
0x2fc: {  	[hbm4b:s12+s23] =	stream.strided.scatter [tilespmem:s26], [sflag:$0x3], $0x8000, s24, s23, $0x38;
	[tilespmem:$0x1D200] =	vst v63  }
0x2fd: {  	_ =	swait.ge [sflag:s28], $0x8000  }
0x2fe: {  	[sflag:s28] =	ssyncset.done $0x0  }
0x2ff: {  	s4 =	simm.s32 $0x0;
	[sflag:s28] =	ssyncadd.s32 $0xFFFF8000  }
0x300: {  	s6 =	simm.s32 $0x10;
	s5 =	simm.s32 $0x0;
	s7 =	simm.s32 $0x0;
	v3 =	vld [tilespmem:s4+$0x0]  }
.LBB2_38:
0x301: {  	p0 =	sne.s32 s6, $0x1F0;
	_ =	sdelay $0x2  }
0x302: {  	v4 =	vmov s5  }
0x303: {  	v4 =	vshll.u32 v4, $0x3;
	v5 =	vshll.u32 v3, $0x9  }
0x304: {  	v4 =	vand.u32 $0xC00, v4;
	v6 =	vshll.u32 v3, $0x7;
	v5 =	vand.u32 $0xFFFFF000, v5  }
0x305: {  	v7 =	vor.u32 s5, v1;
	s5 =	smov.u32 s6;
	v4 =	vor.u32 v4, v5;
	v5 =	vand.u32 $0x380, v6  }
0x306: {  	v3 =	vand.u32 $0xFFFFFFC0, v3;
	v6 =	vand.u32 $0x7F, v7;
	v4 =	vor.u32 v5, v4  }
0x307: {  	vm0 =	veq.s32 v3, $0x180;
	v3 =	vor.u32 v6, v4  }
0x308: {  	v3 =	vadd.s32 $0xFFFD0000, v3;
	_ =	sdelay $0x1  }
.Ltmp18:
0x309: {  	(pc) =	sbr.rel @p0 .LBB2_38-.Ltmp18, $3  }
0x30a: {  	_ =	sdelay $0x1  }
0x30b: {  	s7 =	sadd.s32 $0x10, s7;
	[tilespmem:v3+s22+$0x0] =	vst.idx.msk vm0, v0  }
0x30c: {  	s6 =	sadd.s32 $0x10, s6;
	v3 =	vld [tilespmem:s7+$0x0]  }
0x30d: {  	_ =	sdelay $0x2  }
0x30e: {  	v4 =	vmov s5  }
0x30f: {  	v4 =	vshll.u32 v4, $0x3;
	v5 =	vshll.u32 v3, $0x9  }
0x310: {  	v4 =	vand.u32 $0xC00, v4;
	v6 =	vshll.u32 v3, $0x7;
	v5 =	vand.u32 $0xFFFFF000, v5  }
0x311: {  	v7 =	vor.u32 s5, v1;
	v4 =	vor.u32 v4, v5;
	v5 =	vand.u32 $0x380, v6  }
0x312: {  	v63 =	vand.u32 $0x7F, v7;
	v3 =	vand.u32 $0xFFFFFFC0, v3;
	v4 =	vor.u32 v5, v4  }
0x313: {  	vm0 =	veq.s32 v3, $0x180;
	v3 =	vor.u32 v63, v4  }
0x314: {  	v3 =	vadd.s32 $0xFFFD0000, v3;
	_ =	sdelay $0x4  }
0x315: {  	[tilespmem:v3+s22+$0x0] =	vst.idx.msk vm0, v0  }
0x316: {  	s5 =	simm.s32 $0x10;
	s6 =	simm.s32 $0x0;
	v3 =	vld [tilespmem:s4+$0x0]  }
.LBB2_40:
0x317: {  	p0 =	sne.s32 s5, $0x1F0;
	_ =	sdelay $0x2  }
0x318: {  	v4 =	vmov s4  }
0x319: {  	v4 =	vshll.u32 v4, $0x3;
	v5 =	vshll.u32 v3, $0x9  }
0x31a: {  	v4 =	vand.u32 $0xC00, v4;
	v6 =	vshll.u32 v3, $0x7;
	v5 =	vand.u32 $0xFFFFF000, v5  }
0x31b: {  	v7 =	vor.u32 s4, v1;
	s4 =	smov.u32 s5;
	v4 =	vor.u32 v4, v5;
	v5 =	vand.u32 $0x380, v6  }
0x31c: {  	v3 =	vand.u32 $0xFFFFFFC0, v3;
	v6 =	vand.u32 $0x7F, v7;
	v4 =	vor.u32 v5, v4  }
0x31d: {  	vm0 =	veq.s32 v3, $0x240;
	v3 =	vor.u32 v6, v4  }
0x31e: {  	v3 =	vadd.s32 $0xFFFB8000, v3;
	_ =	sdelay $0x1  }
.Ltmp19:
0x31f: {  	(pc) =	sbr.rel @p0 .LBB2_40-.Ltmp19, $3  }
0x320: {  	_ =	sdelay $0x1  }
0x321: {  	s6 =	sadd.s32 $0x10, s6;
	[tilespmem:v3+s22+$0x0] =	vst.idx.msk vm0, v2  }
0x322: {  	s5 =	sadd.s32 $0x10, s5;
	v3 =	vld [tilespmem:s6+$0x0]  }
0x323: {  	_ =	sdelay $0x2  }
0x324: {  	v4 =	vmov s4  }
0x325: {  	v4 =	vshll.u32 v4, $0x3;
	v5 =	vshll.u32 v3, $0x9  }
0x326: {  	v4 =	vand.u32 $0xC00, v4;
	v6 =	vshll.u32 v3, $0x7;
	v5 =	vand.u32 $0xFFFFF000, v5  }
0x327: {  	v7 =	vor.u32 s4, v1;
	v4 =	vor.u32 v4, v5;
	v5 =	vand.u32 $0x380, v6  }
0x328: {  	v63 =	vand.u32 $0x7F, v7;
	v3 =	vand.u32 $0xFFFFFFC0, v3;
	v4 =	vor.u32 v5, v4  }
0x329: {  	vm0 =	veq.s32 v3, $0x240;
	v3 =	vor.u32 v63, v4  }
0x32a: {  	v3 =	vadd.s32 $0xFFFB8000, v3;
	_ =	sdelay $0x4  }
0x32b: {  	[tilespmem:v3+s22+$0x0] =	vst.idx.msk vm0, v2  }
0x32c: {  	[hbm4b:s13+s23] =	stream.strided.scatter [tilespmem:s22], [sflag:$0x1], $0x8000, s24, s23, $0x38;
	[tilespmem:$0x1D200] =	vst v63  }
0x32d: {  	_ =	swait.ge [sflag:s29], $0x8000  }
0x32e: {  	[sflag:s29] =	ssyncset.done $0x0  }
0x32f: {  	s4 =	simm.s32 $0x0;
	[sflag:s29] =	ssyncadd.s32 $0xFFFF8000  }
0x330: {  	s6 =	simm.s32 $0x10;
	s5 =	simm.s32 $0x0;
	s7 =	simm.s32 $0x0;
	v3 =	vld [tilespmem:s4+$0x0]  }
.LBB2_42:
0x331: {  	p0 =	sne.s32 s6, $0x1F0;
	_ =	sdelay $0x2  }
0x332: {  	v4 =	vmov s5  }
0x333: {  	v4 =	vshll.u32 v4, $0x3;
	v5 =	vshll.u32 v3, $0x9  }
0x334: {  	v4 =	vand.u32 $0xC00, v4;
	v6 =	vshll.u32 v3, $0x7;
	v5 =	vand.u32 $0xFFFFF000, v5  }
0x335: {  	v7 =	vor.u32 s5, v1;
	s5 =	smov.u32 s6;
	v4 =	vor.u32 v4, v5;
	v5 =	vand.u32 $0x380, v6  }
0x336: {  	v3 =	vand.u32 $0xFFFFFFC0, v3;
	v6 =	vand.u32 $0x7F, v7;
	v4 =	vor.u32 v5, v4  }
0x337: {  	vm0 =	veq.s32 v3, $0x1C0;
	v3 =	vor.u32 v6, v4  }
0x338: {  	v3 =	vadd.s32 $0xFFFC8000, v3;
	_ =	sdelay $0x1  }
.Ltmp20:
0x339: {  	(pc) =	sbr.rel @p0 .LBB2_42-.Ltmp20, $3  }
0x33a: {  	_ =	sdelay $0x1  }
0x33b: {  	s7 =	sadd.s32 $0x10, s7;
	[tilespmem:v3+s25+$0x0] =	vst.idx.msk vm0, v0  }
0x33c: {  	s6 =	sadd.s32 $0x10, s6;
	v3 =	vld [tilespmem:s7+$0x0]  }
0x33d: {  	_ =	sdelay $0x2  }
0x33e: {  	v4 =	vmov s5  }
0x33f: {  	v4 =	vshll.u32 v4, $0x3;
	v5 =	vshll.u32 v3, $0x9  }
0x340: {  	v4 =	vand.u32 $0xC00, v4;
	v6 =	vshll.u32 v3, $0x7;
	v5 =	vand.u32 $0xFFFFF000, v5  }
0x341: {  	v7 =	vor.u32 s5, v1;
	v4 =	vor.u32 v4, v5;
	v5 =	vand.u32 $0x380, v6  }
0x342: {  	v63 =	vand.u32 $0x7F, v7;
	v3 =	vand.u32 $0xFFFFFFC0, v3;
	v4 =	vor.u32 v5, v4  }
0x343: {  	vm0 =	veq.s32 v3, $0x1C0;
	v3 =	vor.u32 v63, v4  }
0x344: {  	v3 =	vadd.s32 $0xFFFC8000, v3;
	_ =	sdelay $0x4  }
0x345: {  	[tilespmem:v3+s25+$0x0] =	vst.idx.msk vm0, v0  }
0x346: {  	s5 =	simm.s32 $0x10;
	s6 =	simm.s32 $0x0;
	v3 =	vld [tilespmem:s4+$0x0]  }
.LBB2_44:
0x347: {  	p0 =	sne.s32 s5, $0x1F0;
	_ =	sdelay $0x2  }
0x348: {  	v4 =	vmov s4  }
0x349: {  	v4 =	vshll.u32 v4, $0x3;
	v5 =	vshll.u32 v3, $0x9  }
0x34a: {  	v4 =	vand.u32 $0xC00, v4;
	v6 =	vshll.u32 v3, $0x7;
	v5 =	vand.u32 $0xFFFFF000, v5  }
0x34b: {  	v7 =	vor.u32 s4, v1;
	s4 =	smov.u32 s5;
	v4 =	vor.u32 v4, v5;
	v5 =	vand.u32 $0x380, v6  }
0x34c: {  	v3 =	vand.u32 $0xFFFFFFC0, v3;
	v6 =	vand.u32 $0x7F, v7;
	v4 =	vor.u32 v5, v4  }
0x34d: {  	vm0 =	veq.s32 v3, $0x280;
	v3 =	vor.u32 v6, v4  }
0x34e: {  	v3 =	vadd.s32 $0xFFFB0000, v3;
	_ =	sdelay $0x1  }
.Ltmp21:
0x34f: {  	(pc) =	sbr.rel @p0 .LBB2_44-.Ltmp21, $3  }
0x350: {  	_ =	sdelay $0x1  }
0x351: {  	s6 =	sadd.s32 $0x10, s6;
	[tilespmem:v3+s25+$0x0] =	vst.idx.msk vm0, v2  }
0x352: {  	s5 =	sadd.s32 $0x10, s5;
	v3 =	vld [tilespmem:s6+$0x0]  }
0x353: {  	_ =	sdelay $0x2  }
0x354: {  	v4 =	vmov s4  }
0x355: {  	v4 =	vshll.u32 v4, $0x3;
	v5 =	vshll.u32 v3, $0x9  }
0x356: {  	v4 =	vand.u32 $0xC00, v4;
	v6 =	vshll.u32 v3, $0x7;
	v5 =	vand.u32 $0xFFFFF000, v5  }
0x357: {  	v7 =	vor.u32 s4, v1;
	v4 =	vor.u32 v4, v5;
	v5 =	vand.u32 $0x380, v6  }
0x358: {  	v63 =	vand.u32 $0x7F, v7;
	v3 =	vand.u32 $0xFFFFFFC0, v3;
	v4 =	vor.u32 v5, v4  }
0x359: {  	vm0 =	veq.s32 v3, $0x280;
	v3 =	vor.u32 v63, v4  }
0x35a: {  	v3 =	vadd.s32 $0xFFFB0000, v3;
	_ =	sdelay $0x4  }
0x35b: {  	[tilespmem:v3+s25+$0x0] =	vst.idx.msk vm0, v2  }
0x35c: {  	[hbm4b:s14+s23] =	stream.strided.scatter [tilespmem:s25], [sflag:$0x2], $0x8000, s24, s23, $0x38;
	[tilespmem:$0x1D200] =	vst v63  }
0x35d: {  	_ =	swait.ge [sflag:s30], $0x8000  }
0x35e: {  	[sflag:s30] =	ssyncset.done $0x0  }
0x35f: {  	s4 =	simm.s32 $0x0;
	[sflag:s30] =	ssyncadd.s32 $0xFFFF8000  }
0x360: {  	s6 =	simm.s32 $0x10;
	s5 =	simm.s32 $0x0;
	s7 =	simm.s32 $0x0;
	v3 =	vld [tilespmem:s4+$0x0]  }
.LBB2_46:
0x361: {  	p0 =	sne.s32 s6, $0x1F0;
	_ =	sdelay $0x2  }
0x362: {  	v4 =	vmov s5  }
0x363: {  	v4 =	vshll.u32 v4, $0x3;
	v5 =	vshll.u32 v3, $0x9  }
0x364: {  	v4 =	vand.u32 $0xC00, v4;
	v6 =	vshll.u32 v3, $0x7;
	v5 =	vand.u32 $0xFFFFF000, v5  }
0x365: {  	v7 =	vor.u32 s5, v1;
	s5 =	smov.u32 s6;
	v4 =	vor.u32 v4, v5;
	v5 =	vand.u32 $0x380, v6  }
0x366: {  	v3 =	vand.u32 $0xFFFFFFC0, v3;
	v6 =	vand.u32 $0x7F, v7;
	v4 =	vor.u32 v5, v4  }
0x367: {  	vm0 =	veq.s32 v3, $0x200;
	v3 =	vor.u32 v6, v4  }
0x368: {  	v3 =	vadd.s32 $0xFFFC0000, v3;
	_ =	sdelay $0x1  }
.Ltmp22:
0x369: {  	(pc) =	sbr.rel @p0 .LBB2_46-.Ltmp22, $3  }
0x36a: {  	_ =	sdelay $0x1  }
0x36b: {  	s7 =	sadd.s32 $0x10, s7;
	[tilespmem:v3+s26+$0x0] =	vst.idx.msk vm0, v0  }
0x36c: {  	s6 =	sadd.s32 $0x10, s6;
	v3 =	vld [tilespmem:s7+$0x0]  }
0x36d: {  	_ =	sdelay $0x2  }
0x36e: {  	v4 =	vmov s5  }
0x36f: {  	v4 =	vshll.u32 v4, $0x3;
	v5 =	vshll.u32 v3, $0x9  }
0x370: {  	v4 =	vand.u32 $0xC00, v4;
	v6 =	vshll.u32 v3, $0x7;
	v5 =	vand.u32 $0xFFFFF000, v5  }
0x371: {  	v7 =	vor.u32 s5, v1;
	v4 =	vor.u32 v4, v5;
	v5 =	vand.u32 $0x380, v6  }
0x372: {  	v63 =	vand.u32 $0x7F, v7;
	v3 =	vand.u32 $0xFFFFFFC0, v3;
	v4 =	vor.u32 v5, v4  }
0x373: {  	vm0 =	veq.s32 v3, $0x200;
	v3 =	vor.u32 v63, v4  }
0x374: {  	v3 =	vadd.s32 $0xFFFC0000, v3;
	_ =	sdelay $0x4  }
0x375: {  	[tilespmem:v3+s26+$0x0] =	vst.idx.msk vm0, v0  }
0x376: {  	s5 =	simm.s32 $0x10;
	s6 =	simm.s32 $0x0;
	v3 =	vld [tilespmem:s4+$0x0]  }
.LBB2_48:
0x377: {  	p0 =	sne.s32 s5, $0x1F0;
	_ =	sdelay $0x2  }
0x378: {  	v4 =	vmov s4  }
0x379: {  	v4 =	vshll.u32 v4, $0x3;
	v5 =	vshll.u32 v3, $0x9  }
0x37a: {  	v4 =	vand.u32 $0xC00, v4;
	v6 =	vshll.u32 v3, $0x7;
	v5 =	vand.u32 $0xFFFFF000, v5  }
0x37b: {  	v7 =	vor.u32 s4, v1;
	s4 =	smov.u32 s5;
	v4 =	vor.u32 v4, v5;
	v5 =	vand.u32 $0x380, v6  }
0x37c: {  	v3 =	vand.u32 $0xFFFFFFC0, v3;
	v6 =	vand.u32 $0x7F, v7;
	v4 =	vor.u32 v5, v4  }
0x37d: {  	vm0 =	veq.s32 v3, $0x2C0;
	v3 =	vor.u32 v6, v4  }
0x37e: {  	v3 =	vadd.s32 $0xFFFA8000, v3;
	_ =	sdelay $0x1  }
.Ltmp23:
0x37f: {  	(pc) =	sbr.rel @p0 .LBB2_48-.Ltmp23, $3  }
0x380: {  	_ =	sdelay $0x1  }
0x381: {  	s6 =	sadd.s32 $0x10, s6;
	[tilespmem:v3+s26+$0x0] =	vst.idx.msk vm0, v2  }
0x382: {  	s5 =	sadd.s32 $0x10, s5;
	v3 =	vld [tilespmem:s6+$0x0]  }
0x383: {  	_ =	sdelay $0x2  }
0x384: {  	v4 =	vmov s4  }
0x385: {  	v4 =	vshll.u32 v4, $0x3;
	v5 =	vshll.u32 v3, $0x9  }
0x386: {  	v4 =	vand.u32 $0xC00, v4;
	v6 =	vshll.u32 v3, $0x7;
	v5 =	vand.u32 $0xFFFFF000, v5  }
0x387: {  	v7 =	vor.u32 s4, v1;
	v4 =	vor.u32 v4, v5;
	v5 =	vand.u32 $0x380, v6  }
0x388: {  	v63 =	vand.u32 $0x7F, v7;
	v3 =	vand.u32 $0xFFFFFFC0, v3;
	v4 =	vor.u32 v5, v4  }
0x389: {  	vm0 =	veq.s32 v3, $0x2C0;
	v3 =	vor.u32 v63, v4  }
0x38a: {  	v3 =	vadd.s32 $0xFFFA8000, v3;
	_ =	sdelay $0x4  }
0x38b: {  	[tilespmem:v3+s26+$0x0] =	vst.idx.msk vm0, v2  }
0x38c: {  	[hbm4b:s15+s23] =	stream.strided.scatter [tilespmem:s26], [sflag:$0x3], $0x8000, s24, s23, $0x38;
	[tilespmem:$0x1D200] =	vst v63  }
0x38d: {  	_ =	swait.ge [sflag:s28], $0x8000  }
0x38e: {  	[sflag:s28] =	ssyncset.done $0x0  }
0x38f: {  	s4 =	simm.s32 $0x0;
	[sflag:s28] =	ssyncadd.s32 $0xFFFF8000  }
0x390: {  	s6 =	simm.s32 $0x10;
	s5 =	simm.s32 $0x0;
	s7 =	simm.s32 $0x0;
	v3 =	vld [tilespmem:s4+$0x0]  }
.LBB2_50:
0x391: {  	p0 =	sne.s32 s6, $0x1F0;
	_ =	sdelay $0x2  }
0x392: {  	v4 =	vmov s5  }
0x393: {  	v4 =	vshll.u32 v4, $0x3;
	v5 =	vshll.u32 v3, $0x9  }
0x394: {  	v4 =	vand.u32 $0xC00, v4;
	v6 =	vshll.u32 v3, $0x7;
	v5 =	vand.u32 $0xFFFFF000, v5  }
0x395: {  	v7 =	vor.u32 s5, v1;
	s5 =	smov.u32 s6;
	v4 =	vor.u32 v4, v5;
	v5 =	vand.u32 $0x380, v6  }
0x396: {  	v3 =	vand.u32 $0xFFFFFFC0, v3;
	v6 =	vand.u32 $0x7F, v7;
	v4 =	vor.u32 v5, v4  }
0x397: {  	vm0 =	veq.s32 v3, $0x240;
	v3 =	vor.u32 v6, v4  }
0x398: {  	v3 =	vadd.s32 $0xFFFB8000, v3;
	_ =	sdelay $0x1  }
.Ltmp24:
0x399: {  	(pc) =	sbr.rel @p0 .LBB2_50-.Ltmp24, $3  }
0x39a: {  	_ =	sdelay $0x1  }
0x39b: {  	s7 =	sadd.s32 $0x10, s7;
	[tilespmem:v3+s22+$0x0] =	vst.idx.msk vm0, v0  }
0x39c: {  	s6 =	sadd.s32 $0x10, s6;
	v3 =	vld [tilespmem:s7+$0x0]  }
0x39d: {  	_ =	sdelay $0x2  }
0x39e: {  	v4 =	vmov s5  }
0x39f: {  	v4 =	vshll.u32 v4, $0x3;
	v5 =	vshll.u32 v3, $0x9  }
0x3a0: {  	v4 =	vand.u32 $0xC00, v4;
	v6 =	vshll.u32 v3, $0x7;
	v5 =	vand.u32 $0xFFFFF000, v5  }
0x3a1: {  	v7 =	vor.u32 s5, v1;
	v4 =	vor.u32 v4, v5;
	v5 =	vand.u32 $0x380, v6  }
0x3a2: {  	v63 =	vand.u32 $0x7F, v7;
	v3 =	vand.u32 $0xFFFFFFC0, v3;
	v4 =	vor.u32 v5, v4  }
0x3a3: {  	vm0 =	veq.s32 v3, $0x240;
	v3 =	vor.u32 v63, v4  }
0x3a4: {  	v3 =	vadd.s32 $0xFFFB8000, v3;
	_ =	sdelay $0x4  }
0x3a5: {  	[tilespmem:v3+s22+$0x0] =	vst.idx.msk vm0, v0  }
0x3a6: {  	s5 =	simm.s32 $0x10;
	s6 =	simm.s32 $0x0;
	v3 =	vld [tilespmem:s4+$0x0]  }
.LBB2_52:
0x3a7: {  	p0 =	sne.s32 s5, $0x1F0;
	_ =	sdelay $0x2  }
0x3a8: {  	v4 =	vmov s4  }
0x3a9: {  	v4 =	vshll.u32 v4, $0x3;
	v5 =	vshll.u32 v3, $0x9  }
0x3aa: {  	v4 =	vand.u32 $0xC00, v4;
	v6 =	vshll.u32 v3, $0x7;
	v5 =	vand.u32 $0xFFFFF000, v5  }
0x3ab: {  	v7 =	vor.u32 s4, v1;
	s4 =	smov.u32 s5;
	v4 =	vor.u32 v4, v5;
	v5 =	vand.u32 $0x380, v6  }
0x3ac: {  	v3 =	vand.u32 $0xFFFFFFC0, v3;
	v6 =	vand.u32 $0x7F, v7;
	v4 =	vor.u32 v5, v4  }
0x3ad: {  	vm0 =	veq.s32 v3, $0x300;
	v3 =	vor.u32 v6, v4  }
0x3ae: {  	v3 =	vadd.s32 $0xFFFA0000, v3;
	_ =	sdelay $0x1  }
.Ltmp25:
0x3af: {  	(pc) =	sbr.rel @p0 .LBB2_52-.Ltmp25, $3  }
0x3b0: {  	_ =	sdelay $0x1  }
0x3b1: {  	s6 =	sadd.s32 $0x10, s6;
	[tilespmem:v3+s22+$0x0] =	vst.idx.msk vm0, v2  }
0x3b2: {  	s5 =	sadd.s32 $0x10, s5;
	v3 =	vld [tilespmem:s6+$0x0]  }
0x3b3: {  	_ =	sdelay $0x2  }
0x3b4: {  	v4 =	vmov s4  }
0x3b5: {  	v4 =	vshll.u32 v4, $0x3;
	v5 =	vshll.u32 v3, $0x9  }
0x3b6: {  	v4 =	vand.u32 $0xC00, v4;
	v6 =	vshll.u32 v3, $0x7;
	v5 =	vand.u32 $0xFFFFF000, v5  }
0x3b7: {  	v7 =	vor.u32 s4, v1;
	v4 =	vor.u32 v4, v5;
	v5 =	vand.u32 $0x380, v6  }
0x3b8: {  	v63 =	vand.u32 $0x7F, v7;
	v3 =	vand.u32 $0xFFFFFFC0, v3;
	v4 =	vor.u32 v5, v4  }
0x3b9: {  	vm0 =	veq.s32 v3, $0x300;
	v3 =	vor.u32 v63, v4  }
0x3ba: {  	v3 =	vadd.s32 $0xFFFA0000, v3;
	_ =	sdelay $0x4  }
0x3bb: {  	[tilespmem:v3+s22+$0x0] =	vst.idx.msk vm0, v2  }
0x3bc: {  	[hbm4b:s16+s23] =	stream.strided.scatter [tilespmem:s22], [sflag:$0x1], $0x8000, s24, s23, $0x38;
	[tilespmem:$0x1D200] =	vst v63  }
0x3bd: {  	_ =	swait.ge [sflag:s29], $0x8000  }
0x3be: {  	[sflag:s29] =	ssyncset.done $0x0  }
0x3bf: {  	s4 =	simm.s32 $0x0;
	[sflag:s29] =	ssyncadd.s32 $0xFFFF8000  }
0x3c0: {  	s6 =	simm.s32 $0x10;
	s5 =	simm.s32 $0x0;
	s7 =	simm.s32 $0x0;
	v3 =	vld [tilespmem:s4+$0x0]  }
.LBB2_54:
0x3c1: {  	p0 =	sne.s32 s6, $0x1F0;
	_ =	sdelay $0x2  }
0x3c2: {  	v4 =	vmov s5  }
0x3c3: {  	v4 =	vshll.u32 v4, $0x3;
	v5 =	vshll.u32 v3, $0x9  }
0x3c4: {  	v4 =	vand.u32 $0xC00, v4;
	v6 =	vshll.u32 v3, $0x7;
	v5 =	vand.u32 $0xFFFFF000, v5  }
0x3c5: {  	v7 =	vor.u32 s5, v1;
	s5 =	smov.u32 s6;
	v4 =	vor.u32 v4, v5;
	v5 =	vand.u32 $0x380, v6  }
0x3c6: {  	v3 =	vand.u32 $0xFFFFFFC0, v3;
	v6 =	vand.u32 $0x7F, v7;
	v4 =	vor.u32 v5, v4  }
0x3c7: {  	vm0 =	veq.s32 v3, $0x280;
	v3 =	vor.u32 v6, v4  }
0x3c8: {  	v3 =	vadd.s32 $0xFFFB0000, v3;
	_ =	sdelay $0x1  }
.Ltmp26:
0x3c9: {  	(pc) =	sbr.rel @p0 .LBB2_54-.Ltmp26, $3  }
0x3ca: {  	_ =	sdelay $0x1  }
0x3cb: {  	s7 =	sadd.s32 $0x10, s7;
	[tilespmem:v3+s25+$0x0] =	vst.idx.msk vm0, v0  }
0x3cc: {  	s6 =	sadd.s32 $0x10, s6;
	v3 =	vld [tilespmem:s7+$0x0]  }
0x3cd: {  	_ =	sdelay $0x2  }
0x3ce: {  	v4 =	vmov s5  }
0x3cf: {  	v4 =	vshll.u32 v4, $0x3;
	v5 =	vshll.u32 v3, $0x9  }
0x3d0: {  	v4 =	vand.u32 $0xC00, v4;
	v6 =	vshll.u32 v3, $0x7;
	v5 =	vand.u32 $0xFFFFF000, v5  }
0x3d1: {  	v7 =	vor.u32 s5, v1;
	v4 =	vor.u32 v4, v5;
	v5 =	vand.u32 $0x380, v6  }
0x3d2: {  	v63 =	vand.u32 $0x7F, v7;
	v3 =	vand.u32 $0xFFFFFFC0, v3;
	v4 =	vor.u32 v5, v4  }
0x3d3: {  	vm0 =	veq.s32 v3, $0x280;
	v3 =	vor.u32 v63, v4  }
0x3d4: {  	v3 =	vadd.s32 $0xFFFB0000, v3;
	_ =	sdelay $0x4  }
0x3d5: {  	[tilespmem:v3+s25+$0x0] =	vst.idx.msk vm0, v0  }
0x3d6: {  	s5 =	simm.s32 $0x10;
	s6 =	simm.s32 $0x0;
	v3 =	vld [tilespmem:s4+$0x0]  }
.LBB2_56:
0x3d7: {  	p0 =	sne.s32 s5, $0x1F0;
	_ =	sdelay $0x2  }
0x3d8: {  	v4 =	vmov s4  }
0x3d9: {  	v4 =	vshll.u32 v4, $0x3;
	v5 =	vshll.u32 v3, $0x9  }
0x3da: {  	v4 =	vand.u32 $0xC00, v4;
	v6 =	vshll.u32 v3, $0x7;
	v5 =	vand.u32 $0xFFFFF000, v5  }
0x3db: {  	v7 =	vor.u32 s4, v1;
	s4 =	smov.u32 s5;
	v4 =	vor.u32 v4, v5;
	v5 =	vand.u32 $0x380, v6  }
0x3dc: {  	v3 =	vand.u32 $0xFFFFFFC0, v3;
	v6 =	vand.u32 $0x7F, v7;
	v4 =	vor.u32 v5, v4  }
0x3dd: {  	vm0 =	veq.s32 v3, $0x340;
	v3 =	vor.u32 v6, v4  }
0x3de: {  	v3 =	vadd.s32 $0xFFF98000, v3;
	_ =	sdelay $0x1  }
.Ltmp27:
0x3df: {  	(pc) =	sbr.rel @p0 .LBB2_56-.Ltmp27, $3  }
0x3e0: {  	_ =	sdelay $0x1  }
0x3e1: {  	s6 =	sadd.s32 $0x10, s6;
	[tilespmem:v3+s25+$0x0] =	vst.idx.msk vm0, v2  }
0x3e2: {  	s5 =	sadd.s32 $0x10, s5;
	v3 =	vld [tilespmem:s6+$0x0]  }
0x3e3: {  	_ =	sdelay $0x2  }
0x3e4: {  	v4 =	vmov s4  }
0x3e5: {  	v4 =	vshll.u32 v4, $0x3;
	v5 =	vshll.u32 v3, $0x9  }
0x3e6: {  	v4 =	vand.u32 $0xC00, v4;
	v6 =	vshll.u32 v3, $0x7;
	v5 =	vand.u32 $0xFFFFF000, v5  }
0x3e7: {  	v7 =	vor.u32 s4, v1;
	v4 =	vor.u32 v4, v5;
	v5 =	vand.u32 $0x380, v6  }
0x3e8: {  	v63 =	vand.u32 $0x7F, v7;
	v3 =	vand.u32 $0xFFFFFFC0, v3;
	v4 =	vor.u32 v5, v4  }
0x3e9: {  	vm0 =	veq.s32 v3, $0x340;
	v3 =	vor.u32 v63, v4  }
0x3ea: {  	v3 =	vadd.s32 $0xFFF98000, v3;
	_ =	sdelay $0x4  }
0x3eb: {  	[tilespmem:v3+s25+$0x0] =	vst.idx.msk vm0, v2  }
0x3ec: {  	[hbm4b:s17+s23] =	stream.strided.scatter [tilespmem:s25], [sflag:$0x2], $0x8000, s24, s23, $0x38;
	[tilespmem:$0x1D200] =	vst v63  }
0x3ed: {  	_ =	swait.ge [sflag:s30], $0x8000  }
0x3ee: {  	[sflag:s30] =	ssyncset.done $0x0  }
0x3ef: {  	s4 =	simm.s32 $0x0;
	[sflag:s30] =	ssyncadd.s32 $0xFFFF8000  }
0x3f0: {  	s6 =	simm.s32 $0x10;
	s5 =	simm.s32 $0x0;
	s7 =	simm.s32 $0x0;
	v3 =	vld [tilespmem:s4+$0x0]  }
.LBB2_58:
0x3f1: {  	p0 =	sne.s32 s6, $0x1F0;
	_ =	sdelay $0x2  }
0x3f2: {  	v4 =	vmov s5  }
0x3f3: {  	v4 =	vshll.u32 v4, $0x3;
	v5 =	vshll.u32 v3, $0x9  }
0x3f4: {  	v4 =	vand.u32 $0xC00, v4;
	v6 =	vshll.u32 v3, $0x7;
	v5 =	vand.u32 $0xFFFFF000, v5  }
0x3f5: {  	v7 =	vor.u32 s5, v1;
	s5 =	smov.u32 s6;
	v4 =	vor.u32 v4, v5;
	v5 =	vand.u32 $0x380, v6  }
0x3f6: {  	v3 =	vand.u32 $0xFFFFFFC0, v3;
	v6 =	vand.u32 $0x7F, v7;
	v4 =	vor.u32 v5, v4  }
0x3f7: {  	vm0 =	veq.s32 v3, $0x2C0;
	v3 =	vor.u32 v6, v4  }
0x3f8: {  	v3 =	vadd.s32 $0xFFFA8000, v3;
	_ =	sdelay $0x1  }
.Ltmp28:
0x3f9: {  	(pc) =	sbr.rel @p0 .LBB2_58-.Ltmp28, $3  }
0x3fa: {  	_ =	sdelay $0x1  }
0x3fb: {  	s7 =	sadd.s32 $0x10, s7;
	[tilespmem:v3+s26+$0x0] =	vst.idx.msk vm0, v0  }
0x3fc: {  	s6 =	sadd.s32 $0x10, s6;
	v3 =	vld [tilespmem:s7+$0x0]  }
0x3fd: {  	_ =	sdelay $0x2  }
0x3fe: {  	v4 =	vmov s5  }
0x3ff: {  	v4 =	vshll.u32 v4, $0x3;
	v5 =	vshll.u32 v3, $0x9  }
0x400: {  	v4 =	vand.u32 $0xC00, v4;
	v6 =	vshll.u32 v3, $0x7;
	v5 =	vand.u32 $0xFFFFF000, v5  }
0x401: {  	v7 =	vor.u32 s5, v1;
	v4 =	vor.u32 v4, v5;
	v5 =	vand.u32 $0x380, v6  }
0x402: {  	v63 =	vand.u32 $0x7F, v7;
	v3 =	vand.u32 $0xFFFFFFC0, v3;
	v4 =	vor.u32 v5, v4  }
0x403: {  	vm0 =	veq.s32 v3, $0x2C0;
	v3 =	vor.u32 v63, v4  }
0x404: {  	v3 =	vadd.s32 $0xFFFA8000, v3;
	_ =	sdelay $0x4  }
0x405: {  	[tilespmem:v3+s26+$0x0] =	vst.idx.msk vm0, v0  }
0x406: {  	s5 =	simm.s32 $0x10;
	s6 =	simm.s32 $0x0;
	v3 =	vld [tilespmem:s4+$0x0]  }
.LBB2_60:
0x407: {  	p0 =	sne.s32 s5, $0x1F0;
	_ =	sdelay $0x2  }
0x408: {  	v4 =	vmov s4  }
0x409: {  	v4 =	vshll.u32 v4, $0x3;
	v5 =	vshll.u32 v3, $0x9  }
0x40a: {  	v4 =	vand.u32 $0xC00, v4;
	v6 =	vshll.u32 v3, $0x7;
	v5 =	vand.u32 $0xFFFFF000, v5  }
0x40b: {  	v7 =	vor.u32 s4, v1;
	s4 =	smov.u32 s5;
	v4 =	vor.u32 v4, v5;
	v5 =	vand.u32 $0x380, v6  }
0x40c: {  	v3 =	vand.u32 $0xFFFFFFC0, v3;
	v6 =	vand.u32 $0x7F, v7;
	v4 =	vor.u32 v5, v4  }
0x40d: {  	vm0 =	veq.s32 v3, $0x380;
	v3 =	vor.u32 v6, v4  }
0x40e: {  	v3 =	vadd.s32 $0xFFF90000, v3;
	_ =	sdelay $0x1  }
.Ltmp29:
0x40f: {  	(pc) =	sbr.rel @p0 .LBB2_60-.Ltmp29, $3  }
0x410: {  	_ =	sdelay $0x1  }
0x411: {  	s6 =	sadd.s32 $0x10, s6;
	[tilespmem:v3+s26+$0x0] =	vst.idx.msk vm0, v2  }
0x412: {  	s5 =	sadd.s32 $0x10, s5;
	v3 =	vld [tilespmem:s6+$0x0]  }
0x413: {  	_ =	sdelay $0x2  }
0x414: {  	v4 =	vmov s4  }
0x415: {  	v4 =	vshll.u32 v4, $0x3;
	v5 =	vshll.u32 v3, $0x9  }
0x416: {  	v4 =	vand.u32 $0xC00, v4;
	v6 =	vshll.u32 v3, $0x7;
	v5 =	vand.u32 $0xFFFFF000, v5  }
0x417: {  	v7 =	vor.u32 s4, v1;
	v62 =	vand.u32 $0x380, v6;
	v4 =	vor.u32 v4, v5  }
0x418: {  	v63 =	vand.u32 $0x7F, v7;
	v3 =	vand.u32 $0xFFFFFFC0, v3;
	v4 =	vor.u32 v62, v4  }
0x419: {  	vm0 =	veq.s32 v3, $0x380;
	v3 =	vor.u32 v63, v4  }
0x41a: {  	v3 =	vadd.s32 $0xFFF90000, v3;
	_ =	sdelay $0x2  }
0x41b: {  	s4 =	simm.s32 $0x0  }
0x41c: {  	s5 =	sand.u32 $0x70, s4;
	s6 =	sand.u32 $0xC00, s4  }
0x41d: {  	s5 =	sor.u32 s5, s6;
	[tilespmem:v3+s26+$0x0] =	vst.idx.msk vm0, v2  }
0x41e: {  	[hbm4b:s18+s23] =	stream.strided.scatter [tilespmem:s26], [sflag:$0x3], $0x8000, s24, s23, $0x38;
	[tilespmem:$0x1D200] =	vst v63  }
0x41f: {  	[tilespmem:s5+$0x18280] =	vst v0  }
0x420: {  	[tilespmem:s5+$0x18300] =	vst v0  }
0x421: {  	[tilespmem:s5+$0x18380] =	vst v0  }
0x422: {  	[tilespmem:s5+$0x18400] =	vst v0  }
0x423: {  	[tilespmem:s5+$0x18480] =	vst v0  }
0x424: {  	s7 =	simm.s32 $0x0;
	s8 =	sor.u32 s4, s4;
	s6 =	simm.s32 $0x10;
	[tilespmem:s5+$0x18500] =	vst v0  }
.LBB2_62:
0x425: {  	p0 =	sne.s32 s6, $0x1F0;
	[tilespmem:s5+$0x18200] =	vst v0;
	s8 =	sor.u32 $0x380, s8  }
0x426: {  	[tilespmem:s8+$0x18200] =	vst v0  }
0x427: {  	[tilespmem:s5+$0x19200] =	vst v0  }
0x428: {  	[tilespmem:s5+$0x19280] =	vst v0  }
0x429: {  	[tilespmem:s5+$0x19300] =	vst v0  }
0x42a: {  	[tilespmem:s5+$0x19380] =	vst v0  }
0x42b: {  	[tilespmem:s5+$0x19400] =	vst v0  }
0x42c: {  	[tilespmem:s5+$0x19480] =	vst v0  }
0x42d: {  	[tilespmem:s5+$0x19500] =	vst v0  }
0x42e: {  	[tilespmem:s5+$0x19580] =	vst v0  }
0x42f: {  	[tilespmem:s5+$0x1A200] =	vst v0  }
0x430: {  	[tilespmem:s5+$0x1A280] =	vst v0  }
0x431: {  	[tilespmem:s5+$0x1A300] =	vst v0  }
0x432: {  	[tilespmem:s5+$0x1A380] =	vst v0  }
0x433: {  	[tilespmem:s5+$0x1A400] =	vst v0  }
0x434: {  	[tilespmem:s5+$0x1A480] =	vst v0  }
0x435: {  	[tilespmem:s5+$0x1A500] =	vst v0  }
0x436: {  	[tilespmem:s5+$0x1A580] =	vst v0  }
0x437: {  	[tilespmem:s5+$0x1B200] =	vst v0  }
0x438: {  	[tilespmem:s5+$0x1B280] =	vst v0  }
0x439: {  	[tilespmem:s5+$0x1B300] =	vst v0  }
0x43a: {  	[tilespmem:s5+$0x1B380] =	vst v0  }
0x43b: {  	[tilespmem:s5+$0x1B400] =	vst v0  }
0x43c: {  	[tilespmem:s5+$0x1B480] =	vst v0  }
0x43d: {  	[tilespmem:s5+$0x1B500] =	vst v0  }
0x43e: {  	[tilespmem:s5+$0x1B580] =	vst v0  }
0x43f: {  	[tilespmem:s5+$0x1C200] =	vst v0  }
0x440: {  	[tilespmem:s5+$0x1C280] =	vst v0  }
0x441: {  	[tilespmem:s5+$0x1C300] =	vst v0  }
0x442: {  	[tilespmem:s5+$0x1C380] =	vst v0  }
0x443: {  	[tilespmem:s5+$0x1C400] =	vst v0  }
0x444: {  	s7 =	sadd.s32 $0x80, s7;
	[tilespmem:s5+$0x1C480] =	vst v0  }
0x445: {  	s8 =	sand.u32 $0x70, s6;
	s9 =	sand.u32 $0xC00, s7;
	[tilespmem:s5+$0x1C500] =	vst v0  }
0x446: {  	[tilespmem:s5+$0x1C580] =	vst v0;
	s5 =	sor.u32 s8, s9  }
0x447: {  	[tilespmem:s5+$0x18280] =	vst v0  }
.Ltmp30:
0x448: {  	[tilespmem:s5+$0x18300] =	vst v0;
	(pc) =	sbr.rel @p0 .LBB2_62-.Ltmp30, $4  }
0x449: {  	[tilespmem:s5+$0x18380] =	vst v0  }
0x44a: {  	[tilespmem:s5+$0x18400] =	vst v0  }
0x44b: {  	[tilespmem:s5+$0x18480] =	vst v0  }
0x44c: {  	s8 =	sor.u32 s7, s6;
	s6 =	sadd.s32 $0x10, s6;
	[tilespmem:s5+$0x18500] =	vst v0  }
0x44d: {  	[tilespmem:s5+$0x18200] =	vst v0;
	s6 =	sor.u32 $0x380, s8  }
0x44e: {  	[tilespmem:s6+$0x18200] =	vst v0  }
0x44f: {  	[tilespmem:s5+$0x19200] =	vst v0  }
0x450: {  	[tilespmem:s5+$0x19280] =	vst v0  }
0x451: {  	[tilespmem:s5+$0x19300] =	vst v0  }
0x452: {  	[tilespmem:s5+$0x19380] =	vst v0  }
0x453: {  	[tilespmem:s5+$0x19400] =	vst v0  }
0x454: {  	[tilespmem:s5+$0x19480] =	vst v0  }
0x455: {  	[tilespmem:s5+$0x19500] =	vst v0  }
0x456: {  	[tilespmem:s5+$0x19580] =	vst v0  }
0x457: {  	[tilespmem:s5+$0x1A200] =	vst v0  }
0x458: {  	[tilespmem:s5+$0x1A280] =	vst v0  }
0x459: {  	[tilespmem:s5+$0x1A300] =	vst v0  }
0x45a: {  	[tilespmem:s5+$0x1A380] =	vst v0  }
0x45b: {  	[tilespmem:s5+$0x1A400] =	vst v0  }
0x45c: {  	[tilespmem:s5+$0x1A480] =	vst v0  }
0x45d: {  	[tilespmem:s5+$0x1A500] =	vst v0  }
0x45e: {  	[tilespmem:s5+$0x1A580] =	vst v0  }
0x45f: {  	[tilespmem:s5+$0x1B200] =	vst v0  }
0x460: {  	[tilespmem:s5+$0x1B280] =	vst v0  }
0x461: {  	[tilespmem:s5+$0x1B300] =	vst v0  }
0x462: {  	[tilespmem:s5+$0x1B380] =	vst v0  }
0x463: {  	[tilespmem:s5+$0x1B400] =	vst v0  }
0x464: {  	[tilespmem:s5+$0x1B480] =	vst v0  }
0x465: {  	[tilespmem:s5+$0x1B500] =	vst v0  }
0x466: {  	[tilespmem:s5+$0x1B580] =	vst v0  }
0x467: {  	[tilespmem:s5+$0x1C200] =	vst v0  }
0x468: {  	[tilespmem:s5+$0x1C280] =	vst v0  }
0x469: {  	[tilespmem:s5+$0x1C300] =	vst v0  }
0x46a: {  	[tilespmem:s5+$0x1C380] =	vst v0  }
0x46b: {  	[tilespmem:s5+$0x1C400] =	vst v0  }
0x46c: {  	[tilespmem:s5+$0x1C480] =	vst v0  }
0x46d: {  	[tilespmem:s5+$0x1C500] =	vst v0  }
0x46e: {  	[tilespmem:s5+$0x1C580] =	vst v0  }
0x46f: {  	s6 =	simm.s32 $0x0;
	s5 =	simm.s32 $0x10;
	v3 =	vld [tilespmem:s4+$0x0]  }
.LBB2_64:
0x470: {  	p0 =	sne.s32 s5, $0x1F0;
	_ =	sdelay $0x2  }
0x471: {  	v4 =	vmov s4  }
0x472: {  	v4 =	vshll.u32 v4, $0x3;
	v5 =	vshll.u32 v3, $0x9  }
0x473: {  	v4 =	vand.u32 $0xC00, v4;
	v6 =	vshll.u32 v3, $0x7;
	v5 =	vand.u32 $0xFFFFF000, v5  }
0x474: {  	v7 =	vor.u32 s4, v1;
	s4 =	smov.u32 s5;
	v4 =	vor.u32 v4, v5;
	v5 =	vand.u32 $0x380, v6  }
0x475: {  	v3 =	vadd.s32 $0xFFFFFC40, v3;
	v6 =	vand.u32 $0x7F, v7;
	v4 =	vor.u32 v5, v4  }
0x476: {  	vm0 =	vlt.u32 v3, $0x28;
	v3 =	vor.u32 v6, v4  }
0x477: {  	v3 =	vadd.s32 $0xFFF88000, v3;
	_ =	sdelay $0x1  }
.Ltmp31:
0x478: {  	(pc) =	sbr.rel @p0 .LBB2_64-.Ltmp31, $3  }
0x479: {  	_ =	sdelay $0x1  }
0x47a: {  	s6 =	sadd.s32 $0x10, s6;
	[tilespmem:v3+s31+$0x0] =	vst.idx.msk vm0, v2  }
0x47b: {  	s5 =	sadd.s32 $0x10, s5;
	v3 =	vld [tilespmem:s6+$0x0]  }
0x47c: {  	_ =	sdelay $0x2  }
0x47d: {  	v4 =	vmov s4  }
0x47e: {  	v4 =	vshll.u32 v4, $0x3;
	v5 =	vshll.u32 v3, $0x9  }
0x47f: {  	v4 =	vand.u32 $0xC00, v4;
	v6 =	vshll.u32 v3, $0x7;
	v5 =	vand.u32 $0xFFFFF000, v5  }
0x480: {  	v7 =	vor.u32 s4, v1;
	v62 =	vand.u32 $0x380, v6;
	v4 =	vor.u32 v4, v5  }
0x481: {  	v63 =	vand.u32 $0x7F, v7;
	v3 =	vadd.s32 $0xFFFFFC40, v3;
	v4 =	vor.u32 v62, v4  }
0x482: {  	vm0 =	vlt.u32 v3, $0x28;
	v3 =	vor.u32 v63, v4  }
0x483: {  	v3 =	vadd.s32 $0xFFF88000, v3;
	_ =	sdelay $0x4  }
0x484: {  	[tilespmem:v3+s31+$0x0] =	vst.idx.msk vm0, v2  }
0x485: {  	[hbm4b:s19+s23] =	stream.strided.scatter [tilespmem:s31], [sflag:$0x4], $0x5000, s24, s23, $0x38;
	[tilespmem:$0x1D200] =	vst v63  }
0x486: {  	_ =	swait.ge [sflag:s28], $0x8000  }
0x487: {  	[sflag:s28] =	ssyncset.done $0x0  }
0x488: {  	[sflag:s28] =	ssyncadd.s32 $0xFFFF8000  }
0x489: {  	_ =	swait.ge [sflag:s29], $0x8000  }
0x48a: {  	[sflag:s29] =	ssyncset.done $0x0  }
0x48b: {  	s1 =	sadd.s32 $0x1, s1;
	[sflag:s29] =	ssyncadd.s32 $0xFFFF8000  }
0x48c: {  	p0 =	sne.s32 s1, s20;
	_ =	swait.ge [sflag:s30], $0x8000  }
.Ltmp32:
0x48d: {  	[sflag:s30] =	ssyncset.done $0x0;
	(pc) =	sbr.rel @p0 .LBB2_1-.Ltmp32, $4  }
0x48e: {  	[sflag:s30] =	ssyncadd.s32 $0xFFFF8000  }
0x48f: {  	_ =	swait.ge [sflag:s0], $0x5000  }
0x490: {  	[sflag:s0] =	ssyncset.done $0x0  }
0x491: {  	[sflag:s0] =	ssyncadd.s32 $0xFFFFB000  }
0x492: {  	_ =	sfence.sel $0x180000  }
0x493: {  	[bflag:$0x0] =	sbarrier.arrive $0xFFFF  }
0x494: {  	_ =	strace $0x90000047  }
0x495: {  	s0 =	stileid.u32;
	[bflag:$0x2] =	sbarrier.arrive $0xFFFF  }
0x496: {  	p0 =	sne.s32 s0, $0x0;
	s0 =	rddreg [dreg:$0x2]  }
0x497: {  	s0 =	sadd.s32 @!p0 $0x100000, s0  }
0x498: {  	[sflag:s0] =	ssyncadd.tile.s32 @!p0 $0x1;
	_ =	shalt  }
.Lfunc_end2:
_tile_overlayer_lowered:
.L_overlay_start_2:
0x499: {  	(tag) =	ssettag $0x2  }
0x49a: {  	s0 =	rddreg [dreg:$0x0];
	s2 =	stileid.u32  }
0x49b: {  	s1 =	rddreg [dreg:$0x1];
	p0 =	sne.s32 s2, $0x0  }
0x49c: {  	s3 =	rddreg [dreg:$0x2];
	[bflag:$0x3] =	sbarrier.arrive $0xFFFF;
	s2 =	simm.s32 @!p0 $0x1C05  }
0x49d: {  	[timem:s3], [sflag:s2] =	dma.local @!p0 [hbm:s0], s1  }
0x49e: {  	s0 =	simm.s32 @!p0 $0x5  }
0x49f: {  	_ =	swait.ge @!p0 [sflag:s0], s1  }
0x4a0: {  	s1 =	ssub.s32 @!p0 $0x0, s1;
	[sflag:s0] =	ssyncset.done @!p0 $0x0  }
0x4a1: {  	[sflag:s0] =	ssyncadd.s32 @!p0 s1  }
0x4a2: {  	[bflag:$0x3] =	sbarrier.arrive $0xFFFF  }
0x4a3: {  	_ =	shalt  }

</sc_bundles>
